<compile_context>
chip_gen: v7x
topology: tpu7x:2x2x1
jax: 0.10.2.dev20260603
libtpu: 0.0.44.dev20260713+nightly
codegen_flags: <defaults>
</compile_context>

<pallas_src>
import functools

import jax
import jax.numpy as jnp
from jax import lax
from jax.experimental import pallas as pl
from jax.experimental.pallas import tpu as pltpu
from jax.experimental.pallas import tpu_sc as plsc

VOCAB_PAD = 1024
ROW_PITCH = 64
NC = 2
NS = 16
NW = NC * NS
LANES = 16


def _mesh():
    return plsc.VectorSubcoreMesh(
        core_axis_name="c", subcore_axis_name="s",
        num_cores=NC, num_subcores=NS)


def _worker_id():
    return lax.axis_index("s") * NC + lax.axis_index("c")


@functools.lru_cache(maxsize=None)
def _hist_kernel(bw: int):

    @functools.partial(
        pl.kernel,
        out_type=jax.ShapeDtypeStruct((NW, VOCAB_PAD), jnp.float32),
        mesh=_mesh(),
        scratch_types=[
            pltpu.VMEM((bw,), jnp.int32),
            pltpu.VMEM((VOCAB_PAD,), jnp.float32),
        ],
        compiler_params=pltpu.CompilerParams(needs_layout_passes=False),
    )
    def hist(idx_hbm, out_hbm, idx_v, cnt_v):
        wid = _worker_id()
        pltpu.sync_copy(idx_hbm.at[pl.ds(wid * bw, bw)], idx_v)

        def zero_body(i, carry):
            cnt_v[pl.ds(i * LANES, LANES)] = jnp.zeros((LANES,), jnp.float32)
            return carry
        lax.fori_loop(0, VOCAB_PAD // LANES, zero_body, 0)

        ones = jnp.ones((LANES,), jnp.float32)

        @plsc.parallel_loop(0, bw // LANES, step=1, unroll=8)
        def _(i):
            iv = idx_v[pl.ds(i * LANES, LANES)]
            plsc.addupdate_scatter(cnt_v, [iv], ones)

        pltpu.sync_copy(cnt_v, out_hbm.at[wid])

    return hist


@functools.lru_cache(maxsize=None)
def _norm_kernel(d: int, n_elems: float):

    def body(cnt_ref, tab_t_ref, tab_p_ref, out_ref):
        cnt = jnp.sum(cnt_ref[...], axis=0, keepdims=True)
        tab_t = tab_t_ref[...]
        row_sum = jnp.sum(tab_t, axis=0, keepdims=True)
        row_sumsq = jnp.sum(tab_t * tab_t, axis=0, keepdims=True)
        s = jnp.sum(cnt * row_sum)
        q = jnp.sum(cnt * row_sumsq)
        mean = s / n_elems
        var = (q - s * mean) / (n_elems - 1.0)
        scale = lax.rsqrt(var) * (1.0 / 6.0)
        out_ref[...] = jnp.clip(
            (tab_p_ref[...] - mean) * scale + 0.5, 0.0, 1.0)

    return pl.pallas_call(
        body,
        out_shape=jax.ShapeDtypeStruct((VOCAB_PAD, ROW_PITCH), jnp.float32),
    )


@functools.lru_cache(maxsize=None)
def _gather_t_kernel(nb: int, nh: int, d: int):
    ngr = nh * nb // 128
    gpw = ngr // NW
    nbb = nb // 128
    dt = d // 8

    @functools.partial(
        pl.kernel,
        out_type=jax.ShapeDtypeStruct((nh, dt, nbb, 8, 128), jnp.float32),
        mesh=_mesh(),
        scratch_types=[
            pltpu.VMEM((2, 1, 128), jnp.int32),
            pltpu.VMEM((2, 128, ROW_PITCH), jnp.float32),
            pltpu.VMEM((128 * 73,), jnp.float32),
            pltpu.VMEM((2, dt, 8, 128), jnp.float32),
            pltpu.VMEM_SHARED((VOCAB_PAD, ROW_PITCH), jnp.float32),
            pltpu.SemaphoreType.DMA,
            pltpu.SemaphoreType.DMA,
            pltpu.SemaphoreType.DMA,
        ],
        compiler_params=pltpu.CompilerParams(
            needs_layout_passes=False, use_tc_tiling_on_sc=False),
    )
    def gather(ntab_hbm, idx_hbm, out_hbm, idx_v, rows_v, rows_o, rowst_v,
               ntab_sh, isem, gsem, osem):
        wid = _worker_id()
        g0 = wid * gpw

        @pl.when(lax.axis_index("s") == 0)
        def _():
            pltpu.sync_copy(ntab_hbm, ntab_sh)
        plsc.subcore_barrier()
        iota = lax.iota(jnp.int32, 16)
        rowv73 = [(iota + k * 16) * 73 for k in range(8)]

        def idx_copy(i, b):
            return pltpu.async_copy(
                idx_hbm.at[pl.ds(g0 + i, 1)], idx_v.at[b], isem)

        def wait_idx(i, b):
            pltpu.make_async_copy(
                idx_hbm.at[pl.ds(g0 + i, 1)], idx_v.at[b], isem).wait()

        def fire_gather(b):
            pltpu.async_copy(
                ntab_sh.at[idx_v.at[b].at[0]], rows_v.at[b], gsem)

        def wait_gather(b):
            pltpu.make_async_copy(
                ntab_sh.at[idx_v.at[b].at[0]], rows_v.at[b], gsem).wait()

        def grp_hb(g):
            h = (g // (nbb * 8)) * 8 + lax.rem(g, 8)
            bb = lax.rem(g // 8, nbb)
            return h, bb

        def out_store(i, b):
            h, bb = grp_hb(g0 + i)
            return pltpu.async_copy(
                rowst_v.at[b], out_hbm.at[h, :, bb], osem)

        def wait_out_store(i, b):
            h, bb = grp_hb(g0 + i)
            pltpu.make_async_copy(
                rowst_v.at[b], out_hbm.at[h, :, bb], osem).wait()

        def transpose(b):
            src = rows_v.at[b]

            @plsc.parallel_loop(0, 128, step=1, unroll=8)
            def _(r):
                for k in range(4):
                    rows_o[pl.ds(r * 73 + k * 16, 16)] = (
                        src[r, pl.ds(k * 16, 16)])

            @plsc.parallel_loop(0, d, step=1, unroll=4)
            def _(dd):
                dt_i = dd // 8
                di_i = lax.rem(dd, 8)
                for k in range(8):
                    vals = plsc.load_gather(rows_o, [rowv73[k] + dd])
                    rowst_v[b, dt_i, di_i, pl.ds(k * 16, 16)] = vals

        idx_copy(0, 0).wait()
        fire_gather(0)
        idx_copy(1, 1)

        def pipe(i2, carry):
            for b in range(2):
                other = 1 - b
                i = i2 * 2 + b
                wait_gather(b)

                @pl.when(i + 1 < gpw)
                def _():
                    wait_idx(i + 1, other)
                    fire_gather(other)

                    @pl.when(i + 2 < gpw)
                    def _():
                        idx_copy(i + 2, b)

                @pl.when(i >= 2)
                def _():
                    wait_out_store(i - 2, b)
                transpose(b)
                out_store(i, b)
            return carry

        lax.fori_loop(0, gpw // 2, pipe, 0)
        wait_out_store(gpw - 2, 0)
        wait_out_store(gpw - 1, 1)

    return gather


def kernel(x, table):
    nb, nh = x.shape
    v, d = table.shape
    bt = nb * nh
    bw = bt // NW
    xt = (jnp.transpose(x).astype(jnp.int32)
          .reshape(nh // 8, 8, nb // 128, 128)
          .transpose(0, 2, 1, 3)
          .reshape(nh * nb // 128, 128))
    xt_flat = xt.reshape(bt)
    tab_pad = jnp.pad(table, ((0, VOCAB_PAD - v), (0, 0)))
    tab_p = jnp.pad(tab_pad, ((0, 0), (0, ROW_PITCH - d))) if ROW_PITCH > d else tab_pad
    counts = _hist_kernel(bw)(xt_flat)
    ntab = _norm_kernel(d, float(bt) * d)(counts, tab_pad.T, tab_p)
    out5 = _gather_t_kernel(nb, nh, d)(ntab, xt)
    return jnp.transpose(out5, (2, 4, 0, 1, 3)).reshape(nb, nh, d)

# --- scband reference (transcript-rebuilt; emitter-appended) ---
"""Pipeline reference for scband-text-embedding-46325517255225 (READ-ONLY COPY).

The authoritative reference and input builder live on the scoring server;
editing this copy changes nothing except your own understanding.
"""

import jax, jax.numpy as jnp
import numpy as np

VOCAB = 1000
EMBED_DIM = 64
BATCH = 16384
HIST = 200

def setup_inputs(seed: int = 0) -> dict:
    key = jax.random.key(seed)
    k_idx, k_tab = jax.random.split(key)
    x = jax.random.randint(k_idx, (BATCH, HIST), 0, VOCAB, dtype=jnp.int64 if jax.config.jax_enable_x64 else jnp.int32)
    table = jax.random.normal(k_tab, (VOCAB, EMBED_DIM), dtype=jnp.float32)
    return {"x": x, "table": table}

def reference(x, table):
    # emb = self.embedding(x)
    emb = jnp.take(table, x, axis=0)
    # global mean / unbiased variance (torch.mean / torch.var default unbiased=True)
    mean_value = jnp.mean(emb)
    variance_value = jnp.var(emb, ddof=1)
    out = jnp.clip((emb - mean_value) / 6.0 / jnp.sqrt(variance_value) + 0.5, 0.0, 1.0)
    return out

if __name__ == "__main__":
    import jax
    _d = setup_inputs()
    print(jax.jit(kernel)(*tuple(_d.values())))

</pallas_src>

<mosaic_0001>
#map = affine_map<(d0, d1) -> (0)>
#map1 = affine_map<(d0, d1) -> (0, 0)>
module attributes {stable_mosaic.version = 14 : i64} {
  func.func @hist(%arg0: i32, %arg1: i32, %arg2: memref<3276800xi32, #tpu.memory_space<hbm>>, %arg3: memref<32x1024xf32, #tpu.memory_space<hbm>>, %arg4: memref<102400xi32, #tpu.memory_space<vmem>>, %arg5: memref<1024xf32, #tpu.memory_space<vmem>>) attributes {dimension_semantics = [#tpu.dimension_semantics<core_parallel>, #tpu.dimension_semantics<subcore_parallel>], iteration_bounds = array<i64: 2, 16>, scalar_prefetch = 0 : i64, scratch_operands = 2 : i64, tpu.core_type = #tpu.core_type<sc_vector_subcore>, window_params = [{transform_indices = #map}, {transform_indices = #map1}]} {
    %mul3A = arith.constant 2 : i32
    %mul3A_0 = arith.muli %arg1, %mul3A : i32
    %add3A = arith.addi %mul3A_0, %arg0 : i32
    %mul3A_1 = arith.constant 102400 : i32
    %mul3A_2 = arith.muli %add3A, %mul3A_1 : i32
    "tpu.region"() ({
      %run_scoped3A = tpu.sem_alloc : memref<!tpu.dma_semaphore, #tpu.memory_space<semaphore_mem>>
      %dma_start3A = tpu.memref_slice %arg2[%mul3A_2] : memref<3276800xi32, #tpu.memory_space<hbm>> -> memref<102400xi32, #tpu.memory_space<hbm>>
      %dma_start3A_11 = tpu.memref_slice %arg2[%mul3A_2] : memref<3276800xi32, #tpu.memory_space<hbm>> -> memref<102400xi32, #tpu.memory_space<hbm>>
      tpu.enqueue_dma source(%dma_start3A_11 : memref<102400xi32, #tpu.memory_space<hbm>>) target(%arg4 : memref<102400xi32, #tpu.memory_space<vmem>>) target_semaphore(%run_scoped3A : memref<!tpu.dma_semaphore, #tpu.memory_space<semaphore_mem>>)
      %dma_wait3A = tpu.memref_slice %arg2[%mul3A_2] : memref<3276800xi32, #tpu.memory_space<hbm>> -> memref<102400xi32, #tpu.memory_space<hbm>>
      %dma_wait3A_12 = tpu.memref_slice %arg2[%mul3A_2] : memref<3276800xi32, #tpu.memory_space<hbm>> -> memref<102400xi32, #tpu.memory_space<hbm>>
      tpu.wait_dma2 semaphore(%run_scoped3A : memref<!tpu.dma_semaphore, #tpu.memory_space<semaphore_mem>>) src(%dma_wait3A_12 : memref<102400xi32, #tpu.memory_space<hbm>>) dst(%arg4 : memref<102400xi32, #tpu.memory_space<vmem>>)
      tpu.yield
    }) : () -> ()
    %scan3A = arith.constant 0 : i32
    %scan3A_3 = arith.constant 0 : i32
    %scan3A_4 = arith.constant 64 : i32
    %scan3A_5 = arith.addi %scan3A_3, %scan3A_4 : i32
    %scan3A_6 = arith.constant 1 : i32
    scf.for %scan3A_11 = %scan3A_3 to %scan3A_5 step %scan3A_6  : i32 {
      %broadcast_in_dim3A_12 = arith.constant 0.000000e+00 : f32
      %broadcast_in_dim3A_13 = vector.broadcast %broadcast_in_dim3A_12 : f32 to vector<16xf32>
      %mul3A_14 = arith.constant 16 : i32
      %mul3A_15 = arith.muli %scan3A_11, %mul3A_14 : i32
      %swap3A = arith.index_cast %mul3A_15 : i32 to index
      %swap3A_16 = tpu.vector_load %arg5[%swap3A] {strides = array<i32>} : memref<1024xf32, #tpu.memory_space<vmem>>, vector<16xf32>,
      tpu.vector_store %arg5[%swap3A], %broadcast_in_dim3A_13 {strides = array<i32>} : memref<1024xf32, #tpu.memory_space<vmem>>, vector<16xf32>,
    }
    %scan3A_7 = arith.constant 64 : i32
    %broadcast_in_dim3A = arith.constant 1.000000e+00 : f32
    %broadcast_in_dim3A_8 = vector.broadcast %broadcast_in_dim3A : f32 to vector<16xf32>
    %parallel_loop3A = arith.constant 0 : i32
    %parallel_loop3A_9 = arith.constant 6400 : i32
    %parallel_loop3A_10 = arith.constant 1 : i32
    scf.for %parallel_loop3A_11 = %parallel_loop3A to %parallel_loop3A_9 step %parallel_loop3A_10  : i32 {
      %parallel_loop3A_12 = arith.constant 16 : i32
      %parallel_loop3A_13 = arith.muli %parallel_loop3A_11, %parallel_loop3A_12 : i32
      %parallel_loop3A_14 = arith.index_cast %parallel_loop3A_13 : i32 to index
      %parallel_loop3A_15 = tpu.vector_load %arg4[%parallel_loop3A_14] {strides = array<i32>} : memref<102400xi32, #tpu.memory_space<vmem>>, vector<16xi32>,
      tpu.vector_store_idx %arg5[%parallel_loop3A_15], %broadcast_in_dim3A_8 {add = true} : memref<1024xf32, #tpu.memory_space<vmem>>[vector<16xi32>], vector<16xf32>,
    } {sc.loop_unroll_factor = 8 : i64, sc.parallel_access}
    "tpu.region"() ({
      %run_scoped3A = tpu.sem_alloc : memref<!tpu.dma_semaphore, #tpu.memory_space<semaphore_mem>>
      %dma_start3A = arith.constant 0 : i32
      %dma_start3A_11 = tpu.memref_slice %arg3[%add3A, %dma_start3A] : memref<32x1024xf32, #tpu.memory_space<hbm>> -> memref<1x1024xf32, #tpu.memory_space<hbm>>
      %dma_start3A_12 = tpu.memref_squeeze %dma_start3A_11 : memref<1x1024xf32, #tpu.memory_space<hbm>> -> memref<1024xf32, #tpu.memory_space<hbm>>
      %dma_start3A_13 = arith.constant 0 : i32
      %dma_start3A_14 = tpu.memref_slice %arg3[%add3A, %dma_start3A_13] : memref<32x1024xf32, #tpu.memory_space<hbm>> -> memref<1x1024xf32, #tpu.memory_space<hbm>>
      %dma_start3A_15 = tpu.memref_squeeze %dma_start3A_14 : memref<1x1024xf32, #tpu.memory_space<hbm>> -> memref<1024xf32, #tpu.memory_space<hbm>>
      tpu.enqueue_dma source(%arg5 : memref<1024xf32, #tpu.memory_space<vmem>>) target(%dma_start3A_15 : memref<1024xf32, #tpu.memory_space<hbm>>) target_semaphore(%run_scoped3A : memref<!tpu.dma_semaphore, #tpu.memory_space<semaphore_mem>>)
      %dma_wait3A = arith.constant 0 : i32
      %dma_wait3A_16 = tpu.memref_slice %arg3[%add3A, %dma_wait3A] : memref<32x1024xf32, #tpu.memory_space<hbm>> -> memref<1x1024xf32, #tpu.memory_space<hbm>>
      %dma_wait3A_17 = tpu.memref_squeeze %dma_wait3A_16 : memref<1x1024xf32, #tpu.memory_space<hbm>> -> memref<1024xf32, #tpu.memory_space<hbm>>
      %dma_wait3A_18 = arith.constant 0 : i32
      %dma_wait3A_19 = tpu.memref_slice %arg3[%add3A, %dma_wait3A_18] : memref<32x1024xf32, #tpu.memory_space<hbm>> -> memref<1x1024xf32, #tpu.memory_space<hbm>>
      %dma_wait3A_20 = tpu.memref_squeeze %dma_wait3A_19 : memref<1x1024xf32, #tpu.memory_space<hbm>> -> memref<1024xf32, #tpu.memory_space<hbm>>
      tpu.wait_dma2 semaphore(%run_scoped3A : memref<!tpu.dma_semaphore, #tpu.memory_space<semaphore_mem>>) src(%arg5 : memref<1024xf32, #tpu.memory_space<vmem>>) dst(%dma_wait3A_20 : memref<1024xf32, #tpu.memory_space<hbm>>)
      tpu.yield
    }) : () -> ()
    return
  }
}

#map = affine_map<(d0, d1) -> (0, 0)>
#map1 = affine_map<(d0, d1) -> (0, 0, 0, 0, 0)>
module attributes {stable_mosaic.version = 14 : i64} {
  func.func @gather(%arg0: i32, %arg1: i32, %arg2: memref<1024x64xf32, #tpu.memory_space<hbm>>, %arg3: memref<25600x128xi32, #tpu.memory_space<hbm>>, %arg4: memref<200x8x128x8x128xf32, #tpu.memory_space<hbm>>, %arg5: memref<2x1x128xi32, #tpu.memory_space<vmem>>, %arg6: memref<2x128x64xf32, #tpu.memory_space<vmem>>, %arg7: memref<9344xf32, #tpu.memory_space<vmem>>, %arg8: memref<2x8x8x128xf32, #tpu.memory_space<vmem>>, %arg9: memref<1024x64xf32, #tpu.memory_space<vmem_shared>>, %arg10: memref<!tpu.dma_semaphore, #tpu.memory_space<semaphore_mem>>, %arg11: memref<!tpu.dma_semaphore, #tpu.memory_space<semaphore_mem>>, %arg12: memref<!tpu.dma_semaphore, #tpu.memory_space<semaphore_mem>>) attributes {dimension_semantics = [#tpu.dimension_semantics<core_parallel>, #tpu.dimension_semantics<subcore_parallel>], iteration_bounds = array<i64: 2, 16>, scalar_prefetch = 0 : i64, scratch_operands = 8 : i64, tpu.core_type = #tpu.core_type<sc_vector_subcore>, window_params = [{transform_indices = #map}, {transform_indices = #map}, {transform_indices = #map1}]} {
    %mul3A = arith.constant 2 : i32
    %mul3A_0 = arith.muli %arg1, %mul3A : i32
    %add3A = arith.addi %mul3A_0, %arg0 : i32
    %mul3A_1 = arith.constant 800 : i32
    %mul3A_2 = arith.muli %add3A, %mul3A_1 : i32
    %eq3A = arith.constant 0 : i32
    %eq3A_3 = arith.cmpi eq, %arg1, %eq3A : i32
    %convert_element_type3A = arith.extui %eq3A_3 : i1 to i32
    %cond3A = arith.constant 0 : i32
    %cond3A_4 = arith.cmpi ne, %convert_element_type3A, %cond3A : i32
    scf.if %cond3A_4 {
      "tpu.region"() ({
        %run_scoped3A = tpu.sem_alloc : memref<!tpu.dma_semaphore, #tpu.memory_space<semaphore_mem>>
        tpu.enqueue_dma source(%arg2 : memref<1024x64xf32, #tpu.memory_space<hbm>>) target(%arg9 : memref<1024x64xf32, #tpu.memory_space<vmem_shared>>) target_semaphore(%run_scoped3A : memref<!tpu.dma_semaphore, #tpu.memory_space<semaphore_mem>>)
        tpu.wait_dma2 semaphore(%run_scoped3A : memref<!tpu.dma_semaphore, #tpu.memory_space<semaphore_mem>>) src(%arg2 : memref<1024x64xf32, #tpu.memory_space<hbm>>) dst(%arg9 : memref<1024x64xf32, #tpu.memory_space<vmem_shared>>)
        tpu.yield
      }) : () -> ()
    } else {
    }
    %barrier3A = arith.constant 0 : index
    tpu.barrier barrier_id(%barrier3A)
    %iota3A = tpu.iota {dimensions = array<i32: 0>} : vector<16xi32>
    %add3A_5 = arith.constant 0 : i32
    %add3A_6 = vector.broadcast %add3A_5 : i32 to vector<16xi32>
    %add3A_7 = arith.addi %iota3A, %add3A_6 : vector<16xi32>
    %mul3A_8 = arith.constant 73 : i32
    %mul3A_9 = vector.broadcast %mul3A_8 : i32 to vector<16xi32>
    %mul3A_10 = arith.muli %add3A_7, %mul3A_9 : vector<16xi32>
    %add3A_11 = arith.constant 16 : i32
    %add3A_12 = vector.broadcast %add3A_11 : i32 to vector<16xi32>
    %add3A_13 = arith.addi %iota3A, %add3A_12 : vector<16xi32>
    %mul3A_14 = arith.constant 73 : i32
    %mul3A_15 = vector.broadcast %mul3A_14 : i32 to vector<16xi32>
    %mul3A_16 = arith.muli %add3A_13, %mul3A_15 : vector<16xi32>
    %add3A_17 = arith.constant 32 : i32
    %add3A_18 = vector.broadcast %add3A_17 : i32 to vector<16xi32>
    %add3A_19 = arith.addi %iota3A, %add3A_18 : vector<16xi32>
    %mul3A_20 = arith.constant 73 : i32
    %mul3A_21 = vector.broadcast %mul3A_20 : i32 to vector<16xi32>
    %mul3A_22 = arith.muli %add3A_19, %mul3A_21 : vector<16xi32>
    %add3A_23 = arith.constant 48 : i32
    %add3A_24 = vector.broadcast %add3A_23 : i32 to vector<16xi32>
    %add3A_25 = arith.addi %iota3A, %add3A_24 : vector<16xi32>
    %mul3A_26 = arith.constant 73 : i32
    %mul3A_27 = vector.broadcast %mul3A_26 : i32 to vector<16xi32>
    %mul3A_28 = arith.muli %add3A_25, %mul3A_27 : vector<16xi32>
    %add3A_29 = arith.constant 64 : i32
    %add3A_30 = vector.broadcast %add3A_29 : i32 to vector<16xi32>
    %add3A_31 = arith.addi %iota3A, %add3A_30 : vector<16xi32>
    %mul3A_32 = arith.constant 73 : i32
    %mul3A_33 = vector.broadcast %mul3A_32 : i32 to vector<16xi32>
    %mul3A_34 = arith.muli %add3A_31, %mul3A_33 : vector<16xi32>
    %add3A_35 = arith.constant 80 : i32
    %add3A_36 = vector.broadcast %add3A_35 : i32 to vector<16xi32>
    %add3A_37 = arith.addi %iota3A, %add3A_36 : vector<16xi32>
    %mul3A_38 = arith.constant 73 : i32
    %mul3A_39 = vector.broadcast %mul3A_38 : i32 to vector<16xi32>
    %mul3A_40 = arith.muli %add3A_37, %mul3A_39 : vector<16xi32>
    %add3A_41 = arith.constant 96 : i32
    %add3A_42 = vector.broadcast %add3A_41 : i32 to vector<16xi32>
    %add3A_43 = arith.addi %iota3A, %add3A_42 : vector<16xi32>
    %mul3A_44 = arith.constant 73 : i32
    %mul3A_45 = vector.broadcast %mul3A_44 : i32 to vector<16xi32>
    %mul3A_46 = arith.muli %add3A_43, %mul3A_45 : vector<16xi32>
    %add3A_47 = arith.constant 112 : i32
    %add3A_48 = vector.broadcast %add3A_47 : i32 to vector<16xi32>
    %add3A_49 = arith.addi %iota3A, %add3A_48 : vector<16xi32>
    %mul3A_50 = arith.constant 73 : i32
    %mul3A_51 = vector.broadcast %mul3A_50 : i32 to vector<16xi32>
    %mul3A_52 = arith.muli %add3A_49, %mul3A_51 : vector<16xi32>
    %add3A_53 = arith.constant 0 : i32
    %add3A_54 = arith.addi %mul3A_2, %add3A_53 : i32
    %dma_start3A = arith.constant 0 : i32
    %dma_start3A_55 = arith.constant 0 : i32
    %dma_start3A_56 = arith.constant 0 : i32
    %dma_start3A_57 = tpu.memref_slice %arg5[%dma_start3A, %dma_start3A_55, %dma_start3A_56] : memref<2x1x128xi32, #tpu.memory_space<vmem>> -> memref<1x1x128xi32, #tpu.memory_space<vmem>>
    %dma_start3A_58 = tpu.memref_squeeze %dma_start3A_57 : memref<1x1x128xi32, #tpu.memory_space<vmem>> -> memref<1x128xi32, #tpu.memory_space<vmem>>
    %dma_start3A_59 = arith.constant 0 : i32
    %dma_start3A_60 = tpu.memref_slice %arg3[%add3A_54, %dma_start3A_59] : memref<25600x128xi32, #tpu.memory_space<hbm>> -> memref<1x128xi32, #tpu.memory_space<hbm>>
    %dma_start3A_61 = arith.constant 0 : i32
    %dma_start3A_62 = arith.constant 0 : i32
    %dma_start3A_63 = tpu.memref_slice %arg5[%dma_start3A, %dma_start3A_61, %dma_start3A_62] : memref<2x1x128xi32, #tpu.memory_space<vmem>> -> memref<1x1x128xi32, #tpu.memory_space<vmem>>
    %dma_start3A_64 = tpu.memref_squeeze %dma_start3A_63 : memref<1x1x128xi32, #tpu.memory_space<vmem>> -> memref<1x128xi32, #tpu.memory_space<vmem>>
    %dma_start3A_65 = arith.constant 0 : i32
    %dma_start3A_66 = tpu.memref_slice %arg3[%add3A_54, %dma_start3A_65] : memref<25600x128xi32, #tpu.memory_space<hbm>> -> memref<1x128xi32, #tpu.memory_space<hbm>>
    tpu.enqueue_dma source(%dma_start3A_66 : memref<1x128xi32, #tpu.memory_space<hbm>>) target(%dma_start3A_64 : memref<1x128xi32, #tpu.memory_space<vmem>>) target_semaphore(%arg10 : memref<!tpu.dma_semaphore, #tpu.memory_space<semaphore_mem>>)
    %dma_wait3A = arith.constant 0 : i32
    %dma_wait3A_67 = arith.constant 0 : i32
    %dma_wait3A_68 = arith.constant 0 : i32
    %dma_wait3A_69 = tpu.memref_slice %arg5[%dma_wait3A, %dma_wait3A_67, %dma_wait3A_68] : memref<2x1x128xi32, #tpu.memory_space<vmem>> -> memref<1x1x128xi32, #tpu.memory_space<vmem>>
    %dma_wait3A_70 = tpu.memref_squeeze %dma_wait3A_69 : memref<1x1x128xi32, #tpu.memory_space<vmem>> -> memref<1x128xi32, #tpu.memory_space<vmem>>
    %dma_wait3A_71 = arith.constant 0 : i32
    %dma_wait3A_72 = tpu.memref_slice %arg3[%add3A_54, %dma_wait3A_71] : memref<25600x128xi32, #tpu.memory_space<hbm>> -> memref<1x128xi32, #tpu.memory_space<hbm>>
    %dma_wait3A_73 = arith.constant 0 : i32
    %dma_wait3A_74 = arith.constant 0 : i32
    %dma_wait3A_75 = tpu.memref_slice %arg5[%dma_wait3A, %dma_wait3A_73, %dma_wait3A_74] : memref<2x1x128xi32, #tpu.memory_space<vmem>> -> memref<1x1x128xi32, #tpu.memory_space<vmem>>
    %dma_wait3A_76 = tpu.memref_squeeze %dma_wait3A_75 : memref<1x1x128xi32, #tpu.memory_space<vmem>> -> memref<1x128xi32, #tpu.memory_space<vmem>>
    %dma_wait3A_77 = arith.constant 0 : i32
    %dma_wait3A_78 = tpu.memref_slice %arg3[%add3A_54, %dma_wait3A_77] : memref<25600x128xi32, #tpu.memory_space<hbm>> -> memref<1x128xi32, #tpu.memory_space<hbm>>
    tpu.wait_dma2 semaphore(%arg10 : memref<!tpu.dma_semaphore, #tpu.memory_space<semaphore_mem>>) src(%dma_wait3A_78 : memref<1x128xi32, #tpu.memory_space<hbm>>) dst(%dma_wait3A_76 : memref<1x128xi32, #tpu.memory_space<vmem>>)
    %dma_start3A_79 = arith.constant 0 : i32
    %dma_start3A_80 = arith.constant 0 : i32
    %dma_start3A_81 = arith.constant 0 : i32
    %dma_start3A_82 = arith.constant 0 : i32
    %dma_start3A_83 = arith.constant 0 : i32
    %dma_start3A_84 = tpu.memref_slice %arg6[%dma_start3A_81, %dma_start3A_82, %dma_start3A_83] : memref<2x128x64xf32, #tpu.memory_space<vmem>> -> memref<1x128x64xf32, #tpu.memory_space<vmem>>
    %dma_start3A_85 = tpu.memref_squeeze %dma_start3A_84 : memref<1x128x64xf32, #tpu.memory_space<vmem>> -> memref<128x64xf32, #tpu.memory_space<vmem>>
    %dma_start3A_86 = arith.constant 0 : i32
    %dma_start3A_87 = arith.constant 0 : i32
    %dma_start3A_88 = tpu.memref_slice %arg5[%dma_start3A_79, %dma_start3A_86, %dma_start3A_87] : memref<2x1x128xi32, #tpu.memory_space<vmem>> -> memref<1x1x128xi32, #tpu.memory_space<vmem>>
    %dma_start3A_89 = tpu.memref_squeeze %dma_start3A_88 : memref<1x1x128xi32, #tpu.memory_space<vmem>> -> memref<1x128xi32, #tpu.memory_space<vmem>>
    %dma_start3A_90 = arith.constant 0 : i32
    %dma_start3A_91 = tpu.memref_slice %dma_start3A_89[%dma_start3A_80, %dma_start3A_90] : memref<1x128xi32, #tpu.memory_space<vmem>> -> memref<1x128xi32, #tpu.memory_space<vmem>>
    %dma_start3A_92 = tpu.memref_squeeze %dma_start3A_91 : memref<1x128xi32, #tpu.memory_space<vmem>> -> memref<128xi32, #tpu.memory_space<vmem>>
    %dma_start3A_93 = arith.constant 0 : i32
    %dma_start3A_94 = arith.constant 0 : i32
    %dma_start3A_95 = tpu.memref_slice %arg9[%dma_start3A_93, %dma_start3A_94] : memref<1024x64xf32, #tpu.memory_space<vmem_shared>> -> memref<1024x64xf32, #tpu.memory_space<vmem_shared>>
    tpu.enqueue_indirect_dma source(%dma_start3A_95 : memref<1024x64xf32, #tpu.memory_space<vmem_shared>>) target(%dma_start3A_85 : memref<128x64xf32, #tpu.memory_space<vmem>>) offsets(%dma_start3A_92 : memref<128xi32, #tpu.memory_space<vmem>>) semaphore(%arg11 : memref<!tpu.dma_semaphore, #tpu.memory_space<semaphore_mem>>)
    %add3A_96 = arith.constant 1 : i32
    %add3A_97 = arith.addi %mul3A_2, %add3A_96 : i32
    %dma_start3A_98 = arith.constant 1 : i32
    %dma_start3A_99 = arith.constant 0 : i32
    %dma_start3A_100 = arith.constant 0 : i32
    %dma_start3A_101 = tpu.memref_slice %arg5[%dma_start3A_98, %dma_start3A_99, %dma_start3A_100] : memref<2x1x128xi32, #tpu.memory_space<vmem>> -> memref<1x1x128xi32, #tpu.memory_space<vmem>>
    %dma_start3A_102 = tpu.memref_squeeze %dma_start3A_101 : memref<1x1x128xi32, #tpu.memory_space<vmem>> -> memref<1x128xi32, #tpu.memory_space<vmem>>
    %dma_start3A_103 = arith.constant 0 : i32
    %dma_start3A_104 = tpu.memref_slice %arg3[%add3A_97, %dma_start3A_103] : memref<25600x128xi32, #tpu.memory_space<hbm>> -> memref<1x128xi32, #tpu.memory_space<hbm>>
    %dma_start3A_105 = arith.constant 0 : i32
    %dma_start3A_106 = arith.constant 0 : i32
    %dma_start3A_107 = tpu.memref_slice %arg5[%dma_start3A_98, %dma_start3A_105, %dma_start3A_106] : memref<2x1x128xi32, #tpu.memory_space<vmem>> -> memref<1x1x128xi32, #tpu.memory_space<vmem>>
    %dma_start3A_108 = tpu.memref_squeeze %dma_start3A_107 : memref<1x1x128xi32, #tpu.memory_space<vmem>> -> memref<1x128xi32, #tpu.memory_space<vmem>>
    %dma_start3A_109 = arith.constant 0 : i32
    %dma_start3A_110 = tpu.memref_slice %arg3[%add3A_97, %dma_start3A_109] : memref<25600x128xi32, #tpu.memory_space<hbm>> -> memref<1x128xi32, #tpu.memory_space<hbm>>
    tpu.enqueue_dma source(%dma_start3A_110 : memref<1x128xi32, #tpu.memory_space<hbm>>) target(%dma_start3A_108 : memref<1x128xi32, #tpu.memory_space<vmem>>) target_semaphore(%arg10 : memref<!tpu.dma_semaphore, #tpu.memory_space<semaphore_mem>>)
    %scan3A = arith.constant 0 : i32
    %scan3A_111 = arith.constant 0 : i32
    %scan3A_112 = arith.constant 400 : i32
    %scan3A_113 = arith.addi %scan3A_111, %scan3A_112 : i32
    %scan3A_114 = arith.constant 1 : i32
    scf.for %scan3A_264 = %scan3A_111 to %scan3A_113 step %scan3A_114  : i32 {
      %mul3A_265 = arith.constant 2 : i32
      %mul3A_266 = arith.muli %scan3A_264, %mul3A_265 : i32
      %add3A_267 = arith.constant 0 : i32
      %add3A_268 = arith.addi %mul3A_266, %add3A_267 : i32
      %dma_wait3A_269 = arith.constant 0 : i32
      %dma_wait3A_270 = arith.constant 0 : i32
      %dma_wait3A_271 = arith.constant 0 : i32
      %dma_wait3A_272 = arith.constant 0 : i32
      %dma_wait3A_273 = arith.constant 0 : i32
      %dma_wait3A_274 = tpu.memref_slice %arg6[%dma_wait3A_271, %dma_wait3A_272, %dma_wait3A_273] : memref<2x128x64xf32, #tpu.memory_space<vmem>> -> memref<1x128x64xf32, #tpu.memory_space<vmem>>
      %dma_wait3A_275 = tpu.memref_squeeze %dma_wait3A_274 : memref<1x128x64xf32, #tpu.memory_space<vmem>> -> memref<128x64xf32, #tpu.memory_space<vmem>>
      %dma_wait3A_276 = arith.constant 0 : i32
      %dma_wait3A_277 = arith.constant 0 : i32
      %dma_wait3A_278 = tpu.memref_slice %arg5[%dma_wait3A_269, %dma_wait3A_276, %dma_wait3A_277] : memref<2x1x128xi32, #tpu.memory_space<vmem>> -> memref<1x1x128xi32, #tpu.memory_space<vmem>>
      %dma_wait3A_279 = tpu.memref_squeeze %dma_wait3A_278 : memref<1x1x128xi32, #tpu.memory_space<vmem>> -> memref<1x128xi32, #tpu.memory_space<vmem>>
      %dma_wait3A_280 = arith.constant 0 : i32
      %dma_wait3A_281 = tpu.memref_slice %dma_wait3A_279[%dma_wait3A_270, %dma_wait3A_280] : memref<1x128xi32, #tpu.memory_space<vmem>> -> memref<1x128xi32, #tpu.memory_space<vmem>>
      %dma_wait3A_282 = tpu.memref_squeeze %dma_wait3A_281 : memref<1x128xi32, #tpu.memory_space<vmem>> -> memref<128xi32, #tpu.memory_space<vmem>>
      %dma_wait3A_283 = arith.constant 0 : i32
      %dma_wait3A_284 = arith.constant 0 : i32
      %dma_wait3A_285 = tpu.memref_slice %arg9[%dma_wait3A_283, %dma_wait3A_284] : memref<1024x64xf32, #tpu.memory_space<vmem_shared>> -> memref<1024x64xf32, #tpu.memory_space<vmem_shared>>
      tpu.wait_indirect_dma semaphore(%arg11 : memref<!tpu.dma_semaphore, #tpu.memory_space<semaphore_mem>>) src(%dma_wait3A_285 : memref<1024x64xf32, #tpu.memory_space<vmem_shared>>) dst(%dma_wait3A_275 : memref<128x64xf32, #tpu.memory_space<vmem>>)
      %add3A_286 = arith.constant 1 : i32
      %add3A_287 = arith.addi %add3A_268, %add3A_286 : i32
      %lt3A = arith.constant 800 : i32
      %lt3A_288 = arith.cmpi slt, %add3A_287, %lt3A : i32
      %convert_element_type3A_289 = arith.extui %lt3A_288 : i1 to i32
      %cond3A_290 = arith.constant 0 : i32
      %cond3A_291 = arith.cmpi ne, %convert_element_type3A_289, %cond3A_290 : i32
      scf.if %cond3A_291 {
        %add3A_496 = arith.constant 1 : i32
        %add3A_497 = arith.addi %add3A_268, %add3A_496 : i32
        %add3A_498 = arith.addi %mul3A_2, %add3A_497 : i32
        %dma_wait3A_499 = arith.constant 1 : i32
        %dma_wait3A_500 = arith.constant 0 : i32
        %dma_wait3A_501 = arith.constant 0 : i32
        %dma_wait3A_502 = tpu.memref_slice %arg5[%dma_wait3A_499, %dma_wait3A_500, %dma_wait3A_501] : memref<2x1x128xi32, #tpu.memory_space<vmem>> -> memref<1x1x128xi32, #tpu.memory_space<vmem>>
        %dma_wait3A_503 = tpu.memref_squeeze %dma_wait3A_502 : memref<1x1x128xi32, #tpu.memory_space<vmem>> -> memref<1x128xi32, #tpu.memory_space<vmem>>
        %dma_wait3A_504 = arith.constant 0 : i32
        %dma_wait3A_505 = tpu.memref_slice %arg3[%add3A_498, %dma_wait3A_504] : memref<25600x128xi32, #tpu.memory_space<hbm>> -> memref<1x128xi32, #tpu.memory_space<hbm>>
        %dma_wait3A_506 = arith.constant 0 : i32
        %dma_wait3A_507 = arith.constant 0 : i32
        %dma_wait3A_508 = tpu.memref_slice %arg5[%dma_wait3A_499, %dma_wait3A_506, %dma_wait3A_507] : memref<2x1x128xi32, #tpu.memory_space<vmem>> -> memref<1x1x128xi32, #tpu.memory_space<vmem>>
        %dma_wait3A_509 = tpu.memref_squeeze %dma_wait3A_508 : memref<1x1x128xi32, #tpu.memory_space<vmem>> -> memref<1x128xi32, #tpu.memory_space<vmem>>
        %dma_wait3A_510 = arith.constant 0 : i32
        %dma_wait3A_511 = tpu.memref_slice %arg3[%add3A_498, %dma_wait3A_510] : memref<25600x128xi32, #tpu.memory_space<hbm>> -> memref<1x128xi32, #tpu.memory_space<hbm>>
        tpu.wait_dma2 semaphore(%arg10 : memref<!tpu.dma_semaphore, #tpu.memory_space<semaphore_mem>>) src(%dma_wait3A_511 : memref<1x128xi32, #tpu.memory_space<hbm>>) dst(%dma_wait3A_509 : memref<1x128xi32, #tpu.memory_space<vmem>>)
        %dma_start3A_512 = arith.constant 1 : i32
        %dma_start3A_513 = arith.constant 0 : i32
        %dma_start3A_514 = arith.constant 1 : i32
        %dma_start3A_515 = arith.constant 0 : i32
        %dma_start3A_516 = arith.constant 0 : i32
        %dma_start3A_517 = tpu.memref_slice %arg6[%dma_start3A_514, %dma_start3A_515, %dma_start3A_516] : memref<2x128x64xf32, #tpu.memory_space<vmem>> -> memref<1x128x64xf32, #tpu.memory_space<vmem>>
        %dma_start3A_518 = tpu.memref_squeeze %dma_start3A_517 : memref<1x128x64xf32, #tpu.memory_space<vmem>> -> memref<128x64xf32, #tpu.memory_space<vmem>>
        %dma_start3A_519 = arith.constant 0 : i32
        %dma_start3A_520 = arith.constant 0 : i32
        %dma_start3A_521 = tpu.memref_slice %arg5[%dma_start3A_512, %dma_start3A_519, %dma_start3A_520] : memref<2x1x128xi32, #tpu.memory_space<vmem>> -> memref<1x1x128xi32, #tpu.memory_space<vmem>>
        %dma_start3A_522 = tpu.memref_squeeze %dma_start3A_521 : memref<1x1x128xi32, #tpu.memory_space<vmem>> -> memref<1x128xi32, #tpu.memory_space<vmem>>
        %dma_start3A_523 = arith.constant 0 : i32
        %dma_start3A_524 = tpu.memref_slice %dma_start3A_522[%dma_start3A_513, %dma_start3A_523] : memref<1x128xi32, #tpu.memory_space<vmem>> -> memref<1x128xi32, #tpu.memory_space<vmem>>
        %dma_start3A_525 = tpu.memref_squeeze %dma_start3A_524 : memref<1x128xi32, #tpu.memory_space<vmem>> -> memref<128xi32, #tpu.memory_space<vmem>>
        %dma_start3A_526 = arith.constant 0 : i32
        %dma_start3A_527 = arith.constant 0 : i32
        %dma_start3A_528 = tpu.memref_slice %arg9[%dma_start3A_526, %dma_start3A_527] : memref<1024x64xf32, #tpu.memory_space<vmem_shared>> -> memref<1024x64xf32, #tpu.memory_space<vmem_shared>>
        tpu.enqueue_indirect_dma source(%dma_start3A_528 : memref<1024x64xf32, #tpu.memory_space<vmem_shared>>) target(%dma_start3A_518 : memref<128x64xf32, #tpu.memory_space<vmem>>) offsets(%dma_start3A_525 : memref<128xi32, #tpu.memory_space<vmem>>) semaphore(%arg11 : memref<!tpu.dma_semaphore, #tpu.memory_space<semaphore_mem>>)
        %add3A_529 = arith.constant 2 : i32
        %add3A_530 = arith.addi %add3A_268, %add3A_529 : i32
        %lt3A_531 = arith.constant 800 : i32
        %lt3A_532 = arith.cmpi slt, %add3A_530, %lt3A_531 : i32
        %convert_element_type3A_533 = arith.extui %lt3A_532 : i1 to i32
        %cond3A_534 = arith.constant 0 : i32
        %cond3A_535 = arith.cmpi ne, %convert_element_type3A_533, %cond3A_534 : i32
        scf.if %cond3A_535 {
          %add3A_536 = arith.constant 2 : i32
          %add3A_537 = arith.addi %add3A_268, %add3A_536 : i32
          %add3A_538 = arith.addi %mul3A_2, %add3A_537 : i32
          %dma_start3A_539 = arith.constant 0 : i32
          %dma_start3A_540 = arith.constant 0 : i32
          %dma_start3A_541 = arith.constant 0 : i32
          %dma_start3A_542 = tpu.memref_slice %arg5[%dma_start3A_539, %dma_start3A_540, %dma_start3A_541] : memref<2x1x128xi32, #tpu.memory_space<vmem>> -> memref<1x1x128xi32, #tpu.memory_space<vmem>>
          %dma_start3A_543 = tpu.memref_squeeze %dma_start3A_542 : memref<1x1x128xi32, #tpu.memory_space<vmem>> -> memref<1x128xi32, #tpu.memory_space<vmem>>
          %dma_start3A_544 = arith.constant 0 : i32
          %dma_start3A_545 = tpu.memref_slice %arg3[%add3A_538, %dma_start3A_544] : memref<25600x128xi32, #tpu.memory_space<hbm>> -> memref<1x128xi32, #tpu.memory_space<hbm>>
          %dma_start3A_546 = arith.constant 0 : i32
          %dma_start3A_547 = arith.constant 0 : i32
          %dma_start3A_548 = tpu.memref_slice %arg5[%dma_start3A_539, %dma_start3A_546, %dma_start3A_547] : memref<2x1x128xi32, #tpu.memory_space<vmem>> -> memref<1x1x128xi32, #tpu.memory_space<vmem>>
          %dma_start3A_549 = tpu.memref_squeeze %dma_start3A_548 : memref<1x1x128xi32, #tpu.memory_space<vmem>> -> memref<1x128xi32, #tpu.memory_space<vmem>>
          %dma_start3A_550 = arith.constant 0 : i32
          %dma_start3A_551 = tpu.memref_slice %arg3[%add3A_538, %dma_start3A_550] : memref<25600x128xi32, #tpu.memory_space<hbm>> -> memref<1x128xi32, #tpu.memory_space<hbm>>
          tpu.enqueue_dma source(%dma_start3A_551 : memref<1x128xi32, #tpu.memory_space<hbm>>) target(%dma_start3A_549 : memref<1x128xi32, #tpu.memory_space<vmem>>) target_semaphore(%arg10 : memref<!tpu.dma_semaphore, #tpu.memory_space<semaphore_mem>>)
        } else {
        }
      } else {
      }
      %ge3A = arith.constant 2 : i32
      %ge3A_292 = arith.cmpi sge, %add3A_268, %ge3A : i32
      %convert_element_type3A_293 = arith.extui %ge3A_292 : i1 to i32
      %cond3A_294 = arith.constant 0 : i32
      %cond3A_295 = arith.cmpi ne, %convert_element_type3A_293, %cond3A_294 : i32
      scf.if %cond3A_295 {
        %sub3A_496 = arith.constant 2 : i32
        %sub3A_497 = arith.subi %add3A_268, %sub3A_496 : i32
        %add3A_498 = arith.addi %mul3A_2, %sub3A_497 : i32
        %jit3A_499 = arith.constant 1024 : i32
        %div3A_500 = arith.divsi %add3A_498, %jit3A_499 : i32
        %sign3A_501 = arith.constant 0 : i32
        %sign3A_502 = arith.cmpi sgt, %add3A_498, %sign3A_501 : i32
        %sign3A_503 = arith.extui %sign3A_502 : i1 to i32
        %sign3A_504 = arith.constant 0 : i32
        %sign3A_505 = arith.cmpi slt, %add3A_498, %sign3A_504 : i32
        %sign3A_506 = arith.extui %sign3A_505 : i1 to i32
        %sign3A_507 = arith.subi %sign3A_503, %sign3A_506 : i32
        %sign3A_508 = arith.constant 0 : i32
        %sign3A_509 = arith.cmpi sgt, %jit3A_499, %sign3A_508 : i32
        %sign3A_510 = arith.extui %sign3A_509 : i1 to i32
        %sign3A_511 = arith.constant 0 : i32
        %sign3A_512 = arith.cmpi slt, %jit3A_499, %sign3A_511 : i32
        %sign3A_513 = arith.extui %sign3A_512 : i1 to i32
        %sign3A_514 = arith.subi %sign3A_510, %sign3A_513 : i32
        %ne3A_515 = arith.cmpi ne, %sign3A_507, %sign3A_514 : i32
        %rem3A_516 = arith.remsi %add3A_498, %jit3A_499 : i32
        %ne3A_517 = arith.constant 0 : i32
        %ne3A_518 = arith.cmpi ne, %rem3A_516, %ne3A_517 : i32
        %and3A_519 = arith.andi %ne3A_515, %ne3A_518 : i1
        %sub3A_520 = arith.constant 1 : i32
        %sub3A_521 = arith.subi %div3A_500, %sub3A_520 : i32
        %select_n3A_522 = arith.select %and3A_519, %sub3A_521, %div3A_500 : i32
        %mul3A_523 = arith.constant 8 : i32
        %mul3A_524 = arith.muli %select_n3A_522, %mul3A_523 : i32
        %rem3A_525 = arith.constant 8 : i32
        %rem3A_526 = arith.remsi %add3A_498, %rem3A_525 : i32
        %add3A_527 = arith.addi %mul3A_524, %rem3A_526 : i32
        %jit3A_528 = arith.constant 8 : i32
        %div3A_529 = arith.divsi %add3A_498, %jit3A_528 : i32
        %sign3A_530 = arith.constant 0 : i32
        %sign3A_531 = arith.cmpi sgt, %add3A_498, %sign3A_530 : i32
        %sign3A_532 = arith.extui %sign3A_531 : i1 to i32
        %sign3A_533 = arith.constant 0 : i32
        %sign3A_534 = arith.cmpi slt, %add3A_498, %sign3A_533 : i32
        %sign3A_535 = arith.extui %sign3A_534 : i1 to i32
        %sign3A_536 = arith.subi %sign3A_532, %sign3A_535 : i32
        %sign3A_537 = arith.constant 0 : i32
        %sign3A_538 = arith.cmpi sgt, %jit3A_528, %sign3A_537 : i32
        %sign3A_539 = arith.extui %sign3A_538 : i1 to i32
        %sign3A_540 = arith.constant 0 : i32
        %sign3A_541 = arith.cmpi slt, %jit3A_528, %sign3A_540 : i32
        %sign3A_542 = arith.extui %sign3A_541 : i1 to i32
        %sign3A_543 = arith.subi %sign3A_539, %sign3A_542 : i32
        %ne3A_544 = arith.cmpi ne, %sign3A_536, %sign3A_543 : i32
        %rem3A_545 = arith.remsi %add3A_498, %jit3A_528 : i32
        %ne3A_546 = arith.constant 0 : i32
        %ne3A_547 = arith.cmpi ne, %rem3A_545, %ne3A_546 : i32
        %and3A_548 = arith.andi %ne3A_544, %ne3A_547 : i1
        %sub3A_549 = arith.constant 1 : i32
        %sub3A_550 = arith.subi %div3A_529, %sub3A_549 : i32
        %select_n3A_551 = arith.select %and3A_548, %sub3A_550, %div3A_529 : i32
        %rem3A_552 = arith.constant 128 : i32
        %rem3A_553 = arith.remsi %select_n3A_551, %rem3A_552 : i32
        %dma_wait3A_554 = arith.constant 0 : i32
        %dma_wait3A_555 = arith.constant 0 : i32
        %dma_wait3A_556 = arith.constant 0 : i32
        %dma_wait3A_557 = arith.constant 0 : i32
        %dma_wait3A_558 = tpu.memref_slice %arg8[%dma_wait3A_554, %dma_wait3A_555, %dma_wait3A_556, %dma_wait3A_557] : memref<2x8x8x128xf32, #tpu.memory_space<vmem>> -> memref<1x8x8x128xf32, #tpu.memory_space<vmem>>
        %dma_wait3A_559 = tpu.memref_squeeze %dma_wait3A_558 : memref<1x8x8x128xf32, #tpu.memory_space<vmem>> -> memref<8x8x128xf32, #tpu.memory_space<vmem>>
        %dma_wait3A_560 = arith.constant 0 : i32
        %dma_wait3A_561 = arith.constant 0 : i32
        %dma_wait3A_562 = arith.constant 0 : i32
        %dma_wait3A_563 = tpu.memref_slice %arg4[%add3A_527, %dma_wait3A_560, %rem3A_553, %dma_wait3A_561, %dma_wait3A_562] : memref<200x8x128x8x128xf32, #tpu.memory_space<hbm>> -> memref<1x8x1x8x128xf32, #tpu.memory_space<hbm>>
        %dma_wait3A_564 = tpu.memref_squeeze %dma_wait3A_563 : memref<1x8x1x8x128xf32, #tpu.memory_space<hbm>> -> memref<8x8x128xf32, #tpu.memory_space<hbm>>
        %dma_wait3A_565 = arith.constant 0 : i32
        %dma_wait3A_566 = arith.constant 0 : i32
        %dma_wait3A_567 = arith.constant 0 : i32
        %dma_wait3A_568 = tpu.memref_slice %arg4[%add3A_527, %dma_wait3A_565, %rem3A_553, %dma_wait3A_566, %dma_wait3A_567] : memref<200x8x128x8x128xf32, #tpu.memory_space<hbm>> -> memref<1x8x1x8x128xf32, #tpu.memory_space<hbm>>
        %dma_wait3A_569 = tpu.memref_squeeze %dma_wait3A_568 : memref<1x8x1x8x128xf32, #tpu.memory_space<hbm>> -> memref<8x8x128xf32, #tpu.memory_space<hbm>>
        %dma_wait3A_570 = arith.constant 0 : i32
        %dma_wait3A_571 = arith.constant 0 : i32
        %dma_wait3A_572 = arith.constant 0 : i32
        %dma_wait3A_573 = tpu.memref_slice %arg8[%dma_wait3A_554, %dma_wait3A_570, %dma_wait3A_571, %dma_wait3A_572] : memref<2x8x8x128xf32, #tpu.memory_space<vmem>> -> memref<1x8x8x128xf32, #tpu.memory_space<vmem>>
        %dma_wait3A_574 = tpu.memref_squeeze %dma_wait3A_573 : memref<1x8x8x128xf32, #tpu.memory_space<vmem>> -> memref<8x8x128xf32, #tpu.memory_space<vmem>>
        tpu.wait_dma2 semaphore(%arg12 : memref<!tpu.dma_semaphore, #tpu.memory_space<semaphore_mem>>) src(%dma_wait3A_574 : memref<8x8x128xf32, #tpu.memory_space<vmem>>) dst(%dma_wait3A_569 : memref<8x8x128xf32, #tpu.memory_space<hbm>>)
      } else {
      }
      %parallel_loop3A = arith.constant 0 : i32
      %parallel_loop3A_296 = arith.constant 128 : i32
      %parallel_loop3A_297 = arith.constant 1 : i32
      %parallel_loop3A_298 = arith.constant 0 : i32
      scf.for %parallel_loop3A_496 = %parallel_loop3A to %parallel_loop3A_296 step %parallel_loop3A_297  : i32 {
        %parallel_loop3A_497 = arith.constant 0 : i32
        %parallel_loop3A_498 = arith.constant 0 : i32
        %parallel_loop3A_499 = tpu.memref_slice %arg6[%parallel_loop3A_298, %parallel_loop3A_497, %parallel_loop3A_498] : memref<2x128x64xf32, #tpu.memory_space<vmem>> -> memref<1x128x64xf32, #tpu.memory_space<vmem>>
        %parallel_loop3A_500 = tpu.memref_squeeze %parallel_loop3A_499 : memref<1x128x64xf32, #tpu.memory_space<vmem>> -> memref<128x64xf32, #tpu.memory_space<vmem>>
        %parallel_loop3A_501 = arith.index_cast %parallel_loop3A_496 : i32 to index
        %parallel_loop3A_502 = arith.constant 0 : index
        %parallel_loop3A_503 = tpu.vector_load %parallel_loop3A_500[%parallel_loop3A_501, %parallel_loop3A_502] {strides = array<i32>} : memref<128x64xf32, #tpu.memory_space<vmem>>, vector<16xf32>,
        %parallel_loop3A_504 = arith.constant 73 : i32
        %parallel_loop3A_505 = arith.muli %parallel_loop3A_496, %parallel_loop3A_504 : i32
        %parallel_loop3A_506 = arith.constant 0 : i32
        %parallel_loop3A_507 = arith.addi %parallel_loop3A_505, %parallel_loop3A_506 : i32
        %parallel_loop3A_508 = arith.index_cast %parallel_loop3A_507 : i32 to index
        %parallel_loop3A_509 = tpu.vector_load %arg7[%parallel_loop3A_508] {strides = array<i32>} : memref<9344xf32, #tpu.memory_space<vmem>>, vector<16xf32>,
        tpu.vector_store %arg7[%parallel_loop3A_508], %parallel_loop3A_503 {strides = array<i32>} : memref<9344xf32, #tpu.memory_space<vmem>>, vector<16xf32>,
        %parallel_loop3A_510 = arith.constant 0 : i32
        %parallel_loop3A_511 = arith.constant 0 : i32
        %parallel_loop3A_512 = tpu.memref_slice %arg6[%parallel_loop3A_298, %parallel_loop3A_510, %parallel_loop3A_511] : memref<2x128x64xf32, #tpu.memory_space<vmem>> -> memref<1x128x64xf32, #tpu.memory_space<vmem>>
        %parallel_loop3A_513 = tpu.memref_squeeze %parallel_loop3A_512 : memref<1x128x64xf32, #tpu.memory_space<vmem>> -> memref<128x64xf32, #tpu.memory_space<vmem>>
        %parallel_loop3A_514 = arith.index_cast %parallel_loop3A_496 : i32 to index
        %parallel_loop3A_515 = arith.constant 16 : index
        %parallel_loop3A_516 = tpu.vector_load %parallel_loop3A_513[%parallel_loop3A_514, %parallel_loop3A_515] {strides = array<i32>} : memref<128x64xf32, #tpu.memory_space<vmem>>, vector<16xf32>,
        %parallel_loop3A_517 = arith.constant 73 : i32
        %parallel_loop3A_518 = arith.muli %parallel_loop3A_496, %parallel_loop3A_517 : i32
        %parallel_loop3A_519 = arith.constant 16 : i32
        %parallel_loop3A_520 = arith.addi %parallel_loop3A_518, %parallel_loop3A_519 : i32
        %parallel_loop3A_521 = arith.index_cast %parallel_loop3A_520 : i32 to index
        %parallel_loop3A_522 = tpu.vector_load %arg7[%parallel_loop3A_521] {strides = array<i32>} : memref<9344xf32, #tpu.memory_space<vmem>>, vector<16xf32>,
        tpu.vector_store %arg7[%parallel_loop3A_521], %parallel_loop3A_516 {strides = array<i32>} : memref<9344xf32, #tpu.memory_space<vmem>>, vector<16xf32>,
        %parallel_loop3A_523 = arith.constant 0 : i32
        %parallel_loop3A_524 = arith.constant 0 : i32
        %parallel_loop3A_525 = tpu.memref_slice %arg6[%parallel_loop3A_298, %parallel_loop3A_523, %parallel_loop3A_524] : memref<2x128x64xf32, #tpu.memory_space<vmem>> -> memref<1x128x64xf32, #tpu.memory_space<vmem>>
        %parallel_loop3A_526 = tpu.memref_squeeze %parallel_loop3A_525 : memref<1x128x64xf32, #tpu.memory_space<vmem>> -> memref<128x64xf32, #tpu.memory_space<vmem>>
        %parallel_loop3A_527 = arith.index_cast %parallel_loop3A_496 : i32 to index
        %parallel_loop3A_528 = arith.constant 32 : index
        %parallel_loop3A_529 = tpu.vector_load %parallel_loop3A_526[%parallel_loop3A_527, %parallel_loop3A_528] {strides = array<i32>} : memref<128x64xf32, #tpu.memory_space<vmem>>, vector<16xf32>,
        %parallel_loop3A_530 = arith.constant 73 : i32
        %parallel_loop3A_531 = arith.muli %parallel_loop3A_496, %parallel_loop3A_530 : i32
        %parallel_loop3A_532 = arith.constant 32 : i32
        %parallel_loop3A_533 = arith.addi %parallel_loop3A_531, %parallel_loop3A_532 : i32
        %parallel_loop3A_534 = arith.index_cast %parallel_loop3A_533 : i32 to index
        %parallel_loop3A_535 = tpu.vector_load %arg7[%parallel_loop3A_534] {strides = array<i32>} : memref<9344xf32, #tpu.memory_space<vmem>>, vector<16xf32>,
        tpu.vector_store %arg7[%parallel_loop3A_534], %parallel_loop3A_529 {strides = array<i32>} : memref<9344xf32, #tpu.memory_space<vmem>>, vector<16xf32>,
        %parallel_loop3A_536 = arith.constant 0 : i32
        %parallel_loop3A_537 = arith.constant 0 : i32
        %parallel_loop3A_538 = tpu.memref_slice %arg6[%parallel_loop3A_298, %parallel_loop3A_536, %parallel_loop3A_537] : memref<2x128x64xf32, #tpu.memory_space<vmem>> -> memref<1x128x64xf32, #tpu.memory_space<vmem>>
        %parallel_loop3A_539 = tpu.memref_squeeze %parallel_loop3A_538 : memref<1x128x64xf32, #tpu.memory_space<vmem>> -> memref<128x64xf32, #tpu.memory_space<vmem>>
        %parallel_loop3A_540 = arith.index_cast %parallel_loop3A_496 : i32 to index
        %parallel_loop3A_541 = arith.constant 48 : index
        %parallel_loop3A_542 = tpu.vector_load %parallel_loop3A_539[%parallel_loop3A_540, %parallel_loop3A_541] {strides = array<i32>} : memref<128x64xf32, #tpu.memory_space<vmem>>, vector<16xf32>,
        %parallel_loop3A_543 = arith.constant 73 : i32
        %parallel_loop3A_544 = arith.muli %parallel_loop3A_496, %parallel_loop3A_543 : i32
        %parallel_loop3A_545 = arith.constant 48 : i32
        %parallel_loop3A_546 = arith.addi %parallel_loop3A_544, %parallel_loop3A_545 : i32
        %parallel_loop3A_547 = arith.index_cast %parallel_loop3A_546 : i32 to index
        %parallel_loop3A_548 = tpu.vector_load %arg7[%parallel_loop3A_547] {strides = array<i32>} : memref<9344xf32, #tpu.memory_space<vmem>>, vector<16xf32>,
        tpu.vector_store %arg7[%parallel_loop3A_547], %parallel_loop3A_542 {strides = array<i32>} : memref<9344xf32, #tpu.memory_space<vmem>>, vector<16xf32>,
      } {sc.loop_unroll_factor = 8 : i64, sc.parallel_access}
      %parallel_loop3A_299 = arith.constant 0 : i32
      %parallel_loop3A_300 = arith.constant 64 : i32
      %parallel_loop3A_301 = arith.constant 1 : i32
      scf.for %parallel_loop3A_496 = %parallel_loop3A_299 to %parallel_loop3A_300 step %parallel_loop3A_301  : i32 {
        %parallel_loop3A_497 = arith.constant 8 : i32
        %parallel_loop3A_498 = arith.divsi %parallel_loop3A_496, %parallel_loop3A_497 : i32
        %parallel_loop3A_499 = arith.constant 0 : i32
        %parallel_loop3A_500 = arith.cmpi sgt, %parallel_loop3A_496, %parallel_loop3A_499 : i32
        %parallel_loop3A_501 = arith.extui %parallel_loop3A_500 : i1 to i32
        %parallel_loop3A_502 = arith.constant 0 : i32
        %parallel_loop3A_503 = arith.cmpi slt, %parallel_loop3A_496, %parallel_loop3A_502 : i32
        %parallel_loop3A_504 = arith.extui %parallel_loop3A_503 : i1 to i32
        %parallel_loop3A_505 = arith.subi %parallel_loop3A_501, %parallel_loop3A_504 : i32
        %parallel_loop3A_506 = arith.constant 0 : i32
        %parallel_loop3A_507 = arith.cmpi sgt, %parallel_loop3A_497, %parallel_loop3A_506 : i32
        %parallel_loop3A_508 = arith.extui %parallel_loop3A_507 : i1 to i32
        %parallel_loop3A_509 = arith.constant 0 : i32
        %parallel_loop3A_510 = arith.cmpi slt, %parallel_loop3A_497, %parallel_loop3A_509 : i32
        %parallel_loop3A_511 = arith.extui %parallel_loop3A_510 : i1 to i32
        %parallel_loop3A_512 = arith.subi %parallel_loop3A_508, %parallel_loop3A_511 : i32
        %parallel_loop3A_513 = arith.cmpi ne, %parallel_loop3A_505, %parallel_loop3A_512 : i32
        %parallel_loop3A_514 = arith.remsi %parallel_loop3A_496, %parallel_loop3A_497 : i32
        %parallel_loop3A_515 = arith.constant 0 : i32
        %parallel_loop3A_516 = arith.cmpi ne, %parallel_loop3A_514, %parallel_loop3A_515 : i32
        %parallel_loop3A_517 = arith.andi %parallel_loop3A_513, %parallel_loop3A_516 : i1
        %parallel_loop3A_518 = arith.constant 1 : i32
        %parallel_loop3A_519 = arith.subi %parallel_loop3A_498, %parallel_loop3A_518 : i32
        %parallel_loop3A_520 = arith.select %parallel_loop3A_517, %parallel_loop3A_519, %parallel_loop3A_498 : i32
        %parallel_loop3A_521 = arith.constant 8 : i32
        %parallel_loop3A_522 = arith.remsi %parallel_loop3A_496, %parallel_loop3A_521 : i32
        %parallel_loop3A_523 = vector.broadcast %parallel_loop3A_496 : i32 to vector<16xi32>
        %parallel_loop3A_524 = arith.addi %mul3A_10, %parallel_loop3A_523 : vector<16xi32>
        %parallel_loop3A_525 = tpu.vector_load_idx %arg7[%parallel_loop3A_524] : memref<9344xf32, #tpu.memory_space<vmem>>[vector<16xi32>], vector<16xf32>,
        %parallel_loop3A_526 = arith.constant 0 : i32
        %parallel_loop3A_527 = arith.index_cast %parallel_loop3A_526 : i32 to index
        %parallel_loop3A_528 = arith.index_cast %parallel_loop3A_520 : i32 to index
        %parallel_loop3A_529 = arith.index_cast %parallel_loop3A_522 : i32 to index
        %parallel_loop3A_530 = arith.constant 0 : index
        %parallel_loop3A_531 = tpu.vector_load %arg8[%parallel_loop3A_527, %parallel_loop3A_528, %parallel_loop3A_529, %parallel_loop3A_530] {strides = array<i32>} : memref<2x8x8x128xf32, #tpu.memory_space<vmem>>, vector<16xf32>,
        tpu.vector_store %arg8[%parallel_loop3A_527, %parallel_loop3A_528, %parallel_loop3A_529, %parallel_loop3A_530], %parallel_loop3A_525 {strides = array<i32>} : memref<2x8x8x128xf32, #tpu.memory_space<vmem>>, vector<16xf32>,
        %parallel_loop3A_532 = vector.broadcast %parallel_loop3A_496 : i32 to vector<16xi32>
        %parallel_loop3A_533 = arith.addi %mul3A_16, %parallel_loop3A_532 : vector<16xi32>
        %parallel_loop3A_534 = tpu.vector_load_idx %arg7[%parallel_loop3A_533] : memref<9344xf32, #tpu.memory_space<vmem>>[vector<16xi32>], vector<16xf32>,
        %parallel_loop3A_535 = arith.constant 0 : i32
        %parallel_loop3A_536 = arith.index_cast %parallel_loop3A_535 : i32 to index
        %parallel_loop3A_537 = arith.index_cast %parallel_loop3A_520 : i32 to index
        %parallel_loop3A_538 = arith.index_cast %parallel_loop3A_522 : i32 to index
        %parallel_loop3A_539 = arith.constant 16 : index
        %parallel_loop3A_540 = tpu.vector_load %arg8[%parallel_loop3A_536, %parallel_loop3A_537, %parallel_loop3A_538, %parallel_loop3A_539] {strides = array<i32>} : memref<2x8x8x128xf32, #tpu.memory_space<vmem>>, vector<16xf32>,
        tpu.vector_store %arg8[%parallel_loop3A_536, %parallel_loop3A_537, %parallel_loop3A_538, %parallel_loop3A_539], %parallel_loop3A_534 {strides = array<i32>} : memref<2x8x8x128xf32, #tpu.memory_space<vmem>>, vector<16xf32>,
        %parallel_loop3A_541 = vector.broadcast %parallel_loop3A_496 : i32 to vector<16xi32>
        %parallel_loop3A_542 = arith.addi %mul3A_22, %parallel_loop3A_541 : vector<16xi32>
        %parallel_loop3A_543 = tpu.vector_load_idx %arg7[%parallel_loop3A_542] : memref<9344xf32, #tpu.memory_space<vmem>>[vector<16xi32>], vector<16xf32>,
        %parallel_loop3A_544 = arith.constant 0 : i32
        %parallel_loop3A_545 = arith.index_cast %parallel_loop3A_544 : i32 to index
        %parallel_loop3A_546 = arith.index_cast %parallel_loop3A_520 : i32 to index
        %parallel_loop3A_547 = arith.index_cast %parallel_loop3A_522 : i32 to index
        %parallel_loop3A_548 = arith.constant 32 : index
        %parallel_loop3A_549 = tpu.vector_load %arg8[%parallel_loop3A_545, %parallel_loop3A_546, %parallel_loop3A_547, %parallel_loop3A_548] {strides = array<i32>} : memref<2x8x8x128xf32, #tpu.memory_space<vmem>>, vector<16xf32>,
        tpu.vector_store %arg8[%parallel_loop3A_545, %parallel_loop3A_546, %parallel_loop3A_547, %parallel_loop3A_548], %parallel_loop3A_543 {strides = array<i32>} : memref<2x8x8x128xf32, #tpu.memory_space<vmem>>, vector<16xf32>,
        %parallel_loop3A_550 = vector.broadcast %parallel_loop3A_496 : i32 to vector<16xi32>
        %parallel_loop3A_551 = arith.addi %mul3A_28, %parallel_loop3A_550 : vector<16xi32>
        %parallel_loop3A_552 = tpu.vector_load_idx %arg7[%parallel_loop3A_551] : memref<9344xf32, #tpu.memory_space<vmem>>[vector<16xi32>], vector<16xf32>,
        %parallel_loop3A_553 = arith.constant 0 : i32
        %parallel_loop3A_554 = arith.index_cast %parallel_loop3A_553 : i32 to index
        %parallel_loop3A_555 = arith.index_cast %parallel_loop3A_520 : i32 to index
        %parallel_loop3A_556 = arith.index_cast %parallel_loop3A_522 : i32 to index
        %parallel_loop3A_557 = arith.constant 48 : index
        %parallel_loop3A_558 = tpu.vector_load %arg8[%parallel_loop3A_554, %parallel_loop3A_555, %parallel_loop3A_556, %parallel_loop3A_557] {strides = array<i32>} : memref<2x8x8x128xf32, #tpu.memory_space<vmem>>, vector<16xf32>,
        tpu.vector_store %arg8[%parallel_loop3A_554, %parallel_loop3A_555, %parallel_loop3A_556, %parallel_loop3A_557], %parallel_loop3A_552 {strides = array<i32>} : memref<2x8x8x128xf32, #tpu.memory_space<vmem>>, vector<16xf32>,
        %parallel_loop3A_559 = vector.broadcast %parallel_loop3A_496 : i32 to vector<16xi32>
        %parallel_loop3A_560 = arith.addi %mul3A_34, %parallel_loop3A_559 : vector<16xi32>
        %parallel_loop3A_561 = tpu.vector_load_idx %arg7[%parallel_loop3A_560] : memref<9344xf32, #tpu.memory_space<vmem>>[vector<16xi32>], vector<16xf32>,
        %parallel_loop3A_562 = arith.constant 0 : i32
        %parallel_loop3A_563 = arith.index_cast %parallel_loop3A_562 : i32 to index
        %parallel_loop3A_564 = arith.index_cast %parallel_loop3A_520 : i32 to index
        %parallel_loop3A_565 = arith.index_cast %parallel_loop3A_522 : i32 to index
        %parallel_loop3A_566 = arith.constant 64 : index
        %parallel_loop3A_567 = tpu.vector_load %arg8[%parallel_loop3A_563, %parallel_loop3A_564, %parallel_loop3A_565, %parallel_loop3A_566] {strides = array<i32>} : memref<2x8x8x128xf32, #tpu.memory_space<vmem>>, vector<16xf32>,
        tpu.vector_store %arg8[%parallel_loop3A_563, %parallel_loop3A_564, %parallel_loop3A_565, %parallel_loop3A_566], %parallel_loop3A_561 {strides = array<i32>} : memref<2x8x8x128xf32, #tpu.memory_space<vmem>>, vector<16xf32>,
        %parallel_loop3A_568 = vector.broadcast %parallel_loop3A_496 : i32 to vector<16xi32>
        %parallel_loop3A_569 = arith.addi %mul3A_40, %parallel_loop3A_568 : vector<16xi32>
        %parallel_loop3A_570 = tpu.vector_load_idx %arg7[%parallel_loop3A_569] : memref<9344xf32, #tpu.memory_space<vmem>>[vector<16xi32>], vector<16xf32>,
        %parallel_loop3A_571 = arith.constant 0 : i32
        %parallel_loop3A_572 = arith.index_cast %parallel_loop3A_571 : i32 to index
        %parallel_loop3A_573 = arith.index_cast %parallel_loop3A_520 : i32 to index
        %parallel_loop3A_574 = arith.index_cast %parallel_loop3A_522 : i32 to index
        %parallel_loop3A_575 = arith.constant 80 : index
        %parallel_loop3A_576 = tpu.vector_load %arg8[%parallel_loop3A_572, %parallel_loop3A_573, %parallel_loop3A_574, %parallel_loop3A_575] {strides = array<i32>} : memref<2x8x8x128xf32, #tpu.memory_space<vmem>>, vector<16xf32>,
        tpu.vector_store %arg8[%parallel_loop3A_572, %parallel_loop3A_573, %parallel_loop3A_574, %parallel_loop3A_575], %parallel_loop3A_570 {strides = array<i32>} : memref<2x8x8x128xf32, #tpu.memory_space<vmem>>, vector<16xf32>,
        %parallel_loop3A_577 = vector.broadcast %parallel_loop3A_496 : i32 to vector<16xi32>
        %parallel_loop3A_578 = arith.addi %mul3A_46, %parallel_loop3A_577 : vector<16xi32>
        %parallel_loop3A_579 = tpu.vector_load_idx %arg7[%parallel_loop3A_578] : memref<9344xf32, #tpu.memory_space<vmem>>[vector<16xi32>], vector<16xf32>,
        %parallel_loop3A_580 = arith.constant 0 : i32
        %parallel_loop3A_581 = arith.index_cast %parallel_loop3A_580 : i32 to index
        %parallel_loop3A_582 = arith.index_cast %parallel_loop3A_520 : i32 to index
        %parallel_loop3A_583 = arith.index_cast %parallel_loop3A_522 : i32 to index
        %parallel_loop3A_584 = arith.constant 96 : index
        %parallel_loop3A_585 = tpu.vector_load %arg8[%parallel_loop3A_581, %parallel_loop3A_582, %parallel_loop3A_583, %parallel_loop3A_584] {strides = array<i32>} : memref<2x8x8x128xf32, #tpu.memory_space<vmem>>, vector<16xf32>,
        tpu.vector_store %arg8[%parallel_loop3A_581, %parallel_loop3A_582, %parallel_loop3A_583, %parallel_loop3A_584], %parallel_loop3A_579 {strides = array<i32>} : memref<2x8x8x128xf32, #tpu.memory_space<vmem>>, vector<16xf32>,
        %parallel_loop3A_586 = vector.broadcast %parallel_loop3A_496 : i32 to vector<16xi32>
        %parallel_loop3A_587 = arith.addi %mul3A_52, %parallel_loop3A_586 : vector<16xi32>
        %parallel_loop3A_588 = tpu.vector_load_idx %arg7[%parallel_loop3A_587] : memref<9344xf32, #tpu.memory_space<vmem>>[vector<16xi32>], vector<16xf32>,
        %parallel_loop3A_589 = arith.constant 0 : i32
        %parallel_loop3A_590 = arith.index_cast %parallel_loop3A_589 : i32 to index
        %parallel_loop3A_591 = arith.index_cast %parallel_loop3A_520 : i32 to index
        %parallel_loop3A_592 = arith.index_cast %parallel_loop3A_522 : i32 to index
        %parallel_loop3A_593 = arith.constant 112 : index
        %parallel_loop3A_594 = tpu.vector_load %arg8[%parallel_loop3A_590, %parallel_loop3A_591, %parallel_loop3A_592, %parallel_loop3A_593] {strides = array<i32>} : memref<2x8x8x128xf32, #tpu.memory_space<vmem>>, vector<16xf32>,
        tpu.vector_store %arg8[%parallel_loop3A_590, %parallel_loop3A_591, %parallel_loop3A_592, %parallel_loop3A_593], %parallel_loop3A_588 {strides = array<i32>} : memref<2x8x8x128xf32, #tpu.memory_space<vmem>>, vector<16xf32>,
      } {sc.loop_unroll_factor = 4 : i64, sc.parallel_access}
      %add3A_302 = arith.addi %mul3A_2, %add3A_268 : i32
      %jit3A_303 = arith.constant 1024 : i32
      %div3A_304 = arith.divsi %add3A_302, %jit3A_303 : i32
      %sign3A_305 = arith.constant 0 : i32
      %sign3A_306 = arith.cmpi sgt, %add3A_302, %sign3A_305 : i32
      %sign3A_307 = arith.extui %sign3A_306 : i1 to i32
      %sign3A_308 = arith.constant 0 : i32
      %sign3A_309 = arith.cmpi slt, %add3A_302, %sign3A_308 : i32
      %sign3A_310 = arith.extui %sign3A_309 : i1 to i32
      %sign3A_311 = arith.subi %sign3A_307, %sign3A_310 : i32
      %sign3A_312 = arith.constant 0 : i32
      %sign3A_313 = arith.cmpi sgt, %jit3A_303, %sign3A_312 : i32
      %sign3A_314 = arith.extui %sign3A_313 : i1 to i32
      %sign3A_315 = arith.constant 0 : i32
      %sign3A_316 = arith.cmpi slt, %jit3A_303, %sign3A_315 : i32
      %sign3A_317 = arith.extui %sign3A_316 : i1 to i32
      %sign3A_318 = arith.subi %sign3A_314, %sign3A_317 : i32
      %ne3A_319 = arith.cmpi ne, %sign3A_311, %sign3A_318 : i32
      %rem3A_320 = arith.remsi %add3A_302, %jit3A_303 : i32
      %ne3A_321 = arith.constant 0 : i32
      %ne3A_322 = arith.cmpi ne, %rem3A_320, %ne3A_321 : i32
      %and3A_323 = arith.andi %ne3A_319, %ne3A_322 : i1
      %sub3A_324 = arith.constant 1 : i32
      %sub3A_325 = arith.subi %div3A_304, %sub3A_324 : i32
      %select_n3A_326 = arith.select %and3A_323, %sub3A_325, %div3A_304 : i32
      %mul3A_327 = arith.constant 8 : i32
      %mul3A_328 = arith.muli %select_n3A_326, %mul3A_327 : i32
      %rem3A_329 = arith.constant 8 : i32
      %rem3A_330 = arith.remsi %add3A_302, %rem3A_329 : i32
      %add3A_331 = arith.addi %mul3A_328, %rem3A_330 : i32
      %jit3A_332 = arith.constant 8 : i32
      %div3A_333 = arith.divsi %add3A_302, %jit3A_332 : i32
      %sign3A_334 = arith.constant 0 : i32
      %sign3A_335 = arith.cmpi sgt, %add3A_302, %sign3A_334 : i32
      %sign3A_336 = arith.extui %sign3A_335 : i1 to i32
      %sign3A_337 = arith.constant 0 : i32
      %sign3A_338 = arith.cmpi slt, %add3A_302, %sign3A_337 : i32
      %sign3A_339 = arith.extui %sign3A_338 : i1 to i32
      %sign3A_340 = arith.subi %sign3A_336, %sign3A_339 : i32
      %sign3A_341 = arith.constant 0 : i32
      %sign3A_342 = arith.cmpi sgt, %jit3A_332, %sign3A_341 : i32
      %sign3A_343 = arith.extui %sign3A_342 : i1 to i32
      %sign3A_344 = arith.constant 0 : i32
      %sign3A_345 = arith.cmpi slt, %jit3A_332, %sign3A_344 : i32
      %sign3A_346 = arith.extui %sign3A_345 : i1 to i32
      %sign3A_347 = arith.subi %sign3A_343, %sign3A_346 : i32
      %ne3A_348 = arith.cmpi ne, %sign3A_340, %sign3A_347 : i32
      %rem3A_349 = arith.remsi %add3A_302, %jit3A_332 : i32
      %ne3A_350 = arith.constant 0 : i32
      %ne3A_351 = arith.cmpi ne, %rem3A_349, %ne3A_350 : i32
      %and3A_352 = arith.andi %ne3A_348, %ne3A_351 : i1
      %sub3A_353 = arith.constant 1 : i32
      %sub3A_354 = arith.subi %div3A_333, %sub3A_353 : i32
      %select_n3A_355 = arith.select %and3A_352, %sub3A_354, %div3A_333 : i32
      %rem3A_356 = arith.constant 128 : i32
      %rem3A_357 = arith.remsi %select_n3A_355, %rem3A_356 : i32
      %dma_start3A_358 = arith.constant 0 : i32
      %dma_start3A_359 = arith.constant 0 : i32
      %dma_start3A_360 = arith.constant 0 : i32
      %dma_start3A_361 = arith.constant 0 : i32
      %dma_start3A_362 = tpu.memref_slice %arg8[%dma_start3A_358, %dma_start3A_359, %dma_start3A_360, %dma_start3A_361] : memref<2x8x8x128xf32, #tpu.memory_space<vmem>> -> memref<1x8x8x128xf32, #tpu.memory_space<vmem>>
      %dma_start3A_363 = tpu.memref_squeeze %dma_start3A_362 : memref<1x8x8x128xf32, #tpu.memory_space<vmem>> -> memref<8x8x128xf32, #tpu.memory_space<vmem>>
      %dma_start3A_364 = arith.constant 0 : i32
      %dma_start3A_365 = arith.constant 0 : i32
      %dma_start3A_366 = arith.constant 0 : i32
      %dma_start3A_367 = tpu.memref_slice %arg4[%add3A_331, %dma_start3A_364, %rem3A_357, %dma_start3A_365, %dma_start3A_366] : memref<200x8x128x8x128xf32, #tpu.memory_space<hbm>> -> memref<1x8x1x8x128xf32, #tpu.memory_space<hbm>>
      %dma_start3A_368 = tpu.memref_squeeze %dma_start3A_367 : memref<1x8x1x8x128xf32, #tpu.memory_space<hbm>> -> memref<8x8x128xf32, #tpu.memory_space<hbm>>
      %dma_start3A_369 = arith.constant 0 : i32
      %dma_start3A_370 = arith.constant 0 : i32
      %dma_start3A_371 = arith.constant 0 : i32
      %dma_start3A_372 = tpu.memref_slice %arg4[%add3A_331, %dma_start3A_369, %rem3A_357, %dma_start3A_370, %dma_start3A_371] : memref<200x8x128x8x128xf32, #tpu.memory_space<hbm>> -> memref<1x8x1x8x128xf32, #tpu.memory_space<hbm>>
      %dma_start3A_373 = tpu.memref_squeeze %dma_start3A_372 : memref<1x8x1x8x128xf32, #tpu.memory_space<hbm>> -> memref<8x8x128xf32, #tpu.memory_space<hbm>>
      %dma_start3A_374 = arith.constant 0 : i32
      %dma_start3A_375 = arith.constant 0 : i32
      %dma_start3A_376 = arith.constant 0 : i32
      %dma_start3A_377 = tpu.memref_slice %arg8[%dma_start3A_358, %dma_start3A_374, %dma_start3A_375, %dma_start3A_376] : memref<2x8x8x128xf32, #tpu.memory_space<vmem>> -> memref<1x8x8x128xf32, #tpu.memory_space<vmem>>
      %dma_start3A_378 = tpu.memref_squeeze %dma_start3A_377 : memref<1x8x8x128xf32, #tpu.memory_space<vmem>> -> memref<8x8x128xf32, #tpu.memory_space<vmem>>
      tpu.enqueue_dma source(%dma_start3A_378 : memref<8x8x128xf32, #tpu.memory_space<vmem>>) target(%dma_start3A_373 : memref<8x8x128xf32, #tpu.memory_space<hbm>>) target_semaphore(%arg12 : memref<!tpu.dma_semaphore, #tpu.memory_space<semaphore_mem>>)
      %mul3A_379 = arith.constant 2 : i32
      %mul3A_380 = arith.muli %scan3A_264, %mul3A_379 : i32
      %add3A_381 = arith.constant 1 : i32
      %add3A_382 = arith.addi %mul3A_380, %add3A_381 : i32
      %dma_wait3A_383 = arith.constant 1 : i32
      %dma_wait3A_384 = arith.constant 0 : i32
      %dma_wait3A_385 = arith.constant 1 : i32
      %dma_wait3A_386 = arith.constant 0 : i32
      %dma_wait3A_387 = arith.constant 0 : i32
      %dma_wait3A_388 = tpu.memref_slice %arg6[%dma_wait3A_385, %dma_wait3A_386, %dma_wait3A_387] : memref<2x128x64xf32, #tpu.memory_space<vmem>> -> memref<1x128x64xf32, #tpu.memory_space<vmem>>
      %dma_wait3A_389 = tpu.memref_squeeze %dma_wait3A_388 : memref<1x128x64xf32, #tpu.memory_space<vmem>> -> memref<128x64xf32, #tpu.memory_space<vmem>>
      %dma_wait3A_390 = arith.constant 0 : i32
      %dma_wait3A_391 = arith.constant 0 : i32
      %dma_wait3A_392 = tpu.memref_slice %arg5[%dma_wait3A_383, %dma_wait3A_390, %dma_wait3A_391] : memref<2x1x128xi32, #tpu.memory_space<vmem>> -> memref<1x1x128xi32, #tpu.memory_space<vmem>>
      %dma_wait3A_393 = tpu.memref_squeeze %dma_wait3A_392 : memref<1x1x128xi32, #tpu.memory_space<vmem>> -> memref<1x128xi32, #tpu.memory_space<vmem>>
      %dma_wait3A_394 = arith.constant 0 : i32
      %dma_wait3A_395 = tpu.memref_slice %dma_wait3A_393[%dma_wait3A_384, %dma_wait3A_394] : memref<1x128xi32, #tpu.memory_space<vmem>> -> memref<1x128xi32, #tpu.memory_space<vmem>>
      %dma_wait3A_396 = tpu.memref_squeeze %dma_wait3A_395 : memref<1x128xi32, #tpu.memory_space<vmem>> -> memref<128xi32, #tpu.memory_space<vmem>>
      %dma_wait3A_397 = arith.constant 0 : i32
      %dma_wait3A_398 = arith.constant 0 : i32
      %dma_wait3A_399 = tpu.memref_slice %arg9[%dma_wait3A_397, %dma_wait3A_398] : memref<1024x64xf32, #tpu.memory_space<vmem_shared>> -> memref<1024x64xf32, #tpu.memory_space<vmem_shared>>
      tpu.wait_indirect_dma semaphore(%arg11 : memref<!tpu.dma_semaphore, #tpu.memory_space<semaphore_mem>>) src(%dma_wait3A_399 : memref<1024x64xf32, #tpu.memory_space<vmem_shared>>) dst(%dma_wait3A_389 : memref<128x64xf32, #tpu.memory_space<vmem>>)
      %add3A_400 = arith.constant 1 : i32
      %add3A_401 = arith.addi %add3A_382, %add3A_400 : i32
      %lt3A_402 = arith.constant 800 : i32
      %lt3A_403 = arith.cmpi slt, %add3A_401, %lt3A_402 : i32
      %convert_element_type3A_404 = arith.extui %lt3A_403 : i1 to i32
      %cond3A_405 = arith.constant 0 : i32
      %cond3A_406 = arith.cmpi ne, %convert_element_type3A_404, %cond3A_405 : i32
      scf.if %cond3A_406 {
        %add3A_496 = arith.constant 1 : i32
        %add3A_497 = arith.addi %add3A_382, %add3A_496 : i32
        %add3A_498 = arith.addi %mul3A_2, %add3A_497 : i32
        %dma_wait3A_499 = arith.constant 0 : i32
        %dma_wait3A_500 = arith.constant 0 : i32
        %dma_wait3A_501 = arith.constant 0 : i32
        %dma_wait3A_502 = tpu.memref_slice %arg5[%dma_wait3A_499, %dma_wait3A_500, %dma_wait3A_501] : memref<2x1x128xi32, #tpu.memory_space<vmem>> -> memref<1x1x128xi32, #tpu.memory_space<vmem>>
        %dma_wait3A_503 = tpu.memref_squeeze %dma_wait3A_502 : memref<1x1x128xi32, #tpu.memory_space<vmem>> -> memref<1x128xi32, #tpu.memory_space<vmem>>
        %dma_wait3A_504 = arith.constant 0 : i32
        %dma_wait3A_505 = tpu.memref_slice %arg3[%add3A_498, %dma_wait3A_504] : memref<25600x128xi32, #tpu.memory_space<hbm>> -> memref<1x128xi32, #tpu.memory_space<hbm>>
        %dma_wait3A_506 = arith.constant 0 : i32
        %dma_wait3A_507 = arith.constant 0 : i32
        %dma_wait3A_508 = tpu.memref_slice %arg5[%dma_wait3A_499, %dma_wait3A_506, %dma_wait3A_507] : memref<2x1x128xi32, #tpu.memory_space<vmem>> -> memref<1x1x128xi32, #tpu.memory_space<vmem>>
        %dma_wait3A_509 = tpu.memref_squeeze %dma_wait3A_508 : memref<1x1x128xi32, #tpu.memory_space<vmem>> -> memref<1x128xi32, #tpu.memory_space<vmem>>
        %dma_wait3A_510 = arith.constant 0 : i32
        %dma_wait3A_511 = tpu.memref_slice %arg3[%add3A_498, %dma_wait3A_510] : memref<25600x128xi32, #tpu.memory_space<hbm>> -> memref<1x128xi32, #tpu.memory_space<hbm>>
        tpu.wait_dma2 semaphore(%arg10 : memref<!tpu.dma_semaphore, #tpu.memory_space<semaphore_mem>>) src(%dma_wait3A_511 : memref<1x128xi32, #tpu.memory_space<hbm>>) dst(%dma_wait3A_509 : memref<1x128xi32, #tpu.memory_space<vmem>>)
        %dma_start3A_512 = arith.constant 0 : i32
        %dma_start3A_513 = arith.constant 0 : i32
        %dma_start3A_514 = arith.constant 0 : i32
        %dma_start3A_515 = arith.constant 0 : i32
        %dma_start3A_516 = arith.constant 0 : i32
        %dma_start3A_517 = tpu.memref_slice %arg6[%dma_start3A_514, %dma_start3A_515, %dma_start3A_516] : memref<2x128x64xf32, #tpu.memory_space<vmem>> -> memref<1x128x64xf32, #tpu.memory_space<vmem>>
        %dma_start3A_518 = tpu.memref_squeeze %dma_start3A_517 : memref<1x128x64xf32, #tpu.memory_space<vmem>> -> memref<128x64xf32, #tpu.memory_space<vmem>>
        %dma_start3A_519 = arith.constant 0 : i32
        %dma_start3A_520 = arith.constant 0 : i32
        %dma_start3A_521 = tpu.memref_slice %arg5[%dma_start3A_512, %dma_start3A_519, %dma_start3A_520] : memref<2x1x128xi32, #tpu.memory_space<vmem>> -> memref<1x1x128xi32, #tpu.memory_space<vmem>>
        %dma_start3A_522 = tpu.memref_squeeze %dma_start3A_521 : memref<1x1x128xi32, #tpu.memory_space<vmem>> -> memref<1x128xi32, #tpu.memory_space<vmem>>
        %dma_start3A_523 = arith.constant 0 : i32
        %dma_start3A_524 = tpu.memref_slice %dma_start3A_522[%dma_start3A_513, %dma_start3A_523] : memref<1x128xi32, #tpu.memory_space<vmem>> -> memref<1x128xi32, #tpu.memory_space<vmem>>
        %dma_start3A_525 = tpu.memref_squeeze %dma_start3A_524 : memref<1x128xi32, #tpu.memory_space<vmem>> -> memref<128xi32, #tpu.memory_space<vmem>>
        %dma_start3A_526 = arith.constant 0 : i32
        %dma_start3A_527 = arith.constant 0 : i32
        %dma_start3A_528 = tpu.memref_slice %arg9[%dma_start3A_526, %dma_start3A_527] : memref<1024x64xf32, #tpu.memory_space<vmem_shared>> -> memref<1024x64xf32, #tpu.memory_space<vmem_shared>>
        tpu.enqueue_indirect_dma source(%dma_start3A_528 : memref<1024x64xf32, #tpu.memory_space<vmem_shared>>) target(%dma_start3A_518 : memref<128x64xf32, #tpu.memory_space<vmem>>) offsets(%dma_start3A_525 : memref<128xi32, #tpu.memory_space<vmem>>) semaphore(%arg11 : memref<!tpu.dma_semaphore, #tpu.memory_space<semaphore_mem>>)
        %add3A_529 = arith.constant 2 : i32
        %add3A_530 = arith.addi %add3A_382, %add3A_529 : i32
        %lt3A_531 = arith.constant 800 : i32
        %lt3A_532 = arith.cmpi slt, %add3A_530, %lt3A_531 : i32
        %convert_element_type3A_533 = arith.extui %lt3A_532 : i1 to i32
        %cond3A_534 = arith.constant 0 : i32
        %cond3A_535 = arith.cmpi ne, %convert_element_type3A_533, %cond3A_534 : i32
        scf.if %cond3A_535 {
          %add3A_536 = arith.constant 2 : i32
          %add3A_537 = arith.addi %add3A_382, %add3A_536 : i32
          %add3A_538 = arith.addi %mul3A_2, %add3A_537 : i32
          %dma_start3A_539 = arith.constant 1 : i32
          %dma_start3A_540 = arith.constant 0 : i32
          %dma_start3A_541 = arith.constant 0 : i32
          %dma_start3A_542 = tpu.memref_slice %arg5[%dma_start3A_539, %dma_start3A_540, %dma_start3A_541] : memref<2x1x128xi32, #tpu.memory_space<vmem>> -> memref<1x1x128xi32, #tpu.memory_space<vmem>>
          %dma_start3A_543 = tpu.memref_squeeze %dma_start3A_542 : memref<1x1x128xi32, #tpu.memory_space<vmem>> -> memref<1x128xi32, #tpu.memory_space<vmem>>
          %dma_start3A_544 = arith.constant 0 : i32
          %dma_start3A_545 = tpu.memref_slice %arg3[%add3A_538, %dma_start3A_544] : memref<25600x128xi32, #tpu.memory_space<hbm>> -> memref<1x128xi32, #tpu.memory_space<hbm>>
          %dma_start3A_546 = arith.constant 0 : i32
          %dma_start3A_547 = arith.constant 0 : i32
          %dma_start3A_548 = tpu.memref_slice %arg5[%dma_start3A_539, %dma_start3A_546, %dma_start3A_547] : memref<2x1x128xi32, #tpu.memory_space<vmem>> -> memref<1x1x128xi32, #tpu.memory_space<vmem>>
          %dma_start3A_549 = tpu.memref_squeeze %dma_start3A_548 : memref<1x1x128xi32, #tpu.memory_space<vmem>> -> memref<1x128xi32, #tpu.memory_space<vmem>>
          %dma_start3A_550 = arith.constant 0 : i32
          %dma_start3A_551 = tpu.memref_slice %arg3[%add3A_538, %dma_start3A_550] : memref<25600x128xi32, #tpu.memory_space<hbm>> -> memref<1x128xi32, #tpu.memory_space<hbm>>
          tpu.enqueue_dma source(%dma_start3A_551 : memref<1x128xi32, #tpu.memory_space<hbm>>) target(%dma_start3A_549 : memref<1x128xi32, #tpu.memory_space<vmem>>) target_semaphore(%arg10 : memref<!tpu.dma_semaphore, #tpu.memory_space<semaphore_mem>>)
        } else {
        }
      } else {
      }
      %ge3A_407 = arith.constant 2 : i32
      %ge3A_408 = arith.cmpi sge, %add3A_382, %ge3A_407 : i32
      %convert_element_type3A_409 = arith.extui %ge3A_408 : i1 to i32
      %cond3A_410 = arith.constant 0 : i32
      %cond3A_411 = arith.cmpi ne, %convert_element_type3A_409, %cond3A_410 : i32
      scf.if %cond3A_411 {
        %sub3A_496 = arith.constant 2 : i32
        %sub3A_497 = arith.subi %add3A_382, %sub3A_496 : i32
        %add3A_498 = arith.addi %mul3A_2, %sub3A_497 : i32
        %jit3A_499 = arith.constant 1024 : i32
        %div3A_500 = arith.divsi %add3A_498, %jit3A_499 : i32
        %sign3A_501 = arith.constant 0 : i32
        %sign3A_502 = arith.cmpi sgt, %add3A_498, %sign3A_501 : i32
        %sign3A_503 = arith.extui %sign3A_502 : i1 to i32
        %sign3A_504 = arith.constant 0 : i32
        %sign3A_505 = arith.cmpi slt, %add3A_498, %sign3A_504 : i32
        %sign3A_506 = arith.extui %sign3A_505 : i1 to i32
        %sign3A_507 = arith.subi %sign3A_503, %sign3A_506 : i32
        %sign3A_508 = arith.constant 0 : i32
        %sign3A_509 = arith.cmpi sgt, %jit3A_499, %sign3A_508 : i32
        %sign3A_510 = arith.extui %sign3A_509 : i1 to i32
        %sign3A_511 = arith.constant 0 : i32
        %sign3A_512 = arith.cmpi slt, %jit3A_499, %sign3A_511 : i32
        %sign3A_513 = arith.extui %sign3A_512 : i1 to i32
        %sign3A_514 = arith.subi %sign3A_510, %sign3A_513 : i32
        %ne3A_515 = arith.cmpi ne, %sign3A_507, %sign3A_514 : i32
        %rem3A_516 = arith.remsi %add3A_498, %jit3A_499 : i32
        %ne3A_517 = arith.constant 0 : i32
        %ne3A_518 = arith.cmpi ne, %rem3A_516, %ne3A_517 : i32
        %and3A_519 = arith.andi %ne3A_515, %ne3A_518 : i1
        %sub3A_520 = arith.constant 1 : i32
        %sub3A_521 = arith.subi %div3A_500, %sub3A_520 : i32
        %select_n3A_522 = arith.select %and3A_519, %sub3A_521, %div3A_500 : i32
        %mul3A_523 = arith.constant 8 : i32
        %mul3A_524 = arith.muli %select_n3A_522, %mul3A_523 : i32
        %rem3A_525 = arith.constant 8 : i32
        %rem3A_526 = arith.remsi %add3A_498, %rem3A_525 : i32
        %add3A_527 = arith.addi %mul3A_524, %rem3A_526 : i32
        %jit3A_528 = arith.constant 8 : i32
        %div3A_529 = arith.divsi %add3A_498, %jit3A_528 : i32
        %sign3A_530 = arith.constant 0 : i32
        %sign3A_531 = arith.cmpi sgt, %add3A_498, %sign3A_530 : i32
        %sign3A_532 = arith.extui %sign3A_531 : i1 to i32
        %sign3A_533 = arith.constant 0 : i32
        %sign3A_534 = arith.cmpi slt, %add3A_498, %sign3A_533 : i32
        %sign3A_535 = arith.extui %sign3A_534 : i1 to i32
        %sign3A_536 = arith.subi %sign3A_532, %sign3A_535 : i32
        %sign3A_537 = arith.constant 0 : i32
        %sign3A_538 = arith.cmpi sgt, %jit3A_528, %sign3A_537 : i32
        %sign3A_539 = arith.extui %sign3A_538 : i1 to i32
        %sign3A_540 = arith.constant 0 : i32
        %sign3A_541 = arith.cmpi slt, %jit3A_528, %sign3A_540 : i32
        %sign3A_542 = arith.extui %sign3A_541 : i1 to i32
        %sign3A_543 = arith.subi %sign3A_539, %sign3A_542 : i32
        %ne3A_544 = arith.cmpi ne, %sign3A_536, %sign3A_543 : i32
        %rem3A_545 = arith.remsi %add3A_498, %jit3A_528 : i32
        %ne3A_546 = arith.constant 0 : i32
        %ne3A_547 = arith.cmpi ne, %rem3A_545, %ne3A_546 : i32
        %and3A_548 = arith.andi %ne3A_544, %ne3A_547 : i1
        %sub3A_549 = arith.constant 1 : i32
        %sub3A_550 = arith.subi %div3A_529, %sub3A_549 : i32
        %select_n3A_551 = arith.select %and3A_548, %sub3A_550, %div3A_529 : i32
        %rem3A_552 = arith.constant 128 : i32
        %rem3A_553 = arith.remsi %select_n3A_551, %rem3A_552 : i32
        %dma_wait3A_554 = arith.constant 1 : i32
        %dma_wait3A_555 = arith.constant 0 : i32
        %dma_wait3A_556 = arith.constant 0 : i32
        %dma_wait3A_557 = arith.constant 0 : i32
        %dma_wait3A_558 = tpu.memref_slice %arg8[%dma_wait3A_554, %dma_wait3A_555, %dma_wait3A_556, %dma_wait3A_557] : memref<2x8x8x128xf32, #tpu.memory_space<vmem>> -> memref<1x8x8x128xf32, #tpu.memory_space<vmem>>
        %dma_wait3A_559 = tpu.memref_squeeze %dma_wait3A_558 : memref<1x8x8x128xf32, #tpu.memory_space<vmem>> -> memref<8x8x128xf32, #tpu.memory_space<vmem>>
        %dma_wait3A_560 = arith.constant 0 : i32
        %dma_wait3A_561 = arith.constant 0 : i32
        %dma_wait3A_562 = arith.constant 0 : i32
        %dma_wait3A_563 = tpu.memref_slice %arg4[%add3A_527, %dma_wait3A_560, %rem3A_553, %dma_wait3A_561, %dma_wait3A_562] : memref<200x8x128x8x128xf32, #tpu.memory_space<hbm>> -> memref<1x8x1x8x128xf32, #tpu.memory_space<hbm>>
        %dma_wait3A_564 = tpu.memref_squeeze %dma_wait3A_563 : memref<1x8x1x8x128xf32, #tpu.memory_space<hbm>> -> memref<8x8x128xf32, #tpu.memory_space<hbm>>
        %dma_wait3A_565 = arith.constant 0 : i32
        %dma_wait3A_566 = arith.constant 0 : i32
        %dma_wait3A_567 = arith.constant 0 : i32
        %dma_wait3A_568 = tpu.memref_slice %arg4[%add3A_527, %dma_wait3A_565, %rem3A_553, %dma_wait3A_566, %dma_wait3A_567] : memref<200x8x128x8x128xf32, #tpu.memory_space<hbm>> -> memref<1x8x1x8x128xf32, #tpu.memory_space<hbm>>
        %dma_wait3A_569 = tpu.memref_squeeze %dma_wait3A_568 : memref<1x8x1x8x128xf32, #tpu.memory_space<hbm>> -> memref<8x8x128xf32, #tpu.memory_space<hbm>>
        %dma_wait3A_570 = arith.constant 0 : i32
        %dma_wait3A_571 = arith.constant 0 : i32
        %dma_wait3A_572 = arith.constant 0 : i32
        %dma_wait3A_573 = tpu.memref_slice %arg8[%dma_wait3A_554, %dma_wait3A_570, %dma_wait3A_571, %dma_wait3A_572] : memref<2x8x8x128xf32, #tpu.memory_space<vmem>> -> memref<1x8x8x128xf32, #tpu.memory_space<vmem>>
        %dma_wait3A_574 = tpu.memref_squeeze %dma_wait3A_573 : memref<1x8x8x128xf32, #tpu.memory_space<vmem>> -> memref<8x8x128xf32, #tpu.memory_space<vmem>>
        tpu.wait_dma2 semaphore(%arg12 : memref<!tpu.dma_semaphore, #tpu.memory_space<semaphore_mem>>) src(%dma_wait3A_574 : memref<8x8x128xf32, #tpu.memory_space<vmem>>) dst(%dma_wait3A_569 : memref<8x8x128xf32, #tpu.memory_space<hbm>>)
      } else {
      }
      %parallel_loop3A_412 = arith.constant 0 : i32
      %parallel_loop3A_413 = arith.constant 128 : i32
      %parallel_loop3A_414 = arith.constant 1 : i32
      %parallel_loop3A_415 = arith.constant 1 : i32
      scf.for %parallel_loop3A_496 = %parallel_loop3A_412 to %parallel_loop3A_413 step %parallel_loop3A_414  : i32 {
        %parallel_loop3A_497 = arith.constant 0 : i32
        %parallel_loop3A_498 = arith.constant 0 : i32
        %parallel_loop3A_499 = tpu.memref_slice %arg6[%parallel_loop3A_415, %parallel_loop3A_497, %parallel_loop3A_498] : memref<2x128x64xf32, #tpu.memory_space<vmem>> -> memref<1x128x64xf32, #tpu.memory_space<vmem>>
        %parallel_loop3A_500 = tpu.memref_squeeze %parallel_loop3A_499 : memref<1x128x64xf32, #tpu.memory_space<vmem>> -> memref<128x64xf32, #tpu.memory_space<vmem>>
        %parallel_loop3A_501 = arith.index_cast %parallel_loop3A_496 : i32 to index
        %parallel_loop3A_502 = arith.constant 0 : index
        %parallel_loop3A_503 = tpu.vector_load %parallel_loop3A_500[%parallel_loop3A_501, %parallel_loop3A_502] {strides = array<i32>} : memref<128x64xf32, #tpu.memory_space<vmem>>, vector<16xf32>,
        %parallel_loop3A_504 = arith.constant 73 : i32
        %parallel_loop3A_505 = arith.muli %parallel_loop3A_496, %parallel_loop3A_504 : i32
        %parallel_loop3A_506 = arith.constant 0 : i32
        %parallel_loop3A_507 = arith.addi %parallel_loop3A_505, %parallel_loop3A_506 : i32
        %parallel_loop3A_508 = arith.index_cast %parallel_loop3A_507 : i32 to index
        %parallel_loop3A_509 = tpu.vector_load %arg7[%parallel_loop3A_508] {strides = array<i32>} : memref<9344xf32, #tpu.memory_space<vmem>>, vector<16xf32>,
        tpu.vector_store %arg7[%parallel_loop3A_508], %parallel_loop3A_503 {strides = array<i32>} : memref<9344xf32, #tpu.memory_space<vmem>>, vector<16xf32>,
        %parallel_loop3A_510 = arith.constant 0 : i32
        %parallel_loop3A_511 = arith.constant 0 : i32
        %parallel_loop3A_512 = tpu.memref_slice %arg6[%parallel_loop3A_415, %parallel_loop3A_510, %parallel_loop3A_511] : memref<2x128x64xf32, #tpu.memory_space<vmem>> -> memref<1x128x64xf32, #tpu.memory_space<vmem>>
        %parallel_loop3A_513 = tpu.memref_squeeze %parallel_loop3A_512 : memref<1x128x64xf32, #tpu.memory_space<vmem>> -> memref<128x64xf32, #tpu.memory_space<vmem>>
        %parallel_loop3A_514 = arith.index_cast %parallel_loop3A_496 : i32 to index
        %parallel_loop3A_515 = arith.constant 16 : index
        %parallel_loop3A_516 = tpu.vector_load %parallel_loop3A_513[%parallel_loop3A_514, %parallel_loop3A_515] {strides = array<i32>} : memref<128x64xf32, #tpu.memory_space<vmem>>, vector<16xf32>,
        %parallel_loop3A_517 = arith.constant 73 : i32
        %parallel_loop3A_518 = arith.muli %parallel_loop3A_496, %parallel_loop3A_517 : i32
        %parallel_loop3A_519 = arith.constant 16 : i32
        %parallel_loop3A_520 = arith.addi %parallel_loop3A_518, %parallel_loop3A_519 : i32
        %parallel_loop3A_521 = arith.index_cast %parallel_loop3A_520 : i32 to index
        %parallel_loop3A_522 = tpu.vector_load %arg7[%parallel_loop3A_521] {strides = array<i32>} : memref<9344xf32, #tpu.memory_space<vmem>>, vector<16xf32>,
        tpu.vector_store %arg7[%parallel_loop3A_521], %parallel_loop3A_516 {strides = array<i32>} : memref<9344xf32, #tpu.memory_space<vmem>>, vector<16xf32>,
        %parallel_loop3A_523 = arith.constant 0 : i32
        %parallel_loop3A_524 = arith.constant 0 : i32
        %parallel_loop3A_525 = tpu.memref_slice %arg6[%parallel_loop3A_415, %parallel_loop3A_523, %parallel_loop3A_524] : memref<2x128x64xf32, #tpu.memory_space<vmem>> -> memref<1x128x64xf32, #tpu.memory_space<vmem>>
        %parallel_loop3A_526 = tpu.memref_squeeze %parallel_loop3A_525 : memref<1x128x64xf32, #tpu.memory_space<vmem>> -> memref<128x64xf32, #tpu.memory_space<vmem>>
        %parallel_loop3A_527 = arith.index_cast %parallel_loop3A_496 : i32 to index
        %parallel_loop3A_528 = arith.constant 32 : index
        %parallel_loop3A_529 = tpu.vector_load %parallel_loop3A_526[%parallel_loop3A_527, %parallel_loop3A_528] {strides = array<i32>} : memref<128x64xf32, #tpu.memory_space<vmem>>, vector<16xf32>,
        %parallel_loop3A_530 = arith.constant 73 : i32
        %parallel_loop3A_531 = arith.muli %parallel_loop3A_496, %parallel_loop3A_530 : i32
        %parallel_loop3A_532 = arith.constant 32 : i32
        %parallel_loop3A_533 = arith.addi %parallel_loop3A_531, %parallel_loop3A_532 : i32
        %parallel_loop3A_534 = arith.index_cast %parallel_loop3A_533 : i32 to index
        %parallel_loop3A_535 = tpu.vector_load %arg7[%parallel_loop3A_534] {strides = array<i32>} : memref<9344xf32, #tpu.memory_space<vmem>>, vector<16xf32>,
        tpu.vector_store %arg7[%parallel_loop3A_534], %parallel_loop3A_529 {strides = array<i32>} : memref<9344xf32, #tpu.memory_space<vmem>>, vector<16xf32>,
        %parallel_loop3A_536 = arith.constant 0 : i32
        %parallel_loop3A_537 = arith.constant 0 : i32
        %parallel_loop3A_538 = tpu.memref_slice %arg6[%parallel_loop3A_415, %parallel_loop3A_536, %parallel_loop3A_537] : memref<2x128x64xf32, #tpu.memory_space<vmem>> -> memref<1x128x64xf32, #tpu.memory_space<vmem>>
        %parallel_loop3A_539 = tpu.memref_squeeze %parallel_loop3A_538 : memref<1x128x64xf32, #tpu.memory_space<vmem>> -> memref<128x64xf32, #tpu.memory_space<vmem>>
        %parallel_loop3A_540 = arith.index_cast %parallel_loop3A_496 : i32 to index
        %parallel_loop3A_541 = arith.constant 48 : index
        %parallel_loop3A_542 = tpu.vector_load %parallel_loop3A_539[%parallel_loop3A_540, %parallel_loop3A_541] {strides = array<i32>} : memref<128x64xf32, #tpu.memory_space<vmem>>, vector<16xf32>,
        %parallel_loop3A_543 = arith.constant 73 : i32
        %parallel_loop3A_544 = arith.muli %parallel_loop3A_496, %parallel_loop3A_543 : i32
        %parallel_loop3A_545 = arith.constant 48 : i32
        %parallel_loop3A_546 = arith.addi %parallel_loop3A_544, %parallel_loop3A_545 : i32
        %parallel_loop3A_547 = arith.index_cast %parallel_loop3A_546 : i32 to index
        %parallel_loop3A_548 = tpu.vector_load %arg7[%parallel_loop3A_547] {strides = array<i32>} : memref<9344xf32, #tpu.memory_space<vmem>>, vector<16xf32>,
        tpu.vector_store %arg7[%parallel_loop3A_547], %parallel_loop3A_542 {strides = array<i32>} : memref<9344xf32, #tpu.memory_space<vmem>>, vector<16xf32>,
      } {sc.loop_unroll_factor = 8 : i64, sc.parallel_access}
      %parallel_loop3A_416 = arith.constant 0 : i32
      %parallel_loop3A_417 = arith.constant 64 : i32
      %parallel_loop3A_418 = arith.constant 1 : i32
      scf.for %parallel_loop3A_496 = %parallel_loop3A_416 to %parallel_loop3A_417 step %parallel_loop3A_418  : i32 {
        %parallel_loop3A_497 = arith.constant 8 : i32
        %parallel_loop3A_498 = arith.divsi %parallel_loop3A_496, %parallel_loop3A_497 : i32
        %parallel_loop3A_499 = arith.constant 0 : i32
        %parallel_loop3A_500 = arith.cmpi sgt, %parallel_loop3A_496, %parallel_loop3A_499 : i32
        %parallel_loop3A_501 = arith.extui %parallel_loop3A_500 : i1 to i32
        %parallel_loop3A_502 = arith.constant 0 : i32
        %parallel_loop3A_503 = arith.cmpi slt, %parallel_loop3A_496, %parallel_loop3A_502 : i32
        %parallel_loop3A_504 = arith.extui %parallel_loop3A_503 : i1 to i32
        %parallel_loop3A_505 = arith.subi %parallel_loop3A_501, %parallel_loop3A_504 : i32
        %parallel_loop3A_506 = arith.constant 0 : i32
        %parallel_loop3A_507 = arith.cmpi sgt, %parallel_loop3A_497, %parallel_loop3A_506 : i32
        %parallel_loop3A_508 = arith.extui %parallel_loop3A_507 : i1 to i32
        %parallel_loop3A_509 = arith.constant 0 : i32
        %parallel_loop3A_510 = arith.cmpi slt, %parallel_loop3A_497, %parallel_loop3A_509 : i32
        %parallel_loop3A_511 = arith.extui %parallel_loop3A_510 : i1 to i32
        %parallel_loop3A_512 = arith.subi %parallel_loop3A_508, %parallel_loop3A_511 : i32
        %parallel_loop3A_513 = arith.cmpi ne, %parallel_loop3A_505, %parallel_loop3A_512 : i32
        %parallel_loop3A_514 = arith.remsi %parallel_loop3A_496, %parallel_loop3A_497 : i32
        %parallel_loop3A_515 = arith.constant 0 : i32
        %parallel_loop3A_516 = arith.cmpi ne, %parallel_loop3A_514, %parallel_loop3A_515 : i32
        %parallel_loop3A_517 = arith.andi %parallel_loop3A_513, %parallel_loop3A_516 : i1
        %parallel_loop3A_518 = arith.constant 1 : i32
        %parallel_loop3A_519 = arith.subi %parallel_loop3A_498, %parallel_loop3A_518 : i32
        %parallel_loop3A_520 = arith.select %parallel_loop3A_517, %parallel_loop3A_519, %parallel_loop3A_498 : i32
        %parallel_loop3A_521 = arith.constant 8 : i32
        %parallel_loop3A_522 = arith.remsi %parallel_loop3A_496, %parallel_loop3A_521 : i32
        %parallel_loop3A_523 = vector.broadcast %parallel_loop3A_496 : i32 to vector<16xi32>
        %parallel_loop3A_524 = arith.addi %mul3A_10, %parallel_loop3A_523 : vector<16xi32>
        %parallel_loop3A_525 = tpu.vector_load_idx %arg7[%parallel_loop3A_524] : memref<9344xf32, #tpu.memory_space<vmem>>[vector<16xi32>], vector<16xf32>,
        %parallel_loop3A_526 = arith.constant 1 : i32
        %parallel_loop3A_527 = arith.index_cast %parallel_loop3A_526 : i32 to index
        %parallel_loop3A_528 = arith.index_cast %parallel_loop3A_520 : i32 to index
        %parallel_loop3A_529 = arith.index_cast %parallel_loop3A_522 : i32 to index
        %parallel_loop3A_530 = arith.constant 0 : index
        %parallel_loop3A_531 = tpu.vector_load %arg8[%parallel_loop3A_527, %parallel_loop3A_528, %parallel_loop3A_529, %parallel_loop3A_530] {strides = array<i32>} : memref<2x8x8x128xf32, #tpu.memory_space<vmem>>, vector<16xf32>,
        tpu.vector_store %arg8[%parallel_loop3A_527, %parallel_loop3A_528, %parallel_loop3A_529, %parallel_loop3A_530], %parallel_loop3A_525 {strides = array<i32>} : memref<2x8x8x128xf32, #tpu.memory_space<vmem>>, vector<16xf32>,
        %parallel_loop3A_532 = vector.broadcast %parallel_loop3A_496 : i32 to vector<16xi32>
        %parallel_loop3A_533 = arith.addi %mul3A_16, %parallel_loop3A_532 : vector<16xi32>
        %parallel_loop3A_534 = tpu.vector_load_idx %arg7[%parallel_loop3A_533] : memref<9344xf32, #tpu.memory_space<vmem>>[vector<16xi32>], vector<16xf32>,
        %parallel_loop3A_535 = arith.constant 1 : i32
        %parallel_loop3A_536 = arith.index_cast %parallel_loop3A_535 : i32 to index
        %parallel_loop3A_537 = arith.index_cast %parallel_loop3A_520 : i32 to index
        %parallel_loop3A_538 = arith.index_cast %parallel_loop3A_522 : i32 to index
        %parallel_loop3A_539 = arith.constant 16 : index
        %parallel_loop3A_540 = tpu.vector_load %arg8[%parallel_loop3A_536, %parallel_loop3A_537, %parallel_loop3A_538, %parallel_loop3A_539] {strides = array<i32>} : memref<2x8x8x128xf32, #tpu.memory_space<vmem>>, vector<16xf32>,
        tpu.vector_store %arg8[%parallel_loop3A_536, %parallel_loop3A_537, %parallel_loop3A_538, %parallel_loop3A_539], %parallel_loop3A_534 {strides = array<i32>} : memref<2x8x8x128xf32, #tpu.memory_space<vmem>>, vector<16xf32>,
        %parallel_loop3A_541 = vector.broadcast %parallel_loop3A_496 : i32 to vector<16xi32>
        %parallel_loop3A_542 = arith.addi %mul3A_22, %parallel_loop3A_541 : vector<16xi32>
        %parallel_loop3A_543 = tpu.vector_load_idx %arg7[%parallel_loop3A_542] : memref<9344xf32, #tpu.memory_space<vmem>>[vector<16xi32>], vector<16xf32>,
        %parallel_loop3A_544 = arith.constant 1 : i32
        %parallel_loop3A_545 = arith.index_cast %parallel_loop3A_544 : i32 to index
        %parallel_loop3A_546 = arith.index_cast %parallel_loop3A_520 : i32 to index
        %parallel_loop3A_547 = arith.index_cast %parallel_loop3A_522 : i32 to index
        %parallel_loop3A_548 = arith.constant 32 : index
        %parallel_loop3A_549 = tpu.vector_load %arg8[%parallel_loop3A_545, %parallel_loop3A_546, %parallel_loop3A_547, %parallel_loop3A_548] {strides = array<i32>} : memref<2x8x8x128xf32, #tpu.memory_space<vmem>>, vector<16xf32>,
        tpu.vector_store %arg8[%parallel_loop3A_545, %parallel_loop3A_546, %parallel_loop3A_547, %parallel_loop3A_548], %parallel_loop3A_543 {strides = array<i32>} : memref<2x8x8x128xf32, #tpu.memory_space<vmem>>, vector<16xf32>,
        %parallel_loop3A_550 = vector.broadcast %parallel_loop3A_496 : i32 to vector<16xi32>
        %parallel_loop3A_551 = arith.addi %mul3A_28, %parallel_loop3A_550 : vector<16xi32>
        %parallel_loop3A_552 = tpu.vector_load_idx %arg7[%parallel_loop3A_551] : memref<9344xf32, #tpu.memory_space<vmem>>[vector<16xi32>], vector<16xf32>,
        %parallel_loop3A_553 = arith.constant 1 : i32
        %parallel_loop3A_554 = arith.index_cast %parallel_loop3A_553 : i32 to index
        %parallel_loop3A_555 = arith.index_cast %parallel_loop3A_520 : i32 to index
        %parallel_loop3A_556 = arith.index_cast %parallel_loop3A_522 : i32 to index
        %parallel_loop3A_557 = arith.constant 48 : index
        %parallel_loop3A_558 = tpu.vector_load %arg8[%parallel_loop3A_554, %parallel_loop3A_555, %parallel_loop3A_556, %parallel_loop3A_557] {strides = array<i32>} : memref<2x8x8x128xf32, #tpu.memory_space<vmem>>, vector<16xf32>,
        tpu.vector_store %arg8[%parallel_loop3A_554, %parallel_loop3A_555, %parallel_loop3A_556, %parallel_loop3A_557], %parallel_loop3A_552 {strides = array<i32>} : memref<2x8x8x128xf32, #tpu.memory_space<vmem>>, vector<16xf32>,
        %parallel_loop3A_559 = vector.broadcast %parallel_loop3A_496 : i32 to vector<16xi32>
        %parallel_loop3A_560 = arith.addi %mul3A_34, %parallel_loop3A_559 : vector<16xi32>
        %parallel_loop3A_561 = tpu.vector_load_idx %arg7[%parallel_loop3A_560] : memref<9344xf32, #tpu.memory_space<vmem>>[vector<16xi32>], vector<16xf32>,
        %parallel_loop3A_562 = arith.constant 1 : i32
        %parallel_loop3A_563 = arith.index_cast %parallel_loop3A_562 : i32 to index
        %parallel_loop3A_564 = arith.index_cast %parallel_loop3A_520 : i32 to index
        %parallel_loop3A_565 = arith.index_cast %parallel_loop3A_522 : i32 to index
        %parallel_loop3A_566 = arith.constant 64 : index
        %parallel_loop3A_567 = tpu.vector_load %arg8[%parallel_loop3A_563, %parallel_loop3A_564, %parallel_loop3A_565, %parallel_loop3A_566] {strides = array<i32>} : memref<2x8x8x128xf32, #tpu.memory_space<vmem>>, vector<16xf32>,
        tpu.vector_store %arg8[%parallel_loop3A_563, %parallel_loop3A_564, %parallel_loop3A_565, %parallel_loop3A_566], %parallel_loop3A_561 {strides = array<i32>} : memref<2x8x8x128xf32, #tpu.memory_space<vmem>>, vector<16xf32>,
        %parallel_loop3A_568 = vector.broadcast %parallel_loop3A_496 : i32 to vector<16xi32>
        %parallel_loop3A_569 = arith.addi %mul3A_40, %parallel_loop3A_568 : vector<16xi32>
        %parallel_loop3A_570 = tpu.vector_load_idx %arg7[%parallel_loop3A_569] : memref<9344xf32, #tpu.memory_space<vmem>>[vector<16xi32>], vector<16xf32>,
        %parallel_loop3A_571 = arith.constant 1 : i32
        %parallel_loop3A_572 = arith.index_cast %parallel_loop3A_571 : i32 to index
        %parallel_loop3A_573 = arith.index_cast %parallel_loop3A_520 : i32 to index
        %parallel_loop3A_574 = arith.index_cast %parallel_loop3A_522 : i32 to index
        %parallel_loop3A_575 = arith.constant 80 : index
        %parallel_loop3A_576 = tpu.vector_load %arg8[%parallel_loop3A_572, %parallel_loop3A_573, %parallel_loop3A_574, %parallel_loop3A_575] {strides = array<i32>} : memref<2x8x8x128xf32, #tpu.memory_space<vmem>>, vector<16xf32>,
        tpu.vector_store %arg8[%parallel_loop3A_572, %parallel_loop3A_573, %parallel_loop3A_574, %parallel_loop3A_575], %parallel_loop3A_570 {strides = array<i32>} : memref<2x8x8x128xf32, #tpu.memory_space<vmem>>, vector<16xf32>,
        %parallel_loop3A_577 = vector.broadcast %parallel_loop3A_496 : i32 to vector<16xi32>
        %parallel_loop3A_578 = arith.addi %mul3A_46, %parallel_loop3A_577 : vector<16xi32>
        %parallel_loop3A_579 = tpu.vector_load_idx %arg7[%parallel_loop3A_578] : memref<9344xf32, #tpu.memory_space<vmem>>[vector<16xi32>], vector<16xf32>,
        %parallel_loop3A_580 = arith.constant 1 : i32
        %parallel_loop3A_581 = arith.index_cast %parallel_loop3A_580 : i32 to index
        %parallel_loop3A_582 = arith.index_cast %parallel_loop3A_520 : i32 to index
        %parallel_loop3A_583 = arith.index_cast %parallel_loop3A_522 : i32 to index
        %parallel_loop3A_584 = arith.constant 96 : index
        %parallel_loop3A_585 = tpu.vector_load %arg8[%parallel_loop3A_581, %parallel_loop3A_582, %parallel_loop3A_583, %parallel_loop3A_584] {strides = array<i32>} : memref<2x8x8x128xf32, #tpu.memory_space<vmem>>, vector<16xf32>,
        tpu.vector_store %arg8[%parallel_loop3A_581, %parallel_loop3A_582, %parallel_loop3A_583, %parallel_loop3A_584], %parallel_loop3A_579 {strides = array<i32>} : memref<2x8x8x128xf32, #tpu.memory_space<vmem>>, vector<16xf32>,
        %parallel_loop3A_586 = vector.broadcast %parallel_loop3A_496 : i32 to vector<16xi32>
        %parallel_loop3A_587 = arith.addi %mul3A_52, %parallel_loop3A_586 : vector<16xi32>
        %parallel_loop3A_588 = tpu.vector_load_idx %arg7[%parallel_loop3A_587] : memref<9344xf32, #tpu.memory_space<vmem>>[vector<16xi32>], vector<16xf32>,
        %parallel_loop3A_589 = arith.constant 1 : i32
        %parallel_loop3A_590 = arith.index_cast %parallel_loop3A_589 : i32 to index
        %parallel_loop3A_591 = arith.index_cast %parallel_loop3A_520 : i32 to index
        %parallel_loop3A_592 = arith.index_cast %parallel_loop3A_522 : i32 to index
        %parallel_loop3A_593 = arith.constant 112 : index
        %parallel_loop3A_594 = tpu.vector_load %arg8[%parallel_loop3A_590, %parallel_loop3A_591, %parallel_loop3A_592, %parallel_loop3A_593] {strides = array<i32>} : memref<2x8x8x128xf32, #tpu.memory_space<vmem>>, vector<16xf32>,
        tpu.vector_store %arg8[%parallel_loop3A_590, %parallel_loop3A_591, %parallel_loop3A_592, %parallel_loop3A_593], %parallel_loop3A_588 {strides = array<i32>} : memref<2x8x8x128xf32, #tpu.memory_space<vmem>>, vector<16xf32>,
      } {sc.loop_unroll_factor = 4 : i64, sc.parallel_access}
      %add3A_419 = arith.addi %mul3A_2, %add3A_382 : i32
      %jit3A_420 = arith.constant 1024 : i32
      %div3A_421 = arith.divsi %add3A_419, %jit3A_420 : i32
      %sign3A_422 = arith.constant 0 : i32
      %sign3A_423 = arith.cmpi sgt, %add3A_419, %sign3A_422 : i32
      %sign3A_424 = arith.extui %sign3A_423 : i1 to i32
      %sign3A_425 = arith.constant 0 : i32
      %sign3A_426 = arith.cmpi slt, %add3A_419, %sign3A_425 : i32
      %sign3A_427 = arith.extui %sign3A_426 : i1 to i32
      %sign3A_428 = arith.subi %sign3A_424, %sign3A_427 : i32
      %sign3A_429 = arith.constant 0 : i32
      %sign3A_430 = arith.cmpi sgt, %jit3A_420, %sign3A_429 : i32
      %sign3A_431 = arith.extui %sign3A_430 : i1 to i32
      %sign3A_432 = arith.constant 0 : i32
      %sign3A_433 = arith.cmpi slt, %jit3A_420, %sign3A_432 : i32
      %sign3A_434 = arith.extui %sign3A_433 : i1 to i32
      %sign3A_435 = arith.subi %sign3A_431, %sign3A_434 : i32
      %ne3A_436 = arith.cmpi ne, %sign3A_428, %sign3A_435 : i32
      %rem3A_437 = arith.remsi %add3A_419, %jit3A_420 : i32
      %ne3A_438 = arith.constant 0 : i32
      %ne3A_439 = arith.cmpi ne, %rem3A_437, %ne3A_438 : i32
      %and3A_440 = arith.andi %ne3A_436, %ne3A_439 : i1
      %sub3A_441 = arith.constant 1 : i32
      %sub3A_442 = arith.subi %div3A_421, %sub3A_441 : i32
      %select_n3A_443 = arith.select %and3A_440, %sub3A_442, %div3A_421 : i32
      %mul3A_444 = arith.constant 8 : i32
      %mul3A_445 = arith.muli %select_n3A_443, %mul3A_444 : i32
      %rem3A_446 = arith.constant 8 : i32
      %rem3A_447 = arith.remsi %add3A_419, %rem3A_446 : i32
      %add3A_448 = arith.addi %mul3A_445, %rem3A_447 : i32
      %jit3A_449 = arith.constant 8 : i32
      %div3A_450 = arith.divsi %add3A_419, %jit3A_449 : i32
      %sign3A_451 = arith.constant 0 : i32
      %sign3A_452 = arith.cmpi sgt, %add3A_419, %sign3A_451 : i32
      %sign3A_453 = arith.extui %sign3A_452 : i1 to i32
      %sign3A_454 = arith.constant 0 : i32
      %sign3A_455 = arith.cmpi slt, %add3A_419, %sign3A_454 : i32
      %sign3A_456 = arith.extui %sign3A_455 : i1 to i32
      %sign3A_457 = arith.subi %sign3A_453, %sign3A_456 : i32
      %sign3A_458 = arith.constant 0 : i32
      %sign3A_459 = arith.cmpi sgt, %jit3A_449, %sign3A_458 : i32
      %sign3A_460 = arith.extui %sign3A_459 : i1 to i32
      %sign3A_461 = arith.constant 0 : i32
      %sign3A_462 = arith.cmpi slt, %jit3A_449, %sign3A_461 : i32
      %sign3A_463 = arith.extui %sign3A_462 : i1 to i32
      %sign3A_464 = arith.subi %sign3A_460, %sign3A_463 : i32
      %ne3A_465 = arith.cmpi ne, %sign3A_457, %sign3A_464 : i32
      %rem3A_466 = arith.remsi %add3A_419, %jit3A_449 : i32
      %ne3A_467 = arith.constant 0 : i32
      %ne3A_468 = arith.cmpi ne, %rem3A_466, %ne3A_467 : i32
      %and3A_469 = arith.andi %ne3A_465, %ne3A_468 : i1
      %sub3A_470 = arith.constant 1 : i32
      %sub3A_471 = arith.subi %div3A_450, %sub3A_470 : i32
      %select_n3A_472 = arith.select %and3A_469, %sub3A_471, %div3A_450 : i32
      %rem3A_473 = arith.constant 128 : i32
      %rem3A_474 = arith.remsi %select_n3A_472, %rem3A_473 : i32
      %dma_start3A_475 = arith.constant 1 : i32
      %dma_start3A_476 = arith.constant 0 : i32
      %dma_start3A_477 = arith.constant 0 : i32
      %dma_start3A_478 = arith.constant 0 : i32
      %dma_start3A_479 = tpu.memref_slice %arg8[%dma_start3A_475, %dma_start3A_476, %dma_start3A_477, %dma_start3A_478] : memref<2x8x8x128xf32, #tpu.memory_space<vmem>> -> memref<1x8x8x128xf32, #tpu.memory_space<vmem>>
      %dma_start3A_480 = tpu.memref_squeeze %dma_start3A_479 : memref<1x8x8x128xf32, #tpu.memory_space<vmem>> -> memref<8x8x128xf32, #tpu.memory_space<vmem>>
      %dma_start3A_481 = arith.constant 0 : i32
      %dma_start3A_482 = arith.constant 0 : i32
      %dma_start3A_483 = arith.constant 0 : i32
      %dma_start3A_484 = tpu.memref_slice %arg4[%add3A_448, %dma_start3A_481, %rem3A_474, %dma_start3A_482, %dma_start3A_483] : memref<200x8x128x8x128xf32, #tpu.memory_space<hbm>> -> memref<1x8x1x8x128xf32, #tpu.memory_space<hbm>>
      %dma_start3A_485 = tpu.memref_squeeze %dma_start3A_484 : memref<1x8x1x8x128xf32, #tpu.memory_space<hbm>> -> memref<8x8x128xf32, #tpu.memory_space<hbm>>
      %dma_start3A_486 = arith.constant 0 : i32
      %dma_start3A_487 = arith.constant 0 : i32
      %dma_start3A_488 = arith.constant 0 : i32
      %dma_start3A_489 = tpu.memref_slice %arg4[%add3A_448, %dma_start3A_486, %rem3A_474, %dma_start3A_487, %dma_start3A_488] : memref<200x8x128x8x128xf32, #tpu.memory_space<hbm>> -> memref<1x8x1x8x128xf32, #tpu.memory_space<hbm>>
      %dma_start3A_490 = tpu.memref_squeeze %dma_start3A_489 : memref<1x8x1x8x128xf32, #tpu.memory_space<hbm>> -> memref<8x8x128xf32, #tpu.memory_space<hbm>>
      %dma_start3A_491 = arith.constant 0 : i32
      %dma_start3A_492 = arith.constant 0 : i32
      %dma_start3A_493 = arith.constant 0 : i32
      %dma_start3A_494 = tpu.memref_slice %arg8[%dma_start3A_475, %dma_start3A_491, %dma_start3A_492, %dma_start3A_493] : memref<2x8x8x128xf32, #tpu.memory_space<vmem>> -> memref<1x8x8x128xf32, #tpu.memory_space<vmem>>
      %dma_start3A_495 = tpu.memref_squeeze %dma_start3A_494 : memref<1x8x8x128xf32, #tpu.memory_space<vmem>> -> memref<8x8x128xf32, #tpu.memory_space<vmem>>
      tpu.enqueue_dma source(%dma_start3A_495 : memref<8x8x128xf32, #tpu.memory_space<vmem>>) target(%dma_start3A_490 : memref<8x8x128xf32, #tpu.memory_space<hbm>>) target_semaphore(%arg12 : memref<!tpu.dma_semaphore, #tpu.memory_space<semaphore_mem>>)
    }
    %scan3A_115 = arith.constant 400 : i32
    %add3A_116 = arith.constant 798 : i32
    %add3A_117 = arith.addi %mul3A_2, %add3A_116 : i32
    %jit3A = arith.constant 1024 : i32
    %div3A = arith.divsi %add3A_117, %jit3A : i32
    %sign3A = arith.constant 0 : i32
    %sign3A_118 = arith.cmpi sgt, %add3A_117, %sign3A : i32
    %sign3A_119 = arith.extui %sign3A_118 : i1 to i32
    %sign3A_120 = arith.constant 0 : i32
    %sign3A_121 = arith.cmpi slt, %add3A_117, %sign3A_120 : i32
    %sign3A_122 = arith.extui %sign3A_121 : i1 to i32
    %sign3A_123 = arith.subi %sign3A_119, %sign3A_122 : i32
    %sign3A_124 = arith.constant 0 : i32
    %sign3A_125 = arith.cmpi sgt, %jit3A, %sign3A_124 : i32
    %sign3A_126 = arith.extui %sign3A_125 : i1 to i32
    %sign3A_127 = arith.constant 0 : i32
    %sign3A_128 = arith.cmpi slt, %jit3A, %sign3A_127 : i32
    %sign3A_129 = arith.extui %sign3A_128 : i1 to i32
    %sign3A_130 = arith.subi %sign3A_126, %sign3A_129 : i32
    %ne3A = arith.cmpi ne, %sign3A_123, %sign3A_130 : i32
    %rem3A = arith.remsi %add3A_117, %jit3A : i32
    %ne3A_131 = arith.constant 0 : i32
    %ne3A_132 = arith.cmpi ne, %rem3A, %ne3A_131 : i32
    %and3A = arith.andi %ne3A, %ne3A_132 : i1
    %sub3A = arith.constant 1 : i32
    %sub3A_133 = arith.subi %div3A, %sub3A : i32
    %select_n3A = arith.select %and3A, %sub3A_133, %div3A : i32
    %mul3A_134 = arith.constant 8 : i32
    %mul3A_135 = arith.muli %select_n3A, %mul3A_134 : i32
    %rem3A_136 = arith.constant 8 : i32
    %rem3A_137 = arith.remsi %add3A_117, %rem3A_136 : i32
    %add3A_138 = arith.addi %mul3A_135, %rem3A_137 : i32
    %jit3A_139 = arith.constant 8 : i32
    %div3A_140 = arith.divsi %add3A_117, %jit3A_139 : i32
    %sign3A_141 = arith.constant 0 : i32
    %sign3A_142 = arith.cmpi sgt, %add3A_117, %sign3A_141 : i32
    %sign3A_143 = arith.extui %sign3A_142 : i1 to i32
    %sign3A_144 = arith.constant 0 : i32
    %sign3A_145 = arith.cmpi slt, %add3A_117, %sign3A_144 : i32
    %sign3A_146 = arith.extui %sign3A_145 : i1 to i32
    %sign3A_147 = arith.subi %sign3A_143, %sign3A_146 : i32
    %sign3A_148 = arith.constant 0 : i32
    %sign3A_149 = arith.cmpi sgt, %jit3A_139, %sign3A_148 : i32
    %sign3A_150 = arith.extui %sign3A_149 : i1 to i32
    %sign3A_151 = arith.constant 0 : i32
    %sign3A_152 = arith.cmpi slt, %jit3A_139, %sign3A_151 : i32
    %sign3A_153 = arith.extui %sign3A_152 : i1 to i32
    %sign3A_154 = arith.subi %sign3A_150, %sign3A_153 : i32
    %ne3A_155 = arith.cmpi ne, %sign3A_147, %sign3A_154 : i32
    %rem3A_156 = arith.remsi %add3A_117, %jit3A_139 : i32
    %ne3A_157 = arith.constant 0 : i32
    %ne3A_158 = arith.cmpi ne, %rem3A_156, %ne3A_157 : i32
    %and3A_159 = arith.andi %ne3A_155, %ne3A_158 : i1
    %sub3A_160 = arith.constant 1 : i32
    %sub3A_161 = arith.subi %div3A_140, %sub3A_160 : i32
    %select_n3A_162 = arith.select %and3A_159, %sub3A_161, %div3A_140 : i32
    %rem3A_163 = arith.constant 128 : i32
    %rem3A_164 = arith.remsi %select_n3A_162, %rem3A_163 : i32
    %dma_wait3A_165 = arith.constant 0 : i32
    %dma_wait3A_166 = arith.constant 0 : i32
    %dma_wait3A_167 = arith.constant 0 : i32
    %dma_wait3A_168 = arith.constant 0 : i32
    %dma_wait3A_169 = tpu.memref_slice %arg8[%dma_wait3A_165, %dma_wait3A_166, %dma_wait3A_167, %dma_wait3A_168] : memref<2x8x8x128xf32, #tpu.memory_space<vmem>> -> memref<1x8x8x128xf32, #tpu.memory_space<vmem>>
    %dma_wait3A_170 = tpu.memref_squeeze %dma_wait3A_169 : memref<1x8x8x128xf32, #tpu.memory_space<vmem>> -> memref<8x8x128xf32, #tpu.memory_space<vmem>>
    %dma_wait3A_171 = arith.constant 0 : i32
    %dma_wait3A_172 = arith.constant 0 : i32
    %dma_wait3A_173 = arith.constant 0 : i32
    %dma_wait3A_174 = tpu.memref_slice %arg4[%add3A_138, %dma_wait3A_171, %rem3A_164, %dma_wait3A_172, %dma_wait3A_173] : memref<200x8x128x8x128xf32, #tpu.memory_space<hbm>> -> memref<1x8x1x8x128xf32, #tpu.memory_space<hbm>>
    %dma_wait3A_175 = tpu.memref_squeeze %dma_wait3A_174 : memref<1x8x1x8x128xf32, #tpu.memory_space<hbm>> -> memref<8x8x128xf32, #tpu.memory_space<hbm>>
    %dma_wait3A_176 = arith.constant 0 : i32
    %dma_wait3A_177 = arith.constant 0 : i32
    %dma_wait3A_178 = arith.constant 0 : i32
    %dma_wait3A_179 = tpu.memref_slice %arg4[%add3A_138, %dma_wait3A_176, %rem3A_164, %dma_wait3A_177, %dma_wait3A_178] : memref<200x8x128x8x128xf32, #tpu.memory_space<hbm>> -> memref<1x8x1x8x128xf32, #tpu.memory_space<hbm>>
    %dma_wait3A_180 = tpu.memref_squeeze %dma_wait3A_179 : memref<1x8x1x8x128xf32, #tpu.memory_space<hbm>> -> memref<8x8x128xf32, #tpu.memory_space<hbm>>
    %dma_wait3A_181 = arith.constant 0 : i32
    %dma_wait3A_182 = arith.constant 0 : i32
    %dma_wait3A_183 = arith.constant 0 : i32
    %dma_wait3A_184 = tpu.memref_slice %arg8[%dma_wait3A_165, %dma_wait3A_181, %dma_wait3A_182, %dma_wait3A_183] : memref<2x8x8x128xf32, #tpu.memory_space<vmem>> -> memref<1x8x8x128xf32, #tpu.memory_space<vmem>>
    %dma_wait3A_185 = tpu.memref_squeeze %dma_wait3A_184 : memref<1x8x8x128xf32, #tpu.memory_space<vmem>> -> memref<8x8x128xf32, #tpu.memory_space<vmem>>
    tpu.wait_dma2 semaphore(%arg12 : memref<!tpu.dma_semaphore, #tpu.memory_space<semaphore_mem>>) src(%dma_wait3A_185 : memref<8x8x128xf32, #tpu.memory_space<vmem>>) dst(%dma_wait3A_180 : memref<8x8x128xf32, #tpu.memory_space<hbm>>)
    %add3A_186 = arith.constant 799 : i32
    %add3A_187 = arith.addi %mul3A_2, %add3A_186 : i32
    %jit3A_188 = arith.constant 1024 : i32
    %div3A_189 = arith.divsi %add3A_187, %jit3A_188 : i32
    %sign3A_190 = arith.constant 0 : i32
    %sign3A_191 = arith.cmpi sgt, %add3A_187, %sign3A_190 : i32
    %sign3A_192 = arith.extui %sign3A_191 : i1 to i32
    %sign3A_193 = arith.constant 0 : i32
    %sign3A_194 = arith.cmpi slt, %add3A_187, %sign3A_193 : i32
    %sign3A_195 = arith.extui %sign3A_194 : i1 to i32
    %sign3A_196 = arith.subi %sign3A_192, %sign3A_195 : i32
    %sign3A_197 = arith.constant 0 : i32
    %sign3A_198 = arith.cmpi sgt, %jit3A_188, %sign3A_197 : i32
    %sign3A_199 = arith.extui %sign3A_198 : i1 to i32
    %sign3A_200 = arith.constant 0 : i32
    %sign3A_201 = arith.cmpi slt, %jit3A_188, %sign3A_200 : i32
    %sign3A_202 = arith.extui %sign3A_201 : i1 to i32
    %sign3A_203 = arith.subi %sign3A_199, %sign3A_202 : i32
    %ne3A_204 = arith.cmpi ne, %sign3A_196, %sign3A_203 : i32
    %rem3A_205 = arith.remsi %add3A_187, %jit3A_188 : i32
    %ne3A_206 = arith.constant 0 : i32
    %ne3A_207 = arith.cmpi ne, %rem3A_205, %ne3A_206 : i32
    %and3A_208 = arith.andi %ne3A_204, %ne3A_207 : i1
    %sub3A_209 = arith.constant 1 : i32
    %sub3A_210 = arith.subi %div3A_189, %sub3A_209 : i32
    %select_n3A_211 = arith.select %and3A_208, %sub3A_210, %div3A_189 : i32
    %mul3A_212 = arith.constant 8 : i32
    %mul3A_213 = arith.muli %select_n3A_211, %mul3A_212 : i32
    %rem3A_214 = arith.constant 8 : i32
    %rem3A_215 = arith.remsi %add3A_187, %rem3A_214 : i32
    %add3A_216 = arith.addi %mul3A_213, %rem3A_215 : i32
    %jit3A_217 = arith.constant 8 : i32
    %div3A_218 = arith.divsi %add3A_187, %jit3A_217 : i32
    %sign3A_219 = arith.constant 0 : i32
    %sign3A_220 = arith.cmpi sgt, %add3A_187, %sign3A_219 : i32
    %sign3A_221 = arith.extui %sign3A_220 : i1 to i32
    %sign3A_222 = arith.constant 0 : i32
    %sign3A_223 = arith.cmpi slt, %add3A_187, %sign3A_222 : i32
    %sign3A_224 = arith.extui %sign3A_223 : i1 to i32
    %sign3A_225 = arith.subi %sign3A_221, %sign3A_224 : i32
    %sign3A_226 = arith.constant 0 : i32
    %sign3A_227 = arith.cmpi sgt, %jit3A_217, %sign3A_226 : i32
    %sign3A_228 = arith.extui %sign3A_227 : i1 to i32
    %sign3A_229 = arith.constant 0 : i32
    %sign3A_230 = arith.cmpi slt, %jit3A_217, %sign3A_229 : i32
    %sign3A_231 = arith.extui %sign3A_230 : i1 to i32
    %sign3A_232 = arith.subi %sign3A_228, %sign3A_231 : i32
    %ne3A_233 = arith.cmpi ne, %sign3A_225, %sign3A_232 : i32
    %rem3A_234 = arith.remsi %add3A_187, %jit3A_217 : i32
    %ne3A_235 = arith.constant 0 : i32
    %ne3A_236 = arith.cmpi ne, %rem3A_234, %ne3A_235 : i32
    %and3A_237 = arith.andi %ne3A_233, %ne3A_236 : i1
    %sub3A_238 = arith.constant 1 : i32
    %sub3A_239 = arith.subi %div3A_218, %sub3A_238 : i32
    %select_n3A_240 = arith.select %and3A_237, %sub3A_239, %div3A_218 : i32
    %rem3A_241 = arith.constant 128 : i32
    %rem3A_242 = arith.remsi %select_n3A_240, %rem3A_241 : i32
    %dma_wait3A_243 = arith.constant 1 : i32
    %dma_wait3A_244 = arith.constant 0 : i32
    %dma_wait3A_245 = arith.constant 0 : i32
    %dma_wait3A_246 = arith.constant 0 : i32
    %dma_wait3A_247 = tpu.memref_slice %arg8[%dma_wait3A_243, %dma_wait3A_244, %dma_wait3A_245, %dma_wait3A_246] : memref<2x8x8x128xf32, #tpu.memory_space<vmem>> -> memref<1x8x8x128xf32, #tpu.memory_space<vmem>>
    %dma_wait3A_248 = tpu.memref_squeeze %dma_wait3A_247 : memref<1x8x8x128xf32, #tpu.memory_space<vmem>> -> memref<8x8x128xf32, #tpu.memory_space<vmem>>
    %dma_wait3A_249 = arith.constant 0 : i32
    %dma_wait3A_250 = arith.constant 0 : i32
    %dma_wait3A_251 = arith.constant 0 : i32
    %dma_wait3A_252 = tpu.memref_slice %arg4[%add3A_216, %dma_wait3A_249, %rem3A_242, %dma_wait3A_250, %dma_wait3A_251] : memref<200x8x128x8x128xf32, #tpu.memory_space<hbm>> -> memref<1x8x1x8x128xf32, #tpu.memory_space<hbm>>
    %dma_wait3A_253 = tpu.memref_squeeze %dma_wait3A_252 : memref<1x8x1x8x128xf32, #tpu.memory_space<hbm>> -> memref<8x8x128xf32, #tpu.memory_space<hbm>>
    %dma_wait3A_254 = arith.constant 0 : i32
    %dma_wait3A_255 = arith.constant 0 : i32
    %dma_wait3A_256 = arith.constant 0 : i32
    %dma_wait3A_257 = tpu.memref_slice %arg4[%add3A_216, %dma_wait3A_254, %rem3A_242, %dma_wait3A_255, %dma_wait3A_256] : memref<200x8x128x8x128xf32, #tpu.memory_space<hbm>> -> memref<1x8x1x8x128xf32, #tpu.memory_space<hbm>>
    %dma_wait3A_258 = tpu.memref_squeeze %dma_wait3A_257 : memref<1x8x1x8x128xf32, #tpu.memory_space<hbm>> -> memref<8x8x128xf32, #tpu.memory_space<hbm>>
    %dma_wait3A_259 = arith.constant 0 : i32
    %dma_wait3A_260 = arith.constant 0 : i32
    %dma_wait3A_261 = arith.constant 0 : i32
    %dma_wait3A_262 = tpu.memref_slice %arg8[%dma_wait3A_243, %dma_wait3A_259, %dma_wait3A_260, %dma_wait3A_261] : memref<2x8x8x128xf32, #tpu.memory_space<vmem>> -> memref<1x8x8x128xf32, #tpu.memory_space<vmem>>
    %dma_wait3A_263 = tpu.memref_squeeze %dma_wait3A_262 : memref<1x8x8x128xf32, #tpu.memory_space<vmem>> -> memref<8x8x128xf32, #tpu.memory_space<vmem>>
    tpu.wait_dma2 semaphore(%arg12 : memref<!tpu.dma_semaphore, #tpu.memory_space<semaphore_mem>>) src(%dma_wait3A_263 : memref<8x8x128xf32, #tpu.memory_space<vmem>>) dst(%dma_wait3A_258 : memref<8x8x128xf32, #tpu.memory_space<hbm>>)
    return
  }
}

module attributes {stable_mosaic.version = 14 : i64} {
  func.func @body(%arg0: memref<32x1024xf32, #tpu.memory_space<vmem>>, %arg1: memref<64x1024xf32, #tpu.memory_space<vmem>>, %arg2: memref<1024x64xf32, #tpu.memory_space<vmem>>, %arg3: memref<1024x64xf32, #tpu.memory_space<vmem>>) attributes {dimension_semantics = [], scalar_prefetch = 0 : i64, scratch_operands = 0 : i64, tpu.core_type = #tpu.core_type<tc>} {
    %get3A = arith.constant 0 : index
    %get3A_0 = arith.constant 0 : index
    %get3A_1 = vector.load %arg0[%get3A, %get3A_0] : memref<32x1024xf32, #tpu.memory_space<vmem>>, vector<32x1024xf32>
    %reduce_sum3A = arith.constant dense<0.000000e+00> : vector<1024xf32>
    %reduce_sum3A_2 = vector.multi_reduction <add>, %get3A_1, %reduce_sum3A [0] : vector<32x1024xf32> to vector<1024xf32>
    %broadcast_in_dim3A = vector.shape_cast %reduce_sum3A_2 : vector<1024xf32> to vector<1x1024xf32>
    %get3A_3 = arith.constant 0 : index
    %get3A_4 = arith.constant 0 : index
    %get3A_5 = vector.load %arg1[%get3A_3, %get3A_4] : memref<64x1024xf32, #tpu.memory_space<vmem>>, vector<64x1024xf32>
    %reduce_sum3A_6 = arith.constant dense<0.000000e+00> : vector<1024xf32>
    %reduce_sum3A_7 = vector.multi_reduction <add>, %get3A_5, %reduce_sum3A_6 [0] : vector<64x1024xf32> to vector<1024xf32>
    %broadcast_in_dim3A_8 = vector.shape_cast %reduce_sum3A_7 : vector<1024xf32> to vector<1x1024xf32>
    %mul3A = arith.mulf %get3A_5, %get3A_5 : vector<64x1024xf32>
    %reduce_sum3A_9 = arith.constant dense<0.000000e+00> : vector<1024xf32>
    %reduce_sum3A_10 = vector.multi_reduction <add>, %mul3A, %reduce_sum3A_9 [0] : vector<64x1024xf32> to vector<1024xf32>
    %broadcast_in_dim3A_11 = vector.shape_cast %reduce_sum3A_10 : vector<1024xf32> to vector<1x1024xf32>
    %mul3A_12 = arith.mulf %broadcast_in_dim3A, %broadcast_in_dim3A_8 : vector<1x1024xf32>
    %reduce_sum3A_13 = vector.shape_cast %mul3A_12 : vector<1x1024xf32> to vector<1x1x1024xf32>
    %reduce_sum3A_14 = arith.constant dense<0.000000e+00> : vector<1xf32>
    %reduce_sum3A_15 = vector.multi_reduction <add>, %reduce_sum3A_13, %reduce_sum3A_14 [1, 2] : vector<1x1x1024xf32> to vector<1xf32>
    %reduce_sum3A_16 = vector.shape_cast %reduce_sum3A_15 : vector<1xf32> to vector<1x1x1xf32>
    %reduce_sum3A_17 = vector.extract %reduce_sum3A_16[0, 0, 0] : f32 from vector<1x1x1xf32>
    %mul3A_18 = arith.mulf %broadcast_in_dim3A, %broadcast_in_dim3A_11 : vector<1x1024xf32>
    %reduce_sum3A_19 = vector.shape_cast %mul3A_18 : vector<1x1024xf32> to vector<1x1x1024xf32>
    %reduce_sum3A_20 = arith.constant dense<0.000000e+00> : vector<1xf32>
    %reduce_sum3A_21 = vector.multi_reduction <add>, %reduce_sum3A_19, %reduce_sum3A_20 [1, 2] : vector<1x1x1024xf32> to vector<1xf32>
    %reduce_sum3A_22 = vector.shape_cast %reduce_sum3A_21 : vector<1xf32> to vector<1x1x1xf32>
    %reduce_sum3A_23 = vector.extract %reduce_sum3A_22[0, 0, 0] : f32 from vector<1x1x1xf32>
    %div3A = arith.constant 0x4D480000 : f32
    %div3A_24 = arith.divf %reduce_sum3A_17, %div3A : f32
    %mul3A_25 = arith.mulf %reduce_sum3A_17, %div3A_24 : f32
    %sub3A = arith.subf %reduce_sum3A_23, %mul3A_25 : f32
    %div3A_26 = arith.constant 0x4D480000 : f32
    %div3A_27 = arith.divf %sub3A, %div3A_26 : f32
    %rsqrt3A = math.rsqrt %div3A_27 : f32
    %mul3A_28 = arith.constant 0.166666672 : f32
    %mul3A_29 = arith.mulf %rsqrt3A, %mul3A_28 : f32
    %get3A_30 = arith.constant 0 : index
    %get3A_31 = arith.constant 0 : index
    %get3A_32 = vector.load %arg2[%get3A_30, %get3A_31] : memref<1024x64xf32, #tpu.memory_space<vmem>>, vector<1024x64xf32>
    %sub3A_33 = vector.broadcast %div3A_24 : f32 to vector<1024x64xf32>
    %sub3A_34 = arith.subf %get3A_32, %sub3A_33 : vector<1024x64xf32>
    %mul3A_35 = vector.broadcast %mul3A_29 : f32 to vector<1024x64xf32>
    %mul3A_36 = arith.mulf %sub3A_34, %mul3A_35 : vector<1024x64xf32>
    %add3A = arith.constant 5.000000e-01 : f32
    %add3A_37 = vector.broadcast %add3A : f32 to vector<1024x64xf32>
    %add3A_38 = arith.addf %mul3A_36, %add3A_37 : vector<1024x64xf32>
    %jit3A = arith.constant 0.000000e+00 : f32
    %jit3A_39 = arith.constant 1.000000e+00 : f32
    %max3A = vector.broadcast %jit3A : f32 to vector<1024x64xf32>
    %max3A_40 = arith.maximumf %max3A, %add3A_38 : vector<1024x64xf32>
    %min3A = vector.broadcast %jit3A_39 : f32 to vector<1024x64xf32>
    %min3A_41 = arith.minimumf %min3A, %max3A_40 : vector<1024x64xf32>
    %swap3A = arith.constant 0 : index
    %swap3A_42 = arith.constant 0 : index
    %swap3A_43 = vector.load %arg3[%swap3A, %swap3A_42] : memref<1024x64xf32, #tpu.memory_space<vmem>>, vector<1024x64xf32>
    tpu.vector_store %arg3[%swap3A, %swap3A_42], %min3A_41 {strides = array<i32>} : memref<1024x64xf32, #tpu.memory_space<vmem>>, vector<1024x64xf32>,
    return
  }
}

</mosaic_0001>

<sc_bundles>
// kernel: kernel.5.cloned.1.call-start
scs
__scs_entry_jumppad:
0x0: {  	(pc) =	sbr.rel $0x88, $3  }
0x1: {  	(tag) =	ssettag $0x0;
	lr =	simm.s32 $0x1  }
0x2: {  	[smem:$0x3F9F] =	sst lr;
	_ =	strace $0xD0000000  }
0x3: {  	_ = 	snop  }
0x4: {  	_ = 	snop  }
0x5: {  	_ = 	snop  }
0x6: {  	_ = 	snop  }
0x7: {  	_ = 	snop  }
__scs_overlays_trampoline_lowered:
0x8: {  	[smem:$0x3FAE] =	sst s0  }
0x9: {  	[smem:$0x3FAF] =	sst s1  }
0xa: {  	[smem:$0x3FB0] =	sst s2  }
0xb: {  	[smem:$0x3FB1] =	sst s3  }
0xc: {  	[smem:$0x3FB2] =	sst s4  }
0xd: {  	[smem:$0x3FB3] =	sst s5  }
0xe: {  	[smem:$0x3FB4] =	sst s6  }
0xf: {  	[smem:$0x3FB5] =	sst s7  }
0x10: {  	[smem:$0x3FB6] =	sst s8  }
0x11: {  	[smem:$0x3FB7] =	sst s9;
	s0 =	simm.s32 @!p0 $0x0  }
0x12: {  	s1 =	sld [smem:$0x3F9D];
	s0 =	simm.s32 @p0 $0x1  }
0x13: {  	[smem:$0x3FB8] =	sst s0;
	s0 =	simm.s32 @!p1 $0x0  }
0x14: {  	s2 =	sld [smem:$0x3F9C];
	s0 =	simm.s32 @p1 $0x1  }
0x15: {  	[smem:$0x3FB9] =	sst s0;
	s0 =	simm.s32 @!p2 $0x0  }
0x16: {  	s3 =	sld [smem:$0x3FDB];
	s0 =	simm.s32 @p2 $0x1  }
0x17: {  	s4 =	simm.s32 $0x1BF5;
	[smem:$0x3FBB] =	sst s0  }
0x18: {  	s0 =	sld [smem:$0x3F9E];
	_ =	swait.ge [sflag:s4], $0x0  }
0x19: {  	s7 =	sld [smem:$0x3F9F]  }
0x1a: {  	s8 =	sadd.s32 $0xFFFFE003, lr  }
0x1b: {  	s9 =	sadd.s32 $0xFFFFFEF7, lr;
	s5 =	simm.s32 $0xFFFFFFFF;
	p2 =	slt.u32 s8, $0xFFFFF086  }
0x1c: {  	p1 =	slt.u32 s9, $0xF7A;
	s5 =	simm.s32 @!p2 $0x0  }
0x1d: {  	s5 =	simm.s32 @p1 $0x1;
	p0 =	seq.s32 s7, s2  }
0x1e: {  	s7 =	smul.u32 @!p0 $0xF7A, s2;
	p2 =	seq.s32 @!p0 s5, $0x0  }
0x1f: {  	s9 =	smul.u32 $0xF7A, s1;
	s8 =	simm.s32 @!p0 $0x1BF5;
	p2 =	por !p2, p0  }
0x20: {  	[sflag:s8] =	ssyncset.s32 @!p0 $0xFFFFF086;
	s6 =	sadd.s32 @!p0 s3, s7;
	s7 =	simm.s32 @!p0 $0x108  }
0x21: {  	s3 =	sadd.s32 s3, s9;
	s6 =	sadd.s32 @!p0 $0x88, s6;
	s7 =	simm.s32 @p2 $0x1082  }
0x22: {  	[simem:s7], [sflag:s8] =	dma.local @!p0 [hbm:s6], $0xF7A  }
0x23: {  	s9 =	sor.u32 $0xD0000000, s2;
	s6 =	simm.s32 $0x108;
	_ =	swait.ge @!p0 [sflag:s8], $0x0  }
0x24: {  	s3 =	sadd.s32 $0x88, s3;
	s6 =	simm.s32 @!p1 $0x1082;
	[sflag:s4] =	ssyncset.s32 $0xFFFFF086  }
0x25: {  	[simem:s6], [sflag:s4] =	dma.local [hbm:s3], $0xF7A  }
0x26: {  	[smem:$0x3F9F] =	sst s1;
	(tag) =	ssettag s2;
	_ =	strace s9  }
0x27: {  	s1 =	sld [smem:$0x3FAF]  }
0x28: {  	s2 =	sld [smem:$0x3FB0]  }
0x29: {  	s4 =	sld [smem:$0x3FB2]  }
0x2a: {  	p0 =	seq.s32 s5, $0x0;
	s5 =	sld [smem:$0x3FB3]  }
0x2b: {  	s6 =	sld [smem:$0x3FB4]  }
0x2c: {  	s7 =	sld [smem:$0x3FB5]  }
0x2d: {  	s3 =	simm.s32 $0x108;
	s8 =	sld [smem:$0x3FB6]  }
0x2e: {  	s3 =	simm.s32 @!p0 $0x1082;
	s9 =	sld [smem:$0x3FB7]  }
0x2f: {  	lr =	sadd.s32 s0, s3;
	s0 =	sld [smem:$0x3FAE]  }
0x30: {  	s3 =	sld [smem:$0x3FB1]  }
0x31: {  	[smem:$0x3FBA] =	sst s10  }
0x32: {  	s10 =	sld [smem:$0x3FB8];
	_ =	sdelay $0x3  }
0x33: {  	p0 =	seq.s32 s10, $0x1;
	s10 =	sld [smem:$0x3FBA];
	_ =	sdelay $0x3  }
0x34: {  	[smem:$0x3FBA] =	sst s10  }
0x35: {  	s10 =	sld [smem:$0x3FB9];
	_ =	sdelay $0x3  }
0x36: {  	p1 =	seq.s32 s10, $0x1;
	s10 =	sld [smem:$0x3FBA];
	_ =	sdelay $0x3  }
0x37: {  	[smem:$0x3FBA] =	sst s10  }
0x38: {  	s10 =	sld [smem:$0x3FBB]  }
0x39: {  	_ = 	snop;
	(pc) =	sbr.ind lr, $3  }
0x3a: {  	_ = 	snop  }
0x3b: {  	_ = 	snop  }
0x3c: {  	p2 =	seq.s32 s10, $0x1;
	s10 =	sld [smem:$0x3FBA]  }
0x3d: {  	_ =	shalt  }
0x3e: {  	_ =	shalt  }
0x3f: {  	_ =	shalt  }
0x40: {  	_ =	shalt  }
0x41: {  	_ =	shalt  }
0x42: {  	_ =	shalt  }
0x43: {  	_ =	shalt  }
0x44: {  	_ =	shalt  }
0x45: {  	_ =	shalt  }
0x46: {  	_ =	shalt  }
0x47: {  	_ =	shalt  }
0x48: {  	_ =	shalt  }
0x49: {  	_ =	shalt  }
0x4a: {  	_ =	shalt  }
0x4b: {  	_ =	shalt  }
0x4c: {  	_ =	shalt  }
0x4d: {  	_ =	shalt  }
0x4e: {  	_ =	shalt  }
0x4f: {  	_ =	shalt  }
0x50: {  	_ =	shalt  }
0x51: {  	_ =	shalt  }
0x52: {  	_ =	shalt  }
0x53: {  	_ =	shalt  }
0x54: {  	_ =	shalt  }
0x55: {  	_ =	shalt  }
0x56: {  	_ =	shalt  }
0x57: {  	_ =	shalt  }
0x58: {  	_ =	shalt  }
0x59: {  	_ =	shalt  }
0x5a: {  	_ =	shalt  }
0x5b: {  	_ =	shalt  }
0x5c: {  	_ =	shalt  }
0x5d: {  	_ =	shalt  }
0x5e: {  	_ =	shalt  }
0x5f: {  	_ =	shalt  }
0x60: {  	_ =	shalt  }
0x61: {  	_ =	shalt  }
0x62: {  	_ =	shalt  }
0x63: {  	_ =	shalt  }
0x64: {  	_ =	shalt  }
0x65: {  	_ =	shalt  }
0x66: {  	_ =	shalt  }
0x67: {  	_ =	shalt  }
0x68: {  	_ =	shalt  }
0x69: {  	_ =	shalt  }
0x6a: {  	_ =	shalt  }
0x6b: {  	_ =	shalt  }
0x6c: {  	_ =	shalt  }
0x6d: {  	_ =	shalt  }
0x6e: {  	_ =	shalt  }
0x6f: {  	_ =	shalt  }
0x70: {  	_ =	shalt  }
0x71: {  	_ =	shalt  }
0x72: {  	_ =	shalt  }
0x73: {  	_ =	shalt  }
0x74: {  	_ =	shalt  }
0x75: {  	_ =	shalt  }
0x76: {  	_ =	shalt  }
0x77: {  	_ =	shalt  }
0x78: {  	_ =	shalt  }
0x79: {  	_ =	shalt  }
0x7a: {  	_ =	shalt  }
0x7b: {  	_ =	shalt  }
0x7c: {  	_ =	shalt  }
0x7d: {  	_ =	shalt  }
0x7e: {  	_ =	shalt  }
0x7f: {  	_ =	shalt  }
0x80: {  	_ =	shalt  }
0x81: {  	_ =	shalt  }
0x82: {  	_ =	shalt  }
0x83: {  	_ =	shalt  }
0x84: {  	_ =	shalt  }
0x85: {  	_ =	shalt  }
0x86: {  	_ =	shalt  }
0x87: {  	_ =	shalt  }
.Lfunc_end0:
.L_simem_size_0:
called_computation_lowered:
.L_overlay_start_0:
0x88: {  	s2 =	sld [smem:$0x3FD9]  }
0x89: {  	s3 =	sld [smem:$0x3FFE];
	_ =	sdelay $0x1  }
0x8a: {  	s1 =	srdreg.scid  }
0x8b: {  	s0 =	sand.u32 $0x1, s1  }
0x8c: {  	s18 =	sshll.u32 s0, $0xA;
	s2 =	sadd.s32 s3, s2  }
0x8d: {  	s2 =	sadd.s32 s2, s18  }
0x8e: {  	[smem:$0x3FC6] =	sst s2  }
0x8f: {  	_ = 	snop  }
0x90: {  	s2 =	sld [smem:$0x3FC9]  }
0x91: {  	s19 =	sld [smem:$0x3FD0];
	(tm) =	ssettm $0x1  }
0x92: {  	s4 =	sld [smem:$0x3FFB];
	_ =	sdelay $0x3  }
0x93: {  	_ =	strace s4  }
0x94: {  	s4 =	sld [smem:$0x3FFC];
	_ =	sdelay $0x3  }
0x95: {  	_ =	strace s4  }
0x96: {  	s4 =	sld [smem:$0x3FFD];
	_ =	sdelay $0x3  }
0x97: {  	_ =	strace s4  }
0x98: {  	_ =	strace $0x8FFFFFFF  }
0x99: {  	s20 =	sld [smem:$0x3FDB];
	_ =	sdelay $0x1  }
0x9a: {  	s5 =	simm.s32 $_scs_section_size  }
0x9b: {  	s6 =	simm.s32 $_size__tile_overlayer_lowered;
	s7 =	simm.s32 $_tile_overlayer_lowered  }
0x9c: {  	s23 =	simm.s32 $0x1BFF;
	s22 =	sshll.u32 s7, $0x1;
	s4 =	sadd.s32 s5, s20  }
0x9d: {  	s8 =	simm.s32 $0x0;
	s21 =	sshll.u32 s6, $0x1;
	s6 =	sadd.s32 s22, s4  }
0x9e: {  	[timem:s8], [sflag:s23] =	dma.local [hbm:s6], s21  }
0x9f: {  	_ =	swait.ge [sflag:s23], s21  }
0xa0: {  	s5 =	ssub.s32 $0x0, s21;
	[sflag:s23] =	ssyncset.done $0x0  }
0xa1: {  	[sflag:s23] =	ssyncadd.s32 s5;
	_ =	sdelay $0x1  }
0xa2: {  	s24 =	simm.s32 $0x1B8B  }
0xa3: {  	_ =	swait.ge [sflag:s24], $0x1  }
0xa4: {  	[sflag:s24] =	ssyncset.done $0x0  }
0xa5: {  	s25 =	simm.s32 $0x1B8E;
	[sflag:s24] =	ssyncadd.s32 $0xFFFFFFFF  }
0xa6: {  	s26 =	simm.s32 $execute0_lowered;
	[smem:$0x3FD2] =	sst s25  }
0xa7: {  	s5 =	sshll.u32 s26, $0x1;
	_ =	strace $0x80000046;
	[dreg:$0x1] =	wrdreg $0xFFFFFFFF  }
0xa8: {  	s28 =	simm.s32 $_size_execute0_lowered;
	s4 =	sadd.s32 s4, s5;
	[dreg:$0x0] =	wrdreg $0x0  }
0xa9: {  	s5 =	sshll.u32 s28, $0x1;
	[dreg:$0x2] =	wrdreg s4  }
0xaa: {  	[dreg:$0x3] =	wrdreg s5  }
0xab: {  	[dreg:$0x4] =	wrdreg $0xC0  }
0xac: {  	_ =	task [dreg:s8], $0x5FFFF  }
0xad: {  	[dreg:$0x1] =	wrdreg $0xFFFFFFFF  }
0xae: {  	[dreg:$0x0] =	wrdreg $0x60  }
0xaf: {  	[dreg:$0x2] =	wrdreg s2  }
0xb0: {  	[dreg:$0x3] =	wrdreg s19  }
0xb1: {  	[dreg:$0x4] =	wrdreg $0x9  }
0xb2: {  	_ =	task.clear_ibuf [dreg:s8], $0x5FFFF;
	_ =	strace $0x90000046  }
0xb3: {  	s29 =	simm.s32 $0x9;
	_ =	strace $0x80000048  }
0xb4: {  	_ =	swait.ge [sflag:s29], $0x1  }
0xb5: {  	[sflag:s29] =	ssyncadd.s32 $0xFFFFFFFF  }
0xb6: {  	_ =	strace $0x90000048  }
0xb7: {  	_ =	sfence  }
0xb8: {  	s30 =	sld [smem:$0x0];
	_ =	sdelay $0x2  }
0xb9: {  	s31 =	sshll.u32 s1, $0xD;
	s1 =	sshrl.u32 s1, $0x2  }
0xba: {  	s3 =	sand.u32 $0x4000, s31;
	s1 =	sadd.s32 s1, s30  }
0xbb: {  	s0 =	sor.u32 s3, s0;
	s1 =	sshll.u32 s1, $0x11  }
0xbc: {  	s0 =	sor.u32 s1, s0  }
0xbd: {  	s0 =	sadd.s32 $0x8F2B, s0  }
0xbe: {  	[sflag:s0] =	ssyncadd.remote.s32 $0x1  }
0xbf: {  	_ =	sfence.sel $0xFFFF  }
0xc0: {  	[dreg:$0x0] =	wrdreg $0xFFFFFFFF;
	(pc) =	sbr.abs _section_cstart, $3  }
0xc1: {  	[dreg:$0x1] =	wrdreg $0xFFFFFFFF  }
0xc2: {  	_ =	task.clear_ibuf [dreg:s8], $0x2FFFF;
	_ =	strace $0x9FFFFFFF  }
0xc3: {  	(tm) =	ssettm $0x7FFFFFFF  }
tec
execute0_lowered:
.L_overlay_start_1:
0x0: {  	(tag) =	ssettag $0x1  }
0x1: {  	s3 =	rddreg [dreg:$0x0]  }
0x2: {  	s4 =	rddreg [dreg:$0x1]  }
0x3: {  	s0 =	rddreg [dreg:$0x2];
	s2 =	simm.s32 $0x0  }
0x4: {  	s5 =	srdreg.scid;
	s1 =	stileid.u32;
	s10 =	simm.s32 $0x0  }
0x5: {  	[smem:$0x7FF] =	sst s2;
	s5 =	sand.u32 $0x1, s5;
	s6 =	sshll.u32 s1, $0x1  }
0x6: {  	s30 =	sshll.u32 s1, $0x8;
	s7 =	ssub.s32 $0x2, s5;
	s5 =	sor.u32 s5, s6  }
0x7: {  	_ =	strace $0x80000047;
	s6 =	sand.u32 $0xC00, s30;
	s8 =	smul.u32 $0x3200, s5  }
0x8: {  	s5 =	sshll.u32 s5, $0x4;
	s9 =	sshrl.u32 s7, $0x1;
	s4 =	sadd.s32 s4, s6  }
0x9: {  	s6 =	simm.s32 $0x1;
	s5 =	sand.u32 $0x70, s5;
	s31 =	ssub.s32 s7, s9  }
0xa: {  	s7 =	simm.s32 $0x19000;
	s9 =	simm.s32 $0x400;
	s3 =	sadd.s32 s3, s8  }
0xb: {  	v0 =	vimm.f32 $0.0e+00;
	v1 =	vimm.f32 $1.000000000e+00;
	s4 =	sadd.s32 s5, s4;
	s5 =	smax.u32 s31, $0x1;
	s8 =	simm.s32 $0x80  }
.LBB2_1:
0xc: {  	[tilespmem:s2], [sflag:$0x1] =	stream.linear.gather [hbm4b:s3+s2], $0x19000, $0x38;
	[tilespmem:$0x19400] =	vst v63  }
0xd: {  	_ =	swait.ge [sflag:s6], $0x19000  }
0xe: {  	[sflag:s6] =	ssyncset.done $0x0  }
0xf: {  	s11 =	simm.s32 $0x0;
	[sflag:s6] =	ssyncadd.s32 $0xFFFE7000  }
.LBB2_2:
0x10: {  	p0 =	sne.s32 s11, $0xFC0  }
.Ltmp0:
0x11: {  	_ = 	snop;
	(pc) =	sbr.rel @p0 .LBB2_2-.Ltmp0, $3  }
0x12: {  	_ =	sdelay $0x1  }
0x13: {  	s12 =	sshra.s32 s11, $0x2  }
0x14: {  	s11 =	sadd.s32 $0x40, s11;
	[tilespmem:s12+$0x19000] =	vst v0  }
0x15: {  	s11 =	simm.s32 $0x40  }
0x16: {  	v3 =	vld [tilespmem:s11+$0xFFFFFFC0]  }
0x17: {  	v4 =	vld [tilespmem:s11+$0x30]  }
0x18: {  	v5 =	vld [tilespmem:s11+$0x20]  }
0x19: {  	v6 =	vld [tilespmem:s11+$0x10]  }
0x1a: {  	v7 =	vld [tilespmem:s11+$0x0]  }
0x1b: {  	v8 =	vld [tilespmem:s11+$0xFFFFFFF0]  }
0x1c: {  	v9 =	vld [tilespmem:s11+$0xFFFFFFE0]  }
0x1d: {  	v2 =	vld [tilespmem:s11+$0xFFFFFFD0]  }
0x1e: {  	[tilespmem:v3+s7+$0x0] =	vst.idx.add.f32.msk $0xffff, v1  }
0x1f: {  	[tilespmem:v4+s7+$0x0] =	vst.idx.add.f32.msk $0xffff, v1  }
0x20: {  	[tilespmem:v5+s7+$0x0] =	vst.idx.add.f32.msk $0xffff, v1  }
0x21: {  	[tilespmem:v6+s7+$0x0] =	vst.idx.add.f32.msk $0xffff, v1  }
0x22: {  	[tilespmem:v7+s7+$0x0] =	vst.idx.add.f32.msk $0xffff, v1  }
0x23: {  	[tilespmem:v8+s7+$0x0] =	vst.idx.add.f32.msk $0xffff, v1  }
0x24: {  	s12 =	simm.s32 $0x0;
	[tilespmem:v9+s7+$0x0] =	vst.idx.add.f32.msk $0xffff, v1  }
.LBB2_4:
0x25: {  	s12 =	sadd.s32 $0x8, s12;
	[tilespmem:v2+s7+$0x0] =	vst.idx.add.f32.msk $0xffff, v1;
	s11 =	sadd.s32 $0x80, s11  }
0x26: {  	v3 =	vld [tilespmem:s11+$0xFFFFFFC0];
	p0 =	slt.u32 s12, $0x18F8  }
0x27: {  	v4 =	vld [tilespmem:s11+$0x30]  }
0x28: {  	v5 =	vld [tilespmem:s11+$0x20]  }
0x29: {  	v6 =	vld [tilespmem:s11+$0x10]  }
0x2a: {  	v7 =	vld [tilespmem:s11+$0x0]  }
0x2b: {  	v8 =	vld [tilespmem:s11+$0xFFFFFFF0]  }
0x2c: {  	v9 =	vld [tilespmem:s11+$0xFFFFFFE0]  }
0x2d: {  	v2 =	vld [tilespmem:s11+$0xFFFFFFD0]  }
0x2e: {  	[tilespmem:v3+s7+$0x0] =	vst.idx.add.f32.msk $0xffff, v1  }
0x2f: {  	[tilespmem:v4+s7+$0x0] =	vst.idx.add.f32.msk $0xffff, v1  }
.Ltmp1:
0x30: {  	[tilespmem:v5+s7+$0x0] =	vst.idx.add.f32.msk $0xffff, v1;
	(pc) =	sbr.rel @p0 .LBB2_4-.Ltmp1, $4  }
0x31: {  	[tilespmem:v6+s7+$0x0] =	vst.idx.add.f32.msk $0xffff, v1  }
0x32: {  	[tilespmem:v7+s7+$0x0] =	vst.idx.add.f32.msk $0xffff, v1  }
0x33: {  	[tilespmem:v8+s7+$0x0] =	vst.idx.add.f32.msk $0xffff, v1  }
0x34: {  	[tilespmem:v9+s7+$0x0] =	vst.idx.add.f32.msk $0xffff, v1  }
0x35: {  	_ =	sdelay $0x1  }
0x36: {  	s10 =	sadd.s32 $0x1, s10  }
0x37: {  	p0 =	sne.s32 s10, s5  }
.Ltmp2:
0x38: {  	[tilespmem:v2+s7+$0x0] =	vst.idx.add.f32.msk $0xffff, v1;
	(pc) =	sbr.rel @p0 .LBB2_1-.Ltmp2, $4  }
0x39: {  	[hbm4b:s4+s8] =	stream.strided.scatter [tilespmem:s7], [sflag:$0x1], $0x400, s9, s8, $0x38;
	[tilespmem:$0x19400] =	vst v63  }
0x3a: {  	_ =	swait.ge [sflag:s6], $0x400  }
0x3b: {  	[sflag:s6] =	ssyncset.done $0x0  }
0x3c: {  	[sflag:s6] =	ssyncadd.s32 $0xFFFFFC00  }
0x3d: {  	_ =	sfence.sel $0x180000  }
0x3e: {  	[bflag:$0x0] =	sbarrier.arrive $0xFFFF  }
0x3f: {  	p0 =	sne.s32 s1, $0x0;
	_ =	strace $0x90000047  }
0x40: {  	s0 =	sadd.s32 @!p0 $0x100000, s0;
	[bflag:$0x2] =	sbarrier.arrive $0xFFFF  }
0x41: {  	[sflag:s0] =	ssyncadd.tile.s32 @!p0 $0x1;
	_ =	shalt  }
.Lfunc_end2:
_tile_overlayer_lowered:
.L_overlay_start_2:
0x42: {  	(tag) =	ssettag $0x2  }
0x43: {  	s0 =	rddreg [dreg:$0x0];
	s2 =	stileid.u32  }
0x44: {  	s1 =	rddreg [dreg:$0x1];
	p0 =	sne.s32 s2, $0x0  }
0x45: {  	s3 =	rddreg [dreg:$0x2];
	[bflag:$0x3] =	sbarrier.arrive $0xFFFF;
	s2 =	simm.s32 @!p0 $0x1C01  }
0x46: {  	[timem:s3], [sflag:s2] =	dma.local @!p0 [hbm:s0], s1  }
0x47: {  	s0 =	simm.s32 @!p0 $0x1  }
0x48: {  	_ =	swait.ge @!p0 [sflag:s0], s1  }
0x49: {  	s1 =	ssub.s32 @!p0 $0x0, s1;
	[sflag:s0] =	ssyncset.done @!p0 $0x0  }
0x4a: {  	[sflag:s0] =	ssyncadd.s32 @!p0 s1  }
0x4b: {  	[bflag:$0x3] =	sbarrier.arrive $0xFFFF  }
0x4c: {  	_ =	shalt  }

// kernel: kernel.8.cloned.1.call-start
scs
__scs_entry_jumppad:
0x0: {  	(pc) =	sbr.rel $0x88, $3  }
0x1: {  	(tag) =	ssettag $0x0;
	lr =	simm.s32 $0x1  }
0x2: {  	[smem:$0x3F9F] =	sst lr;
	_ =	strace $0xD0000000  }
0x3: {  	_ = 	snop  }
0x4: {  	_ = 	snop  }
0x5: {  	_ = 	snop  }
0x6: {  	_ = 	snop  }
0x7: {  	_ = 	snop  }
__scs_overlays_trampoline_lowered:
0x8: {  	[smem:$0x3FAE] =	sst s0  }
0x9: {  	[smem:$0x3FAF] =	sst s1  }
0xa: {  	[smem:$0x3FB0] =	sst s2  }
0xb: {  	[smem:$0x3FB1] =	sst s3  }
0xc: {  	[smem:$0x3FB2] =	sst s4  }
0xd: {  	[smem:$0x3FB3] =	sst s5  }
0xe: {  	[smem:$0x3FB4] =	sst s6  }
0xf: {  	[smem:$0x3FB5] =	sst s7  }
0x10: {  	[smem:$0x3FB6] =	sst s8  }
0x11: {  	[smem:$0x3FB7] =	sst s9;
	s0 =	simm.s32 @!p0 $0x0  }
0x12: {  	s1 =	sld [smem:$0x3F9D];
	s0 =	simm.s32 @p0 $0x1  }
0x13: {  	[smem:$0x3FB8] =	sst s0;
	s0 =	simm.s32 @!p1 $0x0  }
0x14: {  	s2 =	sld [smem:$0x3F9C];
	s0 =	simm.s32 @p1 $0x1  }
0x15: {  	[smem:$0x3FB9] =	sst s0;
	s0 =	simm.s32 @!p2 $0x0  }
0x16: {  	s3 =	sld [smem:$0x3FDB];
	s0 =	simm.s32 @p2 $0x1  }
0x17: {  	s4 =	simm.s32 $0x1BF5;
	[smem:$0x3FBB] =	sst s0  }
0x18: {  	s0 =	sld [smem:$0x3F9E];
	_ =	swait.ge [sflag:s4], $0x0  }
0x19: {  	s7 =	sld [smem:$0x3F9F]  }
0x1a: {  	s8 =	sadd.s32 $0xFFFFE003, lr  }
0x1b: {  	s9 =	sadd.s32 $0xFFFFFEF7, lr;
	s5 =	simm.s32 $0xFFFFFFFF;
	p2 =	slt.u32 s8, $0xFFFFF086  }
0x1c: {  	p1 =	slt.u32 s9, $0xF7A;
	s5 =	simm.s32 @!p2 $0x0  }
0x1d: {  	s5 =	simm.s32 @p1 $0x1;
	p0 =	seq.s32 s7, s2  }
0x1e: {  	s7 =	smul.u32 @!p0 $0xF7A, s2;
	p2 =	seq.s32 @!p0 s5, $0x0  }
0x1f: {  	s9 =	smul.u32 $0xF7A, s1;
	s8 =	simm.s32 @!p0 $0x1BF5;
	p2 =	por !p2, p0  }
0x20: {  	[sflag:s8] =	ssyncset.s32 @!p0 $0xFFFFF086;
	s6 =	sadd.s32 @!p0 s3, s7;
	s7 =	simm.s32 @!p0 $0x108  }
0x21: {  	s3 =	sadd.s32 s3, s9;
	s6 =	sadd.s32 @!p0 $0x88, s6;
	s7 =	simm.s32 @p2 $0x1082  }
0x22: {  	[simem:s7], [sflag:s8] =	dma.local @!p0 [hbm:s6], $0xF7A  }
0x23: {  	s9 =	sor.u32 $0xD0000000, s2;
	s6 =	simm.s32 $0x108;
	_ =	swait.ge @!p0 [sflag:s8], $0x0  }
0x24: {  	s3 =	sadd.s32 $0x88, s3;
	s6 =	simm.s32 @!p1 $0x1082;
	[sflag:s4] =	ssyncset.s32 $0xFFFFF086  }
0x25: {  	[simem:s6], [sflag:s4] =	dma.local [hbm:s3], $0xF7A  }
0x26: {  	[smem:$0x3F9F] =	sst s1;
	(tag) =	ssettag s2;
	_ =	strace s9  }
0x27: {  	s1 =	sld [smem:$0x3FAF]  }
0x28: {  	s2 =	sld [smem:$0x3FB0]  }
0x29: {  	s4 =	sld [smem:$0x3FB2]  }
0x2a: {  	p0 =	seq.s32 s5, $0x0;
	s5 =	sld [smem:$0x3FB3]  }
0x2b: {  	s6 =	sld [smem:$0x3FB4]  }
0x2c: {  	s7 =	sld [smem:$0x3FB5]  }
0x2d: {  	s3 =	simm.s32 $0x108;
	s8 =	sld [smem:$0x3FB6]  }
0x2e: {  	s3 =	simm.s32 @!p0 $0x1082;
	s9 =	sld [smem:$0x3FB7]  }
0x2f: {  	lr =	sadd.s32 s0, s3;
	s0 =	sld [smem:$0x3FAE]  }
0x30: {  	s3 =	sld [smem:$0x3FB1]  }
0x31: {  	[smem:$0x3FBA] =	sst s10  }
0x32: {  	s10 =	sld [smem:$0x3FB8];
	_ =	sdelay $0x3  }
0x33: {  	p0 =	seq.s32 s10, $0x1;
	s10 =	sld [smem:$0x3FBA];
	_ =	sdelay $0x3  }
0x34: {  	[smem:$0x3FBA] =	sst s10  }
0x35: {  	s10 =	sld [smem:$0x3FB9];
	_ =	sdelay $0x3  }
0x36: {  	p1 =	seq.s32 s10, $0x1;
	s10 =	sld [smem:$0x3FBA];
	_ =	sdelay $0x3  }
0x37: {  	[smem:$0x3FBA] =	sst s10  }
0x38: {  	s10 =	sld [smem:$0x3FBB]  }
0x39: {  	_ = 	snop;
	(pc) =	sbr.ind lr, $3  }
0x3a: {  	_ = 	snop  }
0x3b: {  	_ = 	snop  }
0x3c: {  	p2 =	seq.s32 s10, $0x1;
	s10 =	sld [smem:$0x3FBA]  }
0x3d: {  	_ =	shalt  }
0x3e: {  	_ =	shalt  }
0x3f: {  	_ =	shalt  }
0x40: {  	_ =	shalt  }
0x41: {  	_ =	shalt  }
0x42: {  	_ =	shalt  }
0x43: {  	_ =	shalt  }
0x44: {  	_ =	shalt  }
0x45: {  	_ =	shalt  }
0x46: {  	_ =	shalt  }
0x47: {  	_ =	shalt  }
0x48: {  	_ =	shalt  }
0x49: {  	_ =	shalt  }
0x4a: {  	_ =	shalt  }
0x4b: {  	_ =	shalt  }
0x4c: {  	_ =	shalt  }
0x4d: {  	_ =	shalt  }
0x4e: {  	_ =	shalt  }
0x4f: {  	_ =	shalt  }
0x50: {  	_ =	shalt  }
0x51: {  	_ =	shalt  }
0x52: {  	_ =	shalt  }
0x53: {  	_ =	shalt  }
0x54: {  	_ =	shalt  }
0x55: {  	_ =	shalt  }
0x56: {  	_ =	shalt  }
0x57: {  	_ =	shalt  }
0x58: {  	_ =	shalt  }
0x59: {  	_ =	shalt  }
0x5a: {  	_ =	shalt  }
0x5b: {  	_ =	shalt  }
0x5c: {  	_ =	shalt  }
0x5d: {  	_ =	shalt  }
0x5e: {  	_ =	shalt  }
0x5f: {  	_ =	shalt  }
0x60: {  	_ =	shalt  }
0x61: {  	_ =	shalt  }
0x62: {  	_ =	shalt  }
0x63: {  	_ =	shalt  }
0x64: {  	_ =	shalt  }
0x65: {  	_ =	shalt  }
0x66: {  	_ =	shalt  }
0x67: {  	_ =	shalt  }
0x68: {  	_ =	shalt  }
0x69: {  	_ =	shalt  }
0x6a: {  	_ =	shalt  }
0x6b: {  	_ =	shalt  }
0x6c: {  	_ =	shalt  }
0x6d: {  	_ =	shalt  }
0x6e: {  	_ =	shalt  }
0x6f: {  	_ =	shalt  }
0x70: {  	_ =	shalt  }
0x71: {  	_ =	shalt  }
0x72: {  	_ =	shalt  }
0x73: {  	_ =	shalt  }
0x74: {  	_ =	shalt  }
0x75: {  	_ =	shalt  }
0x76: {  	_ =	shalt  }
0x77: {  	_ =	shalt  }
0x78: {  	_ =	shalt  }
0x79: {  	_ =	shalt  }
0x7a: {  	_ =	shalt  }
0x7b: {  	_ =	shalt  }
0x7c: {  	_ =	shalt  }
0x7d: {  	_ =	shalt  }
0x7e: {  	_ =	shalt  }
0x7f: {  	_ =	shalt  }
0x80: {  	_ =	shalt  }
0x81: {  	_ =	shalt  }
0x82: {  	_ =	shalt  }
0x83: {  	_ =	shalt  }
0x84: {  	_ =	shalt  }
0x85: {  	_ =	shalt  }
0x86: {  	_ =	shalt  }
0x87: {  	_ =	shalt  }
.Lfunc_end0:
.L_simem_size_0:
called_computation.1_lowered:
.L_overlay_start_0:
0x88: {  	s2 =	sld [smem:$0x3FD9]  }
0x89: {  	s3 =	sld [smem:$0x3FFE];
	_ =	sdelay $0x1  }
0x8a: {  	s1 =	srdreg.scid  }
0x8b: {  	s0 =	sand.u32 $0x1, s1  }
0x8c: {  	s17 =	sshll.u32 s0, $0xA;
	s2 =	sadd.s32 s3, s2  }
0x8d: {  	s2 =	sadd.s32 s2, s17  }
0x8e: {  	[smem:$0x3FC6] =	sst s2  }
0x8f: {  	_ = 	snop  }
0x90: {  	s2 =	sld [smem:$0x3FC9]  }
0x91: {  	s18 =	sld [smem:$0x3FD0];
	(tm) =	ssettm $0x1  }
0x92: {  	s4 =	sld [smem:$0x3FFB];
	_ =	sdelay $0x3  }
0x93: {  	_ =	strace s4  }
0x94: {  	s4 =	sld [smem:$0x3FFC];
	_ =	sdelay $0x3  }
0x95: {  	_ =	strace s4  }
0x96: {  	s4 =	sld [smem:$0x3FFD];
	_ =	sdelay $0x3  }
0x97: {  	_ =	strace s4  }
0x98: {  	_ =	strace $0x8FFFFFFF  }
0x99: {  	s19 =	sld [smem:$0x3FDB];
	_ =	sdelay $0x1  }
0x9a: {  	s5 =	simm.s32 $_scs_section_size  }
0x9b: {  	s6 =	simm.s32 $_size__tile_overlayer_lowered;
	s7 =	simm.s32 $_tile_overlayer_lowered  }
0x9c: {  	s22 =	simm.s32 $0x1BFF;
	s21 =	sshll.u32 s7, $0x1;
	s4 =	sadd.s32 s5, s19  }
0x9d: {  	s8 =	simm.s32 $0x0;
	s20 =	sshll.u32 s6, $0x1;
	s6 =	sadd.s32 s21, s4  }
0x9e: {  	[timem:s8], [sflag:s22] =	dma.local [hbm:s6], s20  }
0x9f: {  	_ =	swait.ge [sflag:s22], s20  }
0xa0: {  	s5 =	ssub.s32 $0x0, s20;
	[sflag:s22] =	ssyncset.done $0x0  }
0xa1: {  	[sflag:s22] =	ssyncadd.s32 s5;
	_ =	sdelay $0x1  }
0xa2: {  	s23 =	simm.s32 $0x1B8B  }
0xa3: {  	_ =	swait.ge [sflag:s23], $0x1  }
0xa4: {  	[sflag:s23] =	ssyncset.done $0x0  }
0xa5: {  	s25 =	simm.s32 $0x1B8E;
	s24 =	sld [smem:$0x3FFE];
	[sflag:s23] =	ssyncadd.s32 $0xFFFFFFFF  }
0xa6: {  	s26 =	simm.s32 $execute0_lowered;
	[smem:$0x3FD2] =	sst s25  }
0xa7: {  	s6 =	sshll.u32 s26, $0x1;
	_ =	strace $0x80000049;
	[dreg:$0x1] =	wrdreg $0xFFFFFFFF  }
0xa8: {  	s28 =	simm.s32 $_size_execute0_lowered;
	s4 =	sadd.s32 s4, s6;
	[dreg:$0x0] =	wrdreg $0x0  }
0xa9: {  	s6 =	sshll.u32 s28, $0x1;
	[dreg:$0x2] =	wrdreg s4  }
0xaa: {  	[dreg:$0x3] =	wrdreg s6  }
0xab: {  	[dreg:$0x4] =	wrdreg $0xC0  }
0xac: {  	_ =	task [dreg:s8], $0x5FFFF  }
0xad: {  	[dreg:$0x1] =	wrdreg $0xFFFFFFFF  }
0xae: {  	[dreg:$0x0] =	wrdreg $0x60  }
0xaf: {  	[dreg:$0x2] =	wrdreg s24  }
0xb0: {  	[dreg:$0x3] =	wrdreg s2  }
0xb1: {  	[dreg:$0x4] =	wrdreg s18  }
0xb2: {  	[dreg:$0x5] =	wrdreg $0xA5800  }
0xb3: {  	[dreg:$0x6] =	wrdreg $0x9  }
0xb4: {  	_ =	task.clear_ibuf [dreg:s8], $0x7FFFF;
	_ =	strace $0x90000049  }
0xb5: {  	s29 =	simm.s32 $0x9;
	_ =	strace $0x8000004B  }
0xb6: {  	_ =	swait.ge [sflag:s29], $0x1  }
0xb7: {  	[sflag:s29] =	ssyncadd.s32 $0xFFFFFFFF  }
0xb8: {  	_ =	strace $0x9000004B  }
0xb9: {  	_ =	sfence  }
0xba: {  	s30 =	sld [smem:$0x0];
	_ =	sdelay $0x2  }
0xbb: {  	s31 =	sshll.u32 s1, $0xD;
	s1 =	sshrl.u32 s1, $0x2  }
0xbc: {  	s3 =	sand.u32 $0x4000, s31;
	s1 =	sadd.s32 s1, s30  }
0xbd: {  	s0 =	sor.u32 s3, s0;
	s1 =	sshll.u32 s1, $0x11  }
0xbe: {  	s0 =	sor.u32 s1, s0  }
0xbf: {  	s0 =	sadd.s32 $0x8F2B, s0  }
0xc0: {  	[sflag:s0] =	ssyncadd.remote.s32 $0x1  }
0xc1: {  	_ =	sfence.sel $0xFFFF  }
0xc2: {  	[dreg:$0x0] =	wrdreg $0xFFFFFFFF;
	(pc) =	sbr.abs _section_cstart, $3  }
0xc3: {  	[dreg:$0x1] =	wrdreg $0xFFFFFFFF  }
0xc4: {  	_ =	task.clear_ibuf [dreg:s8], $0x2FFFF;
	_ =	strace $0x9FFFFFFF  }
0xc5: {  	(tm) =	ssettm $0x7FFFFFFF  }
tec
execute0_lowered:
.L_overlay_start_1:
0x0: {  	(tag) =	ssettag $0x1  }
0x1: {  	s1 =	srdreg.scid;
	s2 =	stileid.u32  }
0x2: {  	s0 =	rddreg [dreg:$0x0];
	s1 =	sand.u32 $0x1, s1;
	s3 =	sshll.u32 s2, $0x1  }
0x3: {  	s26 =	rddreg [dreg:$0x1];
	s3 =	sor.u32 s1, s3  }
0x4: {  	s6 =	rddreg [dreg:$0x3];
	s4 =	simm.s32 $0x0;
	s25 =	smul.u32 $0x3200, s3  }
0x5: {  	[smem:$0x7FF] =	sst s4;
	s0 =	sadd.s32 $0xC00, s0;
	s3 =	smul.u32 $0x320, s3  }
0x6: {  	_ =	strace $0x8000004A;
	[dreg:$0x6] =	wrdreg s0  }
0x7: {  	s1 =	ssub.s32 $0x2, s1;
	s29 =	sadd.s32 s26, s25;
	[dreg:$0x5] =	wrdreg s3  }
0x8: {  	v0 =	vlaneseq.u32;
	s5 =	sshrl.u32 s1, $0x1;
	s30 =	sor.u32 $0x2, s3;
	[dreg:$0x7] =	wrdreg s29  }
0x9: {  	v0 =	vmul.u32 $0x49, v0;
	s28 =	ssub.s32 s1, s5;
	s31 =	sor.u32 $0x3, s3;
	[dreg:$0x9] =	wrdreg s30  }
0xa: {  	s0 =	smax.u32 s28, $0x1;
	[dreg:$0xa] =	wrdreg s31  }
0xb: {  	p0 =	sne.s32 s2, $0x0;
	v1 =	vadd.s32 $0x490, v0;
	s1 =	sadd.s32 $0x10, s29;
	[dreg:$0xb] =	wrdreg s0  }
0xc: {  	v2 =	vadd.s32 $0x920, v0;
	v3 =	vadd.s32 $0xDB0, v0;
	v4 =	vadd.s32 $0x1240, v0;
	s0 =	sshrl.u32 @!p0 s6, $0x3;
	[dreg:$0x8] =	wrdreg s1  }
0xd: {  	s18 =	simm.s32 $0x4100;
	s2 =	simm.s32 $0x0;
	v5 =	vadd.s32 $0x16D0, v0;
	v6 =	vadd.s32 $0x1B60, v0;
	v7 =	vadd.s32 $0x1FF0, v0;
	[dreg:$0xc] =	wrdreg s0  }
.LBB2_1:
0xe: {  	[dreg:$0xd] =	wrdreg s2  }
0xf: {  	s1 =	rddreg [dreg:$0x6]  }
0x10: {  	s0 =	simm.s32 @!p0 $0x1C04;
	s2 =	rddreg [dreg:$0xc]  }
0x11: {  	[spmem:s2], [sflag:s0] =	dma.local @!p0 [hbm:s1], $0x2000  }
0x12: {  	s0 =	simm.s32 @!p0 $0x4  }
0x13: {  	_ =	swait.ge @!p0 [sflag:s0], $0x2000  }
0x14: {  	[sflag:s0] =	ssyncset.done @!p0 $0x0  }
0x15: {  	[sflag:s0] =	ssyncadd.s32 @!p0 $0xFFFFE000  }
0x16: {  	[bflag:$0x0] =	sbarrier.arrive $0xFFFF  }
0x17: {  	s25 =	simm.s32 $0x0;
	s29 =	simm.s32 $0x1;
	s28 =	rddreg [dreg:$0x7]  }
0x18: {  	[tilespmem:s25], [sflag:$0x1] =	stream.linear.gather [hbm4b:s28+s25], $0x80, $0x38;
	[tilespmem:$0xB580] =	vst v63  }
0x19: {  	_ =	swait.ge [sflag:s29], $0x80  }
0x1a: {  	[sflag:s29] =	ssyncset.done $0x0  }
0x1b: {  	[sflag:s29] =	ssyncadd.s32 $0xFFFFFF80  }
0x1c: {  	s30 =	simm.s32 $0x80;
	s3 =	simm.s32 $0x100;
	s0 =	rddreg [dreg:$0x3]  }
0x1d: {  	[tilespmem:s3], [sflag:$0x2] =	stream.indirect.gather [spmem:s0], $0x40, s25, s30, $0xb8;
	[tilespmem:$0xB580] =	vst v63  }
0x1e: {  	s31 =	rddreg [dreg:$0x8]  }
0x1f: {  	[tilespmem:s30], [sflag:$0x1] =	stream.linear.gather [hbm4b:s31+s25], $0x80, $0x38;
	[tilespmem:$0xB580] =	vst v63  }
0x20: {  	s25 =	simm.s32 $0x0  }
.LBB2_2:
0x21: {  	s0 =	simm.s32 $0x2  }
0x22: {  	_ =	swait.ge [sflag:s0], $0x2000  }
0x23: {  	[sflag:s0] =	ssyncset.done $0x0  }
0x24: {  	s30 =	simm.s32 $0x1;
	[sflag:s0] =	ssyncadd.s32 $0xFFFFE000  }
0x25: {  	_ =	swait.ge [sflag:s30], $0x80  }
0x26: {  	[sflag:s30] =	ssyncset.done $0x0  }
0x27: {  	[sflag:s30] =	ssyncadd.s32 $0xFFFFFF80  }
0x28: {  	s1 =	simm.s32 $0x80;
	s2 =	simm.s32 $0x2100;
	s0 =	rddreg [dreg:$0x3]  }
0x29: {  	[tilespmem:s2], [sflag:$0x2] =	stream.indirect.gather [spmem:s0], $0x40, s1, s1, $0xb8;
	[tilespmem:$0xB580] =	vst v63  }
0x2a: {  	s28 =	sshll.u32 s25, $0x1;
	p1 =	seq.s32 s25, $0x18F;
	s0 =	rddreg [dreg:$0x9]  }
0x2b: {  	s0 =	sadd.s32 @!p1 s28, s0  }
0x2c: {  	s0 =	sshll.u32 @!p1 s0, $0x4  }
0x2d: {  	p2 =	seq.s32 @!p1 s25, $0x0;
	s0 =	sand.u32 @!p1 $0x1FFFFFE0, s0  }
0x2e: {  	p2 =	por p1, !p2;
	s1 =	simm.s32 @!p1 $0x0;
	s0 =	sadd.s32 @!p1 s26, s0  }
0x2f: {  	[tilespmem:s1], [sflag:$0x1] =	stream.linear.gather @!p1 [hbm4b:s0+s1], $0x80, $0x38;
	[tilespmem:$0xB580] =	vst v63  }
0x30: {  	s0 =	simm.s32 @p2 $0x3  }
0x31: {  	_ =	swait.ge @p2 [sflag:s0], $0x2000  }
0x32: {  	[sflag:s0] =	ssyncset.done @p2 $0x0  }
0x33: {  	s3 =	simm.s32 $0x200;
	[sflag:s0] =	ssyncadd.s32 @p2 $0xFFFFE000  }
0x34: {  	v8 =	vld [tilespmem:s3+$0xC0]  }
0x35: {  	v9 =	vld [tilespmem:s3+$0xFFFFFF40]  }
0x36: {  	v10 =	vld [tilespmem:s3+$0xFFFFFF80]  }
0x37: {  	v11 =	vld [tilespmem:s3+$0xFFFFFFC0]  }
0x38: {  	s0 =	simm.s32 $0x4224;
	v12 =	vld [tilespmem:s3+$0x0]  }
0x39: {  	v13 =	vld [tilespmem:s3+$0x40];
	[tilespmem:s0+$0xDB] =	vst v8  }
0x3a: {  	[tilespmem:s0+$0xFFFFFF25] =	vst v9;
	v9 =	vld [tilespmem:s3+$0x80]  }
0x3b: {  	[tilespmem:s0+$0xFFFFFF6E] =	vst v10;
	v10 =	vld [tilespmem:s3+$0xFFFFFF00]  }
0x3c: {  	[tilespmem:s0+$0xFFFFFFB7] =	vst v11;
	v8 =	vld [tilespmem:s3+$0xD0]  }
0x3d: {  	[tilespmem:s0+$0x0] =	vst v12;
	v11 =	vld [tilespmem:s3+$0xFFFFFF50]  }
0x3e: {  	[tilespmem:s0+$0x49] =	vst v13;
	v12 =	vld [tilespmem:s3+$0xFFFFFF90]  }
0x3f: {  	v13 =	vld [tilespmem:s3+$0xFFFFFFD0];
	[tilespmem:s0+$0x92] =	vst v9  }
0x40: {  	[tilespmem:s0+$0xFFFFFEDC] =	vst v10;
	v9 =	vld [tilespmem:s3+$0x10]  }
0x41: {  	[tilespmem:s0+$0xEB] =	vst v8;
	v10 =	vld [tilespmem:s3+$0xFFFFFF10]  }
0x42: {  	[tilespmem:s0+$0xFFFFFF35] =	vst v11;
	v11 =	vld [tilespmem:s3+$0x50]  }
0x43: {  	[tilespmem:s0+$0xFFFFFF7E] =	vst v12;
	v12 =	vld [tilespmem:s3+$0x90]  }
0x44: {  	[tilespmem:s0+$0xFFFFFFC7] =	vst v13;
	v8 =	vld [tilespmem:s3+$0xE0]  }
0x45: {  	v13 =	vld [tilespmem:s3+$0xFFFFFF60];
	[tilespmem:s0+$0x10] =	vst v9  }
0x46: {  	v9 =	vld [tilespmem:s3+$0xFFFFFFA0];
	[tilespmem:s0+$0xFFFFFEEC] =	vst v10  }
0x47: {  	[tilespmem:s0+$0x59] =	vst v11;
	v11 =	vld [tilespmem:s3+$0xFFFFFFE0]  }
0x48: {  	[tilespmem:s0+$0xA2] =	vst v12;
	v12 =	vld [tilespmem:s3+$0x20]  }
0x49: {  	[tilespmem:s0+$0xFB] =	vst v8;
	v10 =	vld [tilespmem:s3+$0xFFFFFF20]  }
0x4a: {  	[tilespmem:s0+$0xFFFFFF45] =	vst v13;
	v13 =	vld [tilespmem:s3+$0x60]  }
0x4b: {  	v14 =	vld [tilespmem:s3+$0xA0];
	[tilespmem:s0+$0xFFFFFF8E] =	vst v9  }
0x4c: {  	v8 =	vld [tilespmem:s3+$0xF0];
	[tilespmem:s0+$0xFFFFFFD7] =	vst v11  }
0x4d: {  	[tilespmem:s0+$0x20] =	vst v12  }
0x4e: {  	v15 =	vld [tilespmem:s3+$0xFFFFFF70];
	[tilespmem:s0+$0xFFFFFEFC] =	vst v10  }
0x4f: {  	[tilespmem:s0+$0x69] =	vst v13;
	v16 =	vld [tilespmem:s3+$0xFFFFFF30]  }
0x50: {  	v10 =	vld [tilespmem:s3+$0xFFFFFFB0];
	[tilespmem:s0+$0xB2] =	vst v14  }
0x51: {  	s31 =	sshllo.u32 s25, $0x1;
	v9 =	vld [tilespmem:s3+$0xFFFFFFF0];
	[tilespmem:s0+$0x10B] =	vst v8  }
0x52: {  	v8 =	vld [tilespmem:s3+$0x30];
	[dreg:$0xe] =	wrdreg s31  }
0x53: {  	s29 =	simm.s32 $0x65C0;
	[tilespmem:s0+$0xFFFFFF55] =	vst v15;
	v11 =	vld [tilespmem:s3+$0x70]  }
0x54: {  	s2 =	simm.s32 $0x0;
	s1 =	simm.s32 $0x180;
	v12 =	vld [tilespmem:s3+$0xB0];
	s3 =	simm.s32 $0x400;
	[tilespmem:s0+$0xFFFFFF0C] =	vst v16  }
.LBB2_3:
0x55: {  	v13 =	vld [tilespmem:s3+$0xC0];
	s2 =	sadd.s32 $0x8, s2;
	[tilespmem:s0+$0xFFFFFF9E] =	vst v10  }
0x56: {  	v10 =	vld [tilespmem:s3+$0xFFFFFF40];
	p3 =	slt.u32 s2, $0x78;
	[tilespmem:s0+$0xFFFFFFE7] =	vst v9  }
0x57: {  	v9 =	vld [tilespmem:s3+$0xFFFFFF80];
	[tilespmem:s0+$0x30] =	vst v8  }
0x58: {  	v8 =	vld [tilespmem:s3+$0xFFFFFFC0];
	[tilespmem:s0+$0x79] =	vst v11  }
0x59: {  	v11 =	vld [tilespmem:s3+$0x0];
	[tilespmem:s0+$0xC2] =	vst v12;
	s0 =	sadd.s32 $0x248, s0  }
0x5a: {  	v12 =	vld [tilespmem:s3+$0x40];
	[tilespmem:s0+$0xDB] =	vst v13  }
0x5b: {  	[tilespmem:s0+$0xFFFFFF25] =	vst v10;
	v10 =	vld [tilespmem:s3+$0xD0]  }
0x5c: {  	[tilespmem:s0+$0xFFFFFF6E] =	vst v9;
	v9 =	vld [tilespmem:s3+$0x80]  }
0x5d: {  	v13 =	vld [tilespmem:s3+$0xFFFFFF00];
	[tilespmem:s0+$0xFFFFFFB7] =	vst v8  }
0x5e: {  	v8 =	vld [tilespmem:s3+$0xFFFFFF50];
	[tilespmem:s0+$0x0] =	vst v11  }
0x5f: {  	v11 =	vld [tilespmem:s3+$0xFFFFFF90];
	[tilespmem:s0+$0x49] =	vst v12  }
0x60: {  	v12 =	vld [tilespmem:s3+$0xFFFFFFD0];
	[tilespmem:s0+$0xEB] =	vst v10  }
0x61: {  	[tilespmem:s0+$0x92] =	vst v9;
	v9 =	vld [tilespmem:s3+$0xE0]  }
0x62: {  	[tilespmem:s0+$0xFFFFFEDC] =	vst v13;
	v10 =	vld [tilespmem:s3+$0x10]  }
0x63: {  	v13 =	vld [tilespmem:s3+$0xFFFFFF10];
	[tilespmem:s0+$0xFFFFFF35] =	vst v8  }
0x64: {  	[tilespmem:s0+$0xFFFFFF7E] =	vst v11;
	v8 =	vld [tilespmem:s3+$0x50]  }
0x65: {  	[tilespmem:s0+$0xFFFFFFC7] =	vst v12;
	v11 =	vld [tilespmem:s3+$0x90]  }
0x66: {  	v12 =	vld [tilespmem:s3+$0xFFFFFF60];
	[tilespmem:s0+$0xFB] =	vst v9  }
0x67: {  	[tilespmem:s0+$0x10] =	vst v10;
	v9 =	vld [tilespmem:s3+$0xF0]  }
0x68: {  	[tilespmem:s0+$0xFFFFFEEC] =	vst v13;
	v10 =	vld [tilespmem:s3+$0xFFFFFFA0]  }
0x69: {  	v13 =	vld [tilespmem:s3+$0xFFFFFF20];
	[tilespmem:s0+$0x59] =	vst v8  }
0x6a: {  	v8 =	vld [tilespmem:s3+$0xFFFFFFE0];
	[tilespmem:s0+$0xA2] =	vst v11  }
0x6b: {  	[tilespmem:s0+$0xFFFFFF45] =	vst v12;
	v11 =	vld [tilespmem:s3+$0x20]  }
0x6c: {  	s10 =	simm.s32 $0x0;
	v12 =	vld [tilespmem:s3+$0x60];
	[tilespmem:s0+$0x10B] =	vst v9  }
0x6d: {  	[tilespmem:s0+$0xFFFFFF8E] =	vst v10;
	v14 =	vld [tilespmem:s3+$0xA0]  }
0x6e: {  	[tilespmem:s0+$0xFFFFFEFC] =	vst v13;
	v13 =	vld [tilespmem:s3+$0xFFFFFF70]  }
0x6f: {  	v15 =	vld [tilespmem:s3+$0xFFFFFF30];
	[tilespmem:s0+$0xFFFFFFD7] =	vst v8  }
.Ltmp0:
0x70: {  	v10 =	vld [tilespmem:s3+$0xFFFFFFB0];
	[tilespmem:s0+$0x20] =	vst v11;
	(pc) =	sbr.rel @p3 .LBB2_3-.Ltmp0, $4  }
0x71: {  	v9 =	vld [tilespmem:s3+$0xFFFFFFF0];
	[tilespmem:s0+$0x69] =	vst v12  }
0x72: {  	v8 =	vld [tilespmem:s3+$0x30];
	[tilespmem:s0+$0xB2] =	vst v14  }
0x73: {  	[tilespmem:s0+$0xFFFFFF55] =	vst v13;
	v11 =	vld [tilespmem:s3+$0x70]  }
0x74: {  	[tilespmem:s0+$0xFFFFFF0C] =	vst v15;
	v12 =	vld [tilespmem:s3+$0xB0];
	s3 =	sadd.s32 $0x200, s3  }
0x75: {  	_ = 	snop  }
0x76: {  	s3 =	simm.s32 $0x2;
	[tilespmem:s0+$0xFFFFFFE7] =	vst v9;
	v9 =	vadd.s32 s10, v0  }
0x77: {  	[tilespmem:s0+$0xFFFFFF9E] =	vst v10;
	s19 =	simm.s32 $0x1;
	v10 =	vadd.s32 s3, v0  }
0x78: {  	[tilespmem:s0+$0x30] =	vst v8;
	v8 =	vadd.s32 s19, v0  }
0x79: {  	[tilespmem:s0+$0x79] =	vst v11  }
0x7a: {  	s20 =	simm.s32 $0x3;
	[tilespmem:s0+$0xC2] =	vst v12  }
0x7b: {  	v14 =	vadd.s32 s20, v0;
	v9 =	vld.idx.msk [tilespmem:v9+s18+$0x0], $0xffff  }
0x7c: {  	s31 =	simm.s32 $0x6;
	v12 =	vadd.s32 s10, v1;
	v10 =	vld.idx.msk [tilespmem:v10+s18+$0x0], $0xffff  }
0x7d: {  	s4 =	simm.s32 $0x0;
	v15 =	vadd.s32 s31, v0;
	v8 =	vld.idx.msk [tilespmem:v8+s18+$0x0], $0xffff  }
0x7e: {  	s2 =	simm.s32 $0x100;
	v13 =	vadd.s32 s19, v1;
	s0 =	sand.u32 $0x1C00, s4  }
0x7f: {  	s2 =	sand.u32 $0x300, s2;
	v11 =	vadd.s32 s3, v1;
	s4 =	simm.s32 $0x80;
	s0 =	sadd.s32 $0x6580, s0  }
0x80: {  	s5 =	sand.u32 $0x280, s4;
	s15 =	sadd.s32 s2, s0;
	v14 =	vld.idx.msk [tilespmem:v14+s18+$0x0], $0xffff;
	[tilespmem:s29+$0xFFFFFFC0] =	vst v9  }
0x81: {  	v16 =	vadd.s32 s20, v1;
	s11 =	sadd.s32 s5, s0;
	[tilespmem:s15+$0x0] =	vst v10;
	v10 =	vld.idx.msk [tilespmem:v12+s18+$0x0], $0xffff  }
0x82: {  	v15 =	vld.idx.msk [tilespmem:v15+s18+$0x0], $0xffff;
	[tilespmem:s11+$0x0] =	vst v8  }
0x83: {  	s1 =	sand.u32 $0x380, s1;
	s6 =	simm.s32 $0x200;
	v8 =	vadd.s32 s10, v2;
	v12 =	vld.idx.msk [tilespmem:v13+s18+$0x0], $0xffff  }
0x84: {  	s7 =	simm.s32 $0x300;
	v17 =	vadd.s32 s31, v1;
	s21 =	sadd.s32 s1, s0;
	s0 =	sand.u32 $0x1C00, s6;
	v9 =	vld.idx.msk [tilespmem:v11+s18+$0x0], $0xffff  }
0x85: {  	s24 =	simm.s32 $0x4;
	s1 =	sand.u32 $0x300, s7;
	s0 =	sadd.s32 $0x6580, s0;
	[tilespmem:s21+$0x0] =	vst v14;
	v11 =	vadd.s32 s3, v2  }
0x86: {  	s30 =	sadd.s32 s1, s0;
	v16 =	vld.idx.msk [tilespmem:v16+s18+$0x0], $0xffff;
	[tilespmem:s29+$0xFFFFFFD0] =	vst v10;
	v10 =	vadd.s32 s24, v0  }
0x87: {  	s17 =	simm.s32 $0x5;
	v18 =	vadd.s32 s20, v2;
	[tilespmem:s30+$0x0] =	vst v15  }
0x88: {  	v8 =	vld.idx.msk [tilespmem:v8+s18+$0x0], $0xffff;
	[tilespmem:s11+$0x10] =	vst v12;
	v12 =	vadd.s32 s17, v0  }
0x89: {  	s2 =	simm.s32 $0x7;
	v15 =	vld.idx.msk [tilespmem:v17+s18+$0x0], $0xffff;
	v13 =	vadd.s32 s19, v2;
	[tilespmem:s15+$0x10] =	vst v9  }
0x8a: {  	v9 =	vld.idx.msk [tilespmem:v11+s18+$0x0], $0xffff;
	v11 =	vadd.s32 s2, v0  }
0x8b: {  	v14 =	vadd.s32 s10, v3;
	[tilespmem:s21+$0x10] =	vst v16;
	v10 =	vld.idx.msk [tilespmem:v10+s18+$0x0], $0xffff  }
0x8c: {  	v19 =	vadd.s32 s24, v1;
	v17 =	vld.idx.msk [tilespmem:v18+s18+$0x0], $0xffff  }
0x8d: {  	[tilespmem:s29+$0xFFFFFFE0] =	vst v8;
	v8 =	vadd.s32 s3, v3;
	v12 =	vld.idx.msk [tilespmem:v12+s18+$0x0], $0xffff  }
0x8e: {  	v20 =	vadd.s32 s17, v1;
	v13 =	vld.idx.msk [tilespmem:v13+s18+$0x0], $0xffff  }
0x8f: {  	s8 =	simm.s32 $0x280;
	s22 =	simm.s32 $0x67C0;
	v16 =	vadd.s32 s19, v3;
	[tilespmem:s30+$0x10] =	vst v15;
	v11 =	vld.idx.msk [tilespmem:v11+s18+$0x0], $0xffff  }
0x90: {  	s1 =	sand.u32 $0x280, s8;
	v14 =	vld.idx.msk [tilespmem:v14+s18+$0x0], $0xffff;
	[tilespmem:s22+$0xFFFFFFC0] =	vst v10;
	v10 =	vadd.s32 s31, v2  }
0x91: {  	s1 =	sadd.s32 s1, s0;
	v18 =	vadd.s32 s20, v3;
	[tilespmem:s15+$0x20] =	vst v9;
	v9 =	vld.idx.msk [tilespmem:v19+s18+$0x0], $0xffff  }
0x92: {  	v8 =	vld.idx.msk [tilespmem:v8+s18+$0x0], $0xffff;
	[tilespmem:s1+$0x0] =	vst v12;
	v12 =	vadd.s32 s24, v2  }
0x93: {  	[tilespmem:s11+$0x20] =	vst v13;
	v19 =	vadd.s32 s3, v4;
	v13 =	vld.idx.msk [tilespmem:v20+s18+$0x0], $0xffff  }
0x94: {  	[tilespmem:s21+$0x20] =	vst v17;
	v15 =	vld.idx.msk [tilespmem:v16+s18+$0x0], $0xffff;
	v16 =	vadd.s32 s17, v2  }
0x95: {  	v17 =	vadd.s32 s19, v4;
	[tilespmem:s29+$0xFFFFFFF0] =	vst v14;
	v10 =	vld.idx.msk [tilespmem:v10+s18+$0x0], $0xffff  }
0x96: {  	s12 =	simm.s32 $0x8;
	[tilespmem:s22+$0xFFFFFFD0] =	vst v9;
	v9 =	vld.idx.msk [tilespmem:v18+s18+$0x0], $0xffff;
	v18 =	vadd.s32 s10, v4  }
0x97: {  	[tilespmem:s15+$0x30] =	vst v8;
	v8 =	vadd.s32 s12, v0;
	v12 =	vld.idx.msk [tilespmem:v12+s18+$0x0], $0xffff  }
0x98: {  	s8 =	simm.s32 $0xA;
	v20 =	vadd.s32 s20, v4;
	[tilespmem:s1+$0x10] =	vst v13;
	v13 =	vld.idx.msk [tilespmem:v19+s18+$0x0], $0xffff  }
0x99: {  	s5 =	simm.s32 $0x380;
	v14 =	vadd.s32 s8, v0;
	[tilespmem:s11+$0x30] =	vst v15;
	v15 =	vld.idx.msk [tilespmem:v16+s18+$0x0], $0xffff  }
0x9a: {  	s4 =	simm.s32 $0xB;
	s5 =	sand.u32 $0x380, s5;
	v19 =	vadd.s32 s2, v1;
	v16 =	vld.idx.msk [tilespmem:v17+s18+$0x0], $0xffff  }
0x9b: {  	s6 =	sadd.s32 s5, s0;
	v17 =	vadd.s32 s4, v0;
	[tilespmem:s21+$0x30] =	vst v9;
	v9 =	vld.idx.msk [tilespmem:v18+s18+$0x0], $0xffff  }
0x9c: {  	[tilespmem:s6+$0x0] =	vst v11;
	v11 =	vadd.s32 s24, v3;
	v8 =	vld.idx.msk [tilespmem:v8+s18+$0x0], $0xffff  }
0x9d: {  	v18 =	vadd.s32 s19, v5;
	v20 =	vld.idx.msk [tilespmem:v20+s18+$0x0], $0xffff  }
0x9e: {  	[tilespmem:s22+$0xFFFFFFE0] =	vst v12;
	v12 =	vld.idx.msk [tilespmem:v14+s18+$0x0], $0xffff;
	v14 =	vadd.s32 s31, v3  }
0x9f: {  	v21 =	vadd.s32 s20, v5;
	[tilespmem:s30+$0x20] =	vst v10;
	v19 =	vld.idx.msk [tilespmem:v19+s18+$0x0], $0xffff  }
0xa0: {  	s14 =	simm.s32 $0x9;
	v10 =	vld.idx.msk [tilespmem:v17+s18+$0x0], $0xffff;
	v17 =	vadd.s32 s10, v5;
	[tilespmem:s11+$0x40] =	vst v16  }
0xa1: {  	s9 =	simm.s32 $0x400;
	s7 =	simm.s32 $0x69C0;
	v16 =	vadd.s32 s14, v0;
	[tilespmem:s1+$0x20] =	vst v15;
	v11 =	vld.idx.msk [tilespmem:v11+s18+$0x0], $0xffff  }
0xa2: {  	s0 =	sand.u32 $0x1C00, s9;
	s9 =	simm.s32 $0x500;
	v15 =	vld.idx.msk [tilespmem:v18+s18+$0x0], $0xffff;
	v18 =	vadd.s32 s8, v1;
	[tilespmem:s7+$0xFFFFFFC0] =	vst v8  }
0xa3: {  	s5 =	sadd.s32 $0x6580, s0;
	s13 =	sand.u32 $0x300, s9;
	[tilespmem:s21+$0x40] =	vst v20;
	v20 =	vadd.s32 s12, v1;
	v24 =	vld.idx.msk [tilespmem:v14+s18+$0x0], $0xffff  }
0xa4: {  	s0 =	sadd.s32 s13, s5;
	[tilespmem:s29+$0x0] =	vst v9;
	v9 =	vadd.s32 s19, v6;
	v8 =	vld.idx.msk [tilespmem:v21+s18+$0x0], $0xffff  }
0xa5: {  	[tilespmem:s0+$0x0] =	vst v12;
	v14 =	vadd.s32 s3, v5;
	v12 =	vld.idx.msk [tilespmem:v17+s18+$0x0], $0xffff  }
0xa6: {  	v16 =	vld.idx.msk [tilespmem:v16+s18+$0x0], $0xffff;
	[tilespmem:s22+$0xFFFFFFF0] =	vst v11;
	v11 =	vadd.s32 s2, v2  }
0xa7: {  	[tilespmem:s15+$0x40] =	vst v13;
	v13 =	vadd.s32 s20, v6;
	v17 =	vld.idx.msk [tilespmem:v18+s18+$0x0], $0xffff  }
0xa8: {  	v18 =	vadd.s32 s10, v6;
	[tilespmem:s11+$0x50] =	vst v15;
	v15 =	vld.idx.msk [tilespmem:v20+s18+$0x0], $0xffff  }
0xa9: {  	s16 =	simm.s32 $0x480;
	[tilespmem:s6+$0x10] =	vst v19;
	v19 =	vadd.s32 s17, v3;
	v9 =	vld.idx.msk [tilespmem:v9+s18+$0x0], $0xffff  }
0xaa: {  	s9 =	sand.u32 $0x280, s16;
	v20 =	vadd.s32 s14, v1;
	v14 =	vld.idx.msk [tilespmem:v14+s18+$0x0], $0xffff;
	[tilespmem:s21+$0x50] =	vst v8  }
0xab: {  	s9 =	sadd.s32 s9, s5;
	v8 =	vadd.s32 s8, v2;
	[tilespmem:s29+$0x10] =	vst v12;
	v11 =	vld.idx.msk [tilespmem:v11+s18+$0x0], $0xffff  }
0xac: {  	[tilespmem:s9+$0x0] =	vst v16;
	v16 =	vadd.s32 s3, v6;
	v12 =	vld.idx.msk [tilespmem:v13+s18+$0x0], $0xffff  }
0xad: {  	v21 =	vadd.s32 s19, v7;
	v13 =	vld.idx.msk [tilespmem:v18+s18+$0x0], $0xffff;
	[tilespmem:s0+$0x10] =	vst v17  }
0xae: {  	v18 =	vadd.s32 s12, v2;
	v17 =	vld.idx.msk [tilespmem:v19+s18+$0x0], $0xffff;
	[tilespmem:s7+$0xFFFFFFD0] =	vst v15  }
0xaf: {  	v23 =	vadd.s32 s2, v3;
	v20 =	vld.idx.msk [tilespmem:v20+s18+$0x0], $0xffff;
	[tilespmem:s11+$0x60] =	vst v9  }
0xb0: {  	v19 =	vadd.s32 s20, v7;
	[tilespmem:s15+$0x50] =	vst v14;
	v22 =	vld.idx.msk [tilespmem:v8+s18+$0x0], $0xffff  }
0xb1: {  	v25 =	vadd.s32 s10, v7;
	v16 =	vld.idx.msk [tilespmem:v16+s18+$0x0], $0xffff;
	[tilespmem:s6+$0x20] =	vst v11  }
0xb2: {  	v15 =	vld.idx.msk [tilespmem:v21+s18+$0x0], $0xffff;
	[tilespmem:s21+$0x60] =	vst v12  }
0xb3: {  	v14 =	vadd.s32 s31, v4;
	v12 =	vld.idx.msk [tilespmem:v18+s18+$0x0], $0xffff;
	[tilespmem:s29+$0x20] =	vst v13  }
0xb4: {  	s19 =	simm.s32 $0x580;
	v9 =	vadd.s32 s2, v4;
	v13 =	vld.idx.msk [tilespmem:v23+s18+$0x0], $0xffff;
	[tilespmem:s9+$0x10] =	vst v20;
	v20 =	vadd.s32 s14, v2  }
0xb5: {  	s23 =	sand.u32 $0x380, s19;
	[tilespmem:s30+$0x30] =	vst v24;
	v8 =	vadd.s32 s4, v4;
	v11 =	vadd.s32 s4, v1;
	v18 =	vadd.s32 s3, v7;
	v19 =	vld.idx.msk [tilespmem:v19+s18+$0x0], $0xffff  }
0xb6: {  	s10 =	sadd.s32 s23, s5;
	s3 =	simm.s32 $0xC;
	v23 =	vadd.s32 s24, v4;
	v21 =	vld.idx.msk [tilespmem:v25+s18+$0x0], $0xffff;
	[tilespmem:s0+$0x20] =	vst v22;
	v22 =	vadd.s32 s17, v4  }
.LBB2_5:
0xb7: {  	s23 =	sadd.s32 $0x1, s3  }
0xb8: {  	v24 =	vadd.s32 s3, v0;
	p3 =	slt.u32 s3, $0x3C;
	[tilespmem:s1+$0x30] =	vst v17;
	v14 =	vld.idx.msk [tilespmem:v14+s18+$0x0], $0xffff;
	s13 =	smov.u32 s3;
	s3 =	sadd.s32 $0x4, s3  }
0xb9: {  	v17 =	vadd.s32 s23, v0;
	s20 =	sadd.s32 $0x2, s13;
	v20 =	vld.idx.msk [tilespmem:v20+s18+$0x0], $0xffff;
	[tilespmem:s15+$0x60] =	vst v16  }
0xba: {  	s5 =	sadd.s32 $0x3, s13;
	v16 =	vadd.s32 s20, v0;
	[tilespmem:s10+$0x0] =	vst v10;
	v10 =	vld.idx.msk [tilespmem:v18+s18+$0x0], $0xffff  }
0xbb: {  	v18 =	vadd.s32 s5, v0;
	v25 =	vadd.s32 s5, v4;
	v22 =	vld.idx.msk [tilespmem:v22+s18+$0x0], $0xffff;
	[tilespmem:s6+$0x30] =	vst v13  }
0xbc: {  	v13 =	vld.idx.msk [tilespmem:v23+s18+$0x0], $0xffff;
	[tilespmem:s29+$0x30] =	vst v21;
	s29 =	smov.u32 s22;
	s22 =	smov.u32 s7  }
0xbd: {  	v21 =	vadd.s32 s17, v5;
	v23 =	vld.idx.msk [tilespmem:v9+s18+$0x0], $0xffff;
	[tilespmem:s11+$0x70] =	vst v15;
	v9 =	vmov v8;
	v8 =	vmov v25;
	s11 =	smov.u32 s1;
	s1 =	smov.u32 s9  }
0xbe: {  	v15 =	vld.idx.msk [tilespmem:v24+s18+$0x0], $0xffff;
	v24 =	vadd.s32 s12, v3;
	[tilespmem:s21+$0x70] =	vst v19;
	s21 =	smov.u32 s6;
	s6 =	smov.u32 s10  }
0xbf: {  	s19 =	sadd.s32 $0x200, s19;
	v25 =	vadd.s32 s2, v5;
	v19 =	vadd.s32 s13, v1;
	[tilespmem:s7+$0xFFFFFFE0] =	vst v12;
	v12 =	vld.idx.msk [tilespmem:v11+s18+$0x0], $0xffff  }
0xc0: {  	v27 =	vadd.s32 s8, v3;
	v26 =	vadd.s32 s23, v1;
	s9 =	sadd.s32 $0xFFFFFE80, s19;
	v16 =	vld.idx.msk [tilespmem:v16+s18+$0x0], $0xffff;
	[tilespmem:s15+$0x70] =	vst v10;
	s15 =	smov.u32 s30;
	s30 =	smov.u32 s0  }
0xc1: {  	v28 =	vadd.s32 s20, v1;
	s7 =	sadd.s32 $0x200, s7;
	s0 =	sand.u32 $0x1C00, s9;
	s9 =	sadd.s32 $0xFFFFFF00, s19;
	v10 =	vld.idx.msk [tilespmem:v18+s18+$0x0], $0xffff;
	v18 =	vadd.s32 s24, v5;
	[tilespmem:s11+$0x40] =	vst v22  }
0xc2: {  	v11 =	vadd.s32 s5, v1;
	s9 =	sand.u32 $0x280, s9;
	s10 =	sadd.s32 $0x6580, s0;
	s0 =	sadd.s32 $0xFFFFFF80, s19;
	[tilespmem:s1+$0x20] =	vst v20;
	v20 =	vld.idx.msk [tilespmem:v21+s18+$0x0], $0xffff  }
0xc3: {  	s9 =	sadd.s32 s9, s10;
	s0 =	sand.u32 $0x300, s0;
	v21 =	vld.idx.msk [tilespmem:v24+s18+$0x0], $0xffff;
	[tilespmem:s21+$0x40] =	vst v23  }
0xc4: {  	s16 =	sand.u32 $0x380, s19;
	s0 =	sadd.s32 s0, s10;
	[tilespmem:s7+$0xFFFFFFC0] =	vst v15;
	v15 =	vld.idx.msk [tilespmem:v25+s18+$0x0], $0xffff  }
0xc5: {  	s10 =	sadd.s32 s16, s10;
	v24 =	vld.idx.msk [tilespmem:v27+s18+$0x0], $0xffff;
	[tilespmem:s29+$0x0] =	vst v13;
	v13 =	vadd.s32 s17, v6  }
0xc6: {  	[tilespmem:s0+$0x0] =	vst v16;
	v16 =	vld.idx.msk [tilespmem:v18+s18+$0x0], $0xffff;
	v18 =	vadd.s32 s31, v5  }
0xc7: {  	v17 =	vld.idx.msk [tilespmem:v17+s18+$0x0], $0xffff;
	[tilespmem:s15+$0x40] =	vst v14;
	v14 =	vadd.s32 s2, v6  }
0xc8: {  	v23 =	vadd.s32 s24, v6;
	v22 =	vld.idx.msk [tilespmem:v28+s18+$0x0], $0xffff;
	[tilespmem:s11+$0x50] =	vst v20  }
0xc9: {  	v20 =	vadd.s32 s4, v2;
	v19 =	vld.idx.msk [tilespmem:v19+s18+$0x0], $0xffff;
	[tilespmem:s22+$0xFFFFFFF0] =	vst v21  }
0xca: {  	v13 =	vld.idx.msk [tilespmem:v13+s18+$0x0], $0xffff;
	[tilespmem:s21+$0x50] =	vst v15  }
0xcb: {  	v15 =	vadd.s32 s20, v2;
	[tilespmem:s6+$0x10] =	vst v12;
	v12 =	vld.idx.msk [tilespmem:v18+s18+$0x0], $0xffff  }
0xcc: {  	v18 =	vadd.s32 s14, v3;
	[tilespmem:s29+$0x10] =	vst v16;
	v14 =	vld.idx.msk [tilespmem:v14+s18+$0x0], $0xffff  }
0xcd: {  	v16 =	vadd.s32 s31, v6;
	[tilespmem:s9+$0x0] =	vst v17;
	v21 =	vld.idx.msk [tilespmem:v23+s18+$0x0], $0xffff  }
0xce: {  	v23 =	vadd.s32 s13, v2;
	[tilespmem:s0+$0x10] =	vst v22;
	v22 =	vld.idx.msk [tilespmem:v20+s18+$0x0], $0xffff  }
0xcf: {  	v25 =	vadd.s32 s17, v7;
	s17 =	smov.u32 s14;
	s14 =	smov.u32 s23;
	[tilespmem:s7+$0xFFFFFFD0] =	vst v19;
	v19 =	vld.idx.msk [tilespmem:v26+s18+$0x0], $0xffff  }
0xd0: {  	v27 =	vadd.s32 s4, v3;
	v26 =	vld.idx.msk [tilespmem:v15+s18+$0x0], $0xffff;
	[tilespmem:s11+$0x60] =	vst v13  }
0xd1: {  	v28 =	vadd.s32 s24, v7;
	s24 =	smov.u32 s12;
	s12 =	smov.u32 s13;
	v17 =	vld.idx.msk [tilespmem:v18+s18+$0x0], $0xffff;
	[tilespmem:s15+$0x50] =	vst v12  }
0xd2: {  	v29 =	vadd.s32 s2, v7;
	s2 =	smov.u32 s4;
	s4 =	smov.u32 s5;
	v16 =	vld.idx.msk [tilespmem:v16+s18+$0x0], $0xffff;
	[tilespmem:s21+$0x60] =	vst v14  }
.Ltmp1:
0xd3: {  	v14 =	vadd.s32 s8, v4;
	v12 =	vld.idx.msk [tilespmem:v23+s18+$0x0], $0xffff;
	[tilespmem:s29+$0x20] =	vst v21;
	(pc) =	sbr.rel @p3 .LBB2_5-.Ltmp1, $4  }
0xd4: {  	v20 =	vadd.s32 s14, v2;
	v18 =	vadd.s32 s31, v7;
	s31 =	smov.u32 s8;
	s8 =	smov.u32 s20;
	[tilespmem:s6+$0x20] =	vst v22;
	v15 =	vld.idx.msk [tilespmem:v25+s18+$0x0], $0xffff  }
0xd5: {  	[tilespmem:s9+$0x10] =	vst v19;
	v13 =	vld.idx.msk [tilespmem:v27+s18+$0x0], $0xffff  }
0xd6: {  	v22 =	vadd.s32 s17, v4;
	[tilespmem:s0+$0x20] =	vst v26;
	v21 =	vld.idx.msk [tilespmem:v28+s18+$0x0], $0xffff  }
0xd7: {  	v23 =	vadd.s32 s24, v4;
	[tilespmem:s30+$0x30] =	vst v24;
	v19 =	vld.idx.msk [tilespmem:v29+s18+$0x0], $0xffff  }
0xd8: {  	_ =	sdelay $0x2  }
0xd9: {  	[tilespmem:s1+$0x30] =	vst v17  }
0xda: {  	v22 =	vld.idx.msk [tilespmem:v22+s18+$0x0], $0xffff  }
0xdb: {  	v24 =	vadd.s32 s17, v5;
	_ =	sdelay $0x1  }
0xdc: {  	[tilespmem:s10+$0x0] =	vst v10  }
0xdd: {  	v23 =	vld.idx.msk [tilespmem:v23+s18+$0x0], $0xffff;
	[tilespmem:s15+$0x60] =	vst v16  }
0xde: {  	v10 =	vld.idx.msk [tilespmem:v11+s18+$0x0], $0xffff;
	[tilespmem:s1+$0x40] =	vst v22  }
0xdf: {  	v46 =	vadd.s32 s24, v5;
	[tilespmem:s7+$0xFFFFFFE0] =	vst v12;
	v48 =	vld.idx.msk [tilespmem:v24+s18+$0x0], $0xffff  }
0xe0: {  	v49 =	vadd.s32 s17, v6;
	[tilespmem:s11+$0x70] =	vst v15  }
0xe1: {  	v11 =	vadd.s32 s4, v2;
	[tilespmem:s6+$0x30] =	vst v13  }
0xe2: {  	v20 =	vld.idx.msk [tilespmem:v20+s18+$0x0], $0xffff;
	[tilespmem:s22+$0x0] =	vst v23  }
0xe3: {  	v55 =	vadd.s32 s8, v3;
	v14 =	vld.idx.msk [tilespmem:v14+s18+$0x0], $0xffff;
	[tilespmem:s10+$0x10] =	vst v10  }
0xe4: {  	v17 =	vld.idx.msk [tilespmem:v46+s18+$0x0], $0xffff;
	v10 =	vadd.s32 s14, v3;
	[tilespmem:s1+$0x50] =	vst v48  }
0xe5: {  	v53 =	vadd.s32 s12, v3;
	[tilespmem:s29+$0x30] =	vst v21;
	v15 =	vld.idx.msk [tilespmem:v49+s18+$0x0], $0xffff  }
0xe6: {  	v52 =	vadd.s32 s17, v7;
	[tilespmem:s21+$0x70] =	vst v19;
	v11 =	vld.idx.msk [tilespmem:v11+s18+$0x0], $0xffff  }
0xe7: {  	v47 =	vadd.s32 s24, v6;
	v9 =	vld.idx.msk [tilespmem:v9+s18+$0x0], $0xffff;
	[tilespmem:s9+$0x20] =	vst v20  }
0xe8: {  	v54 =	vadd.s32 s4, v3;
	v13 =	vld.idx.msk [tilespmem:v55+s18+$0x0], $0xffff;
	[tilespmem:s30+$0x40] =	vst v14  }
0xe9: {  	[tilespmem:s22+$0x10] =	vst v17;
	v10 =	vld.idx.msk [tilespmem:v10+s18+$0x0], $0xffff  }
0xea: {  	v57 =	vadd.s32 s2, v5;
	[tilespmem:s1+$0x60] =	vst v15;
	v15 =	vld.idx.msk [tilespmem:v53+s18+$0x0], $0xffff  }
0xeb: {  	[tilespmem:s10+$0x20] =	vst v11;
	v11 =	vadd.s32 s12, v4;
	v12 =	vld.idx.msk [tilespmem:v52+s18+$0x0], $0xffff  }
0xec: {  	v56 =	vadd.s32 s14, v4;
	[tilespmem:s6+$0x40] =	vst v9;
	v50 =	vld.idx.msk [tilespmem:v47+s18+$0x0], $0xffff  }
0xed: {  	v51 =	vadd.s32 s24, v7;
	[tilespmem:s0+$0x30] =	vst v13;
	v16 =	vld.idx.msk [tilespmem:v54+s18+$0x0], $0xffff  }
0xee: {  	v18 =	vld.idx.msk [tilespmem:v18+s18+$0x0], $0xffff;
	[tilespmem:s9+$0x30] =	vst v10  }
0xef: {  	v59 =	vld.idx.msk [tilespmem:v57+s18+$0x0], $0xffff;
	[tilespmem:s7+$0xFFFFFFF0] =	vst v15;
	v15 =	vadd.s32 s31, v5  }
0xf0: {  	[tilespmem:s1+$0x70] =	vst v12;
	v12 =	vadd.s32 s8, v4;
	v10 =	vld.idx.msk [tilespmem:v11+s18+$0x0], $0xffff  }
0xf1: {  	v58 =	vadd.s32 s12, v5;
	[tilespmem:s22+$0x20] =	vst v50;
	v11 =	vld.idx.msk [tilespmem:v56+s18+$0x0], $0xffff  }
0xf2: {  	v13 =	vadd.s32 s14, v5;
	v17 =	vld.idx.msk [tilespmem:v51+s18+$0x0], $0xffff;
	[tilespmem:s10+$0x30] =	vst v16  }
0xf3: {  	[tilespmem:s15+$0x70] =	vst v18;
	v8 =	vld.idx.msk [tilespmem:v8+s18+$0x0], $0xffff  }
0xf4: {  	[tilespmem:s6+$0x50] =	vst v59;
	v15 =	vld.idx.msk [tilespmem:v15+s18+$0x0], $0xffff  }
0xf5: {  	v9 =	vld.idx.msk [tilespmem:v12+s18+$0x0], $0xffff;
	v12 =	vadd.s32 s4, v5;
	[tilespmem:s7+$0x0] =	vst v10  }
0xf6: {  	v14 =	vadd.s32 s8, v5;
	[tilespmem:s9+$0x40] =	vst v11;
	v11 =	vld.idx.msk [tilespmem:v58+s18+$0x0], $0xffff  }
0xf7: {  	v60 =	vadd.s32 s2, v6;
	[tilespmem:s22+$0x30] =	vst v17;
	v13 =	vld.idx.msk [tilespmem:v13+s18+$0x0], $0xffff  }
0xf8: {  	[tilespmem:s10+$0x40] =	vst v8;
	v10 =	vadd.s32 s31, v6  }
0xf9: {  	v8 =	vadd.s32 s12, v6;
	[tilespmem:s30+$0x50] =	vst v15  }
0xfa: {  	v61 =	vadd.s32 s14, v6;
	v12 =	vld.idx.msk [tilespmem:v12+s18+$0x0], $0xffff;
	[tilespmem:s0+$0x40] =	vst v9  }
0xfb: {  	v9 =	vadd.s32 s4, v6;
	v14 =	vld.idx.msk [tilespmem:v14+s18+$0x0], $0xffff;
	[tilespmem:s7+$0x10] =	vst v11  }
0xfc: {  	v17 =	vld.idx.msk [tilespmem:v60+s18+$0x0], $0xffff;
	v15 =	vadd.s32 s8, v6;
	[tilespmem:s9+$0x50] =	vst v13  }
0xfd: {  	v62 =	vadd.s32 s2, v7;
	v10 =	vld.idx.msk [tilespmem:v10+s18+$0x0], $0xffff;
	s1 =	rddreg [dreg:$0x5]  }
0xfe: {  	s19 =	sand.u32 $0x6, s28;
	v11 =	vadd.s32 s31, v7;
	v8 =	vld.idx.msk [tilespmem:v8+s18+$0x0], $0xffff;
	s1 =	sadd.s32 s1, s28  }
0xff: {  	p4 =	sne.s32 s19, $0x0;
	v13 =	vadd.s32 s12, v7;
	v16 =	vld.idx.msk [tilespmem:v61+s18+$0x0], $0xffff;
	p3 =	seq.s32 s1, $0x0;
	[tilespmem:s10+$0x50] =	vst v12  }
0x100: {  	v12 =	vadd.s32 s14, v7;
	p3 =	por !p3, !p4;
	v9 =	vld.idx.msk [tilespmem:v9+s18+$0x0], $0xffff;
	[tilespmem:s0+$0x50] =	vst v14  }
0x101: {  	s3 =	simm.s32 $0x1;
	[tilespmem:s6+$0x60] =	vst v17;
	p3 =	por !p3, !p3;
	v14 =	vld.idx.msk [tilespmem:v15+s18+$0x0], $0xffff;
	v15 =	vadd.s32 s4, v7  }
0x102: {  	v17 =	vld.idx.msk [tilespmem:v62+s18+$0x0], $0xffff;
	s20 =	sshrl.u32 s1, $0x3;
	[tilespmem:s30+$0x60] =	vst v10;
	v10 =	vadd.s32 s8, v7;
	s3 =	simm.s32 @!p3 $0x0  }
0x103: {  	v11 =	vld.idx.msk [tilespmem:v11+s18+$0x0], $0xffff;
	[tilespmem:s7+$0x20] =	vst v8;
	s3 =	ssub.s32 s20, s3  }
0x104: {  	[tilespmem:s9+$0x60] =	vst v16;
	v8 =	vld.idx.msk [tilespmem:v13+s18+$0x0], $0xffff;
	s4 =	sshra.s32 s3, $0x1F  }
0x105: {  	s4 =	sshrl.u32 s4, $0x19;
	[tilespmem:s10+$0x60] =	vst v9;
	v9 =	vld.idx.msk [tilespmem:v12+s18+$0x0], $0xffff  }
0x106: {  	s4 =	sadd.s32 s4, s3;
	v12 =	vld.idx.msk [tilespmem:v15+s18+$0x0], $0xffff;
	[tilespmem:s0+$0x60] =	vst v14  }
0x107: {  	s1 =	sshll.u32 s1, $0xD;
	[tilespmem:s6+$0x70] =	vst v17;
	s4 =	sand.u32 $0x3FFF80, s4;
	v10 =	vld.idx.msk [tilespmem:v10+s18+$0x0], $0xffff  }
0x108: {  	s2 =	sshll.u32 s19, $0x14;
	s1 =	sand.u32 $0x7F800000, s1;
	[tilespmem:s30+$0x70] =	vst v11;
	s3 =	ssub.s32 s3, s4  }
0x109: {  	s1 =	sor.u32 s2, s1;
	[tilespmem:s7+$0x30] =	vst v8;
	s21 =	sshll.u32 s3, $0xA  }
0x10a: {  	s23 =	simm.s32 $0x400;
	s1 =	sadd.s32 s21, s1;
	[tilespmem:s9+$0x70] =	vst v9  }
0x10b: {  	s24 =	simm.s32 $0x20000;
	s22 =	rddreg [dreg:$0x2];
	s1 =	sshrl.u32 s1, $0x3;
	[tilespmem:s10+$0x70] =	vst v12  }
0x10c: {  	s29 =	simm.s32 $0x6580;
	s30 =	simm.s32 $0x2;
	[tilespmem:s0+$0x70] =	vst v10;
	s0 =	sadd.s32 s22, s1  }
0x10d: {  	[hbm4b:s0+s23] =	stream.strided.scatter [tilespmem:s29], [sflag:$0x3], $0x2000, s24, s23, $0x38;
	[tilespmem:$0xB580] =	vst v63  }
0x10e: {  	_ =	swait.ge [sflag:s30], $0x2000  }
0x10f: {  	[sflag:s30] =	ssyncset.done $0x0  }
0x110: {  	s0 =	simm.s32 @!p1 $0x1;
	[sflag:s30] =	ssyncadd.s32 $0xFFFFE000  }
0x111: {  	_ =	swait.ge @!p1 [sflag:s0], $0x80  }
0x112: {  	[sflag:s0] =	ssyncset.done @!p1 $0x0  }
0x113: {  	s2 =	simm.s32 @!p1 $0x100;
	[sflag:s0] =	ssyncadd.s32 @!p1 $0xFFFFFF80  }
0x114: {  	s1 =	simm.s32 @!p1 $0x0;
	s0 =	simm.s32 @!p1 $0x80;
	s3 =	rddreg [dreg:$0x3]  }
0x115: {  	[tilespmem:s2], [sflag:$0x2] =	stream.indirect.gather @!p1 [spmem:s3], $0x40, s1, s0, $0xb8;
	[tilespmem:$0xB580] =	vst v63  }
0x116: {  	s2 =	rddreg [dreg:$0xa]  }
0x117: {  	s2 =	sadd.s32 @!p1 s28, s2  }
0x118: {  	s2 =	sshll.u32 @!p1 s2, $0x4  }
0x119: {  	s2 =	sand.u32 @!p1 $0x1FFFFFF0, s2  }
0x11a: {  	s2 =	sadd.s32 @!p1 s26, s2  }
0x11b: {  	[tilespmem:s0], [sflag:$0x1] =	stream.linear.gather @!p1 [hbm4b:s2+s1], $0x80, $0x38;
	[tilespmem:$0xB580] =	vst v63  }
0x11c: {  	s0 =	simm.s32 @p2 $0x3  }
0x11d: {  	_ =	swait.ge @p2 [sflag:s0], $0x2000  }
0x11e: {  	[sflag:s0] =	ssyncset.done @p2 $0x0  }
0x11f: {  	s31 =	simm.s32 $0x22F0;
	[sflag:s0] =	ssyncadd.s32 @p2 $0xFFFFE000  }
0x120: {  	v8 =	vld [tilespmem:s31+$0xFFFFFFD0]  }
0x121: {  	v9 =	vld [tilespmem:s31+$0xFFFFFE50]  }
0x122: {  	v10 =	vld [tilespmem:s31+$0xFFFFFE90]  }
0x123: {  	v11 =	vld [tilespmem:s31+$0xFFFFFED0]  }
0x124: {  	s0 =	simm.s32 $0x4224;
	v12 =	vld [tilespmem:s31+$0xFFFFFF10]  }
0x125: {  	v13 =	vld [tilespmem:s31+$0xFFFFFF50];
	[tilespmem:s0+$0xDB] =	vst v8  }
0x126: {  	[tilespmem:s0+$0xFFFFFF25] =	vst v9;
	v9 =	vld [tilespmem:s31+$0xFFFFFF90]  }
0x127: {  	[tilespmem:s0+$0xFFFFFF6E] =	vst v10;
	v10 =	vld [tilespmem:s31+$0xFFFFFE10]  }
0x128: {  	[tilespmem:s0+$0xFFFFFFB7] =	vst v11;
	v8 =	vld [tilespmem:s31+$0xFFFFFFE0]  }
0x129: {  	[tilespmem:s0+$0x0] =	vst v12;
	v11 =	vld [tilespmem:s31+$0xFFFFFE60]  }
0x12a: {  	[tilespmem:s0+$0x49] =	vst v13;
	v12 =	vld [tilespmem:s31+$0xFFFFFEA0]  }
0x12b: {  	v13 =	vld [tilespmem:s31+$0xFFFFFEE0];
	[tilespmem:s0+$0x92] =	vst v9  }
0x12c: {  	[tilespmem:s0+$0xFFFFFEDC] =	vst v10;
	v9 =	vld [tilespmem:s31+$0xFFFFFF20]  }
0x12d: {  	[tilespmem:s0+$0xEB] =	vst v8;
	v10 =	vld [tilespmem:s31+$0xFFFFFE20]  }
0x12e: {  	[tilespmem:s0+$0xFFFFFF35] =	vst v11;
	v11 =	vld [tilespmem:s31+$0xFFFFFF60]  }
0x12f: {  	[tilespmem:s0+$0xFFFFFF7E] =	vst v12;
	v12 =	vld [tilespmem:s31+$0xFFFFFFA0]  }
0x130: {  	[tilespmem:s0+$0xFFFFFFC7] =	vst v13;
	v8 =	vld [tilespmem:s31+$0xFFFFFFF0]  }
0x131: {  	v13 =	vld [tilespmem:s31+$0xFFFFFE70];
	[tilespmem:s0+$0x10] =	vst v9  }
0x132: {  	v9 =	vld [tilespmem:s31+$0xFFFFFEB0];
	[tilespmem:s0+$0xFFFFFEEC] =	vst v10  }
0x133: {  	[tilespmem:s0+$0x59] =	vst v11;
	v11 =	vld [tilespmem:s31+$0xFFFFFEF0]  }
0x134: {  	[tilespmem:s0+$0xA2] =	vst v12;
	v10 =	vld [tilespmem:s31+$0xFFFFFE30]  }
0x135: {  	v12 =	vld [tilespmem:s31+$0xFFFFFF30];
	[tilespmem:s0+$0xFB] =	vst v8  }
0x136: {  	[tilespmem:s0+$0xFFFFFF45] =	vst v13;
	v13 =	vld [tilespmem:s31+$0xFFFFFF70]  }
0x137: {  	v14 =	vld [tilespmem:s31+$0xFFFFFFB0];
	[tilespmem:s0+$0xFFFFFF8E] =	vst v9  }
0x138: {  	v8 =	vld [tilespmem:s31+$0x0];
	[tilespmem:s0+$0xFFFFFFD7] =	vst v11  }
0x139: {  	v15 =	vld [tilespmem:s31+$0xFFFFFE80];
	[tilespmem:s0+$0xFFFFFEFC] =	vst v10  }
0x13a: {  	[tilespmem:s0+$0x20] =	vst v12;
	v63 =	vld [tilespmem:s31+$0xFFFFFE40]  }
0x13b: {  	v10 =	vld [tilespmem:s31+$0xFFFFFEC0];
	[tilespmem:s0+$0x69] =	vst v13  }
0x13c: {  	v9 =	vld [tilespmem:s31+$0xFFFFFF00];
	[tilespmem:s0+$0xB2] =	vst v14  }
0x13d: {  	[tilespmem:s0+$0x10B] =	vst v8;
	v8 =	vld [tilespmem:s31+$0xFFFFFF40]  }
0x13e: {  	[tilespmem:s0+$0xFFFFFF55] =	vst v15;
	v11 =	vld [tilespmem:s31+$0xFFFFFF80]  }
0x13f: {  	s28 =	simm.s32 $0x85F0;
	s1 =	simm.s32 $0x0;
	s2 =	simm.s32 $0x24F0;
	v12 =	vld [tilespmem:s31+$0xFFFFFFC0];
	[tilespmem:s0+$0xFFFFFF0C] =	vst v63  }
.LBB2_7:
0x140: {  	v13 =	vld [tilespmem:s2+$0xFFFFFFD0];
	s1 =	sadd.s32 $0x8, s1;
	[tilespmem:s0+$0xFFFFFF9E] =	vst v10  }
0x141: {  	v10 =	vld [tilespmem:s2+$0xFFFFFE50];
	p1 =	slt.u32 s1, $0x78;
	[tilespmem:s0+$0xFFFFFFE7] =	vst v9  }
0x142: {  	v9 =	vld [tilespmem:s2+$0xFFFFFE90];
	[tilespmem:s0+$0x30] =	vst v8  }
0x143: {  	v8 =	vld [tilespmem:s2+$0xFFFFFED0];
	[tilespmem:s0+$0x79] =	vst v11  }
0x144: {  	v11 =	vld [tilespmem:s2+$0xFFFFFF10];
	[tilespmem:s0+$0xC2] =	vst v12;
	s0 =	sadd.s32 $0x248, s0  }
0x145: {  	v12 =	vld [tilespmem:s2+$0xFFFFFF50];
	[tilespmem:s0+$0xDB] =	vst v13  }
0x146: {  	[tilespmem:s0+$0xFFFFFF25] =	vst v10;
	v10 =	vld [tilespmem:s2+$0xFFFFFFE0]  }
0x147: {  	[tilespmem:s0+$0xFFFFFF6E] =	vst v9;
	v9 =	vld [tilespmem:s2+$0xFFFFFF90]  }
0x148: {  	v13 =	vld [tilespmem:s2+$0xFFFFFE10];
	[tilespmem:s0+$0xFFFFFFB7] =	vst v8  }
0x149: {  	v8 =	vld [tilespmem:s2+$0xFFFFFE60];
	[tilespmem:s0+$0x0] =	vst v11  }
0x14a: {  	v11 =	vld [tilespmem:s2+$0xFFFFFEA0];
	[tilespmem:s0+$0x49] =	vst v12  }
0x14b: {  	v12 =	vld [tilespmem:s2+$0xFFFFFEE0];
	[tilespmem:s0+$0xEB] =	vst v10  }
0x14c: {  	[tilespmem:s0+$0x92] =	vst v9;
	v9 =	vld [tilespmem:s2+$0xFFFFFFF0]  }
0x14d: {  	[tilespmem:s0+$0xFFFFFEDC] =	vst v13;
	v10 =	vld [tilespmem:s2+$0xFFFFFF20]  }
0x14e: {  	v13 =	vld [tilespmem:s2+$0xFFFFFE20];
	[tilespmem:s0+$0xFFFFFF35] =	vst v8  }
0x14f: {  	[tilespmem:s0+$0xFFFFFF7E] =	vst v11;
	v8 =	vld [tilespmem:s2+$0xFFFFFF60]  }
0x150: {  	[tilespmem:s0+$0xFFFFFFC7] =	vst v12;
	v11 =	vld [tilespmem:s2+$0xFFFFFFA0]  }
0x151: {  	v12 =	vld [tilespmem:s2+$0xFFFFFE70];
	[tilespmem:s0+$0xFB] =	vst v9  }
0x152: {  	[tilespmem:s0+$0x10] =	vst v10;
	v9 =	vld [tilespmem:s2+$0x0]  }
0x153: {  	[tilespmem:s0+$0xFFFFFEEC] =	vst v13;
	v10 =	vld [tilespmem:s2+$0xFFFFFEB0]  }
0x154: {  	v13 =	vld [tilespmem:s2+$0xFFFFFE30];
	[tilespmem:s0+$0x59] =	vst v8  }
0x155: {  	v8 =	vld [tilespmem:s2+$0xFFFFFEF0];
	[tilespmem:s0+$0xA2] =	vst v11  }
0x156: {  	[tilespmem:s0+$0xFFFFFF45] =	vst v12;
	v11 =	vld [tilespmem:s2+$0xFFFFFF30]  }
0x157: {  	s10 =	simm.s32 $0x0;
	s4 =	simm.s32 $0x180;
	v12 =	vld [tilespmem:s2+$0xFFFFFF70];
	[tilespmem:s0+$0x10B] =	vst v9  }
0x158: {  	[tilespmem:s0+$0xFFFFFF8E] =	vst v10;
	v14 =	vld [tilespmem:s2+$0xFFFFFFB0]  }
0x159: {  	[tilespmem:s0+$0xFFFFFEFC] =	vst v13;
	v13 =	vld [tilespmem:s2+$0xFFFFFE80]  }
0x15a: {  	v15 =	vld [tilespmem:s2+$0xFFFFFE40];
	[tilespmem:s0+$0xFFFFFFD7] =	vst v8  }
.Ltmp2:
0x15b: {  	v10 =	vld [tilespmem:s2+$0xFFFFFEC0];
	[tilespmem:s0+$0x20] =	vst v11;
	(pc) =	sbr.rel @p1 .LBB2_7-.Ltmp2, $4  }
0x15c: {  	v9 =	vld [tilespmem:s2+$0xFFFFFF00];
	[tilespmem:s0+$0x69] =	vst v12  }
0x15d: {  	v8 =	vld [tilespmem:s2+$0xFFFFFF40];
	[tilespmem:s0+$0xB2] =	vst v14  }
0x15e: {  	[tilespmem:s0+$0xFFFFFF55] =	vst v13;
	v11 =	vld [tilespmem:s2+$0xFFFFFF80]  }
0x15f: {  	[tilespmem:s0+$0xFFFFFF0C] =	vst v15;
	v12 =	vld [tilespmem:s2+$0xFFFFFFC0];
	s2 =	sadd.s32 $0x200, s2  }
0x160: {  	_ = 	snop  }
0x161: {  	s3 =	simm.s32 $0x2;
	[tilespmem:s0+$0xFFFFFFE7] =	vst v9;
	v9 =	vadd.s32 s10, v0  }
0x162: {  	[tilespmem:s0+$0xFFFFFF9E] =	vst v10;
	s19 =	simm.s32 $0x1;
	v10 =	vadd.s32 s3, v0  }
0x163: {  	[tilespmem:s0+$0x30] =	vst v8;
	v8 =	vadd.s32 s19, v0  }
0x164: {  	[tilespmem:s0+$0x79] =	vst v11  }
0x165: {  	s20 =	simm.s32 $0x3;
	[tilespmem:s0+$0xC2] =	vst v12  }
0x166: {  	v14 =	vadd.s32 s20, v0;
	v9 =	vld.idx.msk [tilespmem:v9+s18+$0x0], $0xffff  }
0x167: {  	s29 =	simm.s32 $0x6;
	v12 =	vadd.s32 s10, v1;
	v10 =	vld.idx.msk [tilespmem:v10+s18+$0x0], $0xffff  }
0x168: {  	s5 =	simm.s32 $0x0;
	v15 =	vadd.s32 s29, v0;
	v8 =	vld.idx.msk [tilespmem:v8+s18+$0x0], $0xffff  }
0x169: {  	s1 =	simm.s32 $0x100;
	v13 =	vadd.s32 s19, v1;
	s0 =	sand.u32 $0x1C00, s5  }
0x16a: {  	s2 =	simm.s32 $0x80;
	s1 =	sand.u32 $0x300, s1;
	v11 =	vadd.s32 s3, v1;
	s0 =	sadd.s32 $0x6580, s0  }
0x16b: {  	s6 =	sand.u32 $0x280, s2;
	s15 =	sadd.s32 s1, s0;
	v14 =	vld.idx.msk [tilespmem:v14+s18+$0x0], $0xffff;
	[tilespmem:s28+$0xFFFFFF90] =	vst v9  }
0x16c: {  	v16 =	vadd.s32 s20, v1;
	s6 =	sadd.s32 s6, s0;
	[tilespmem:s15+$0x2000] =	vst v10;
	v10 =	vld.idx.msk [tilespmem:v12+s18+$0x0], $0xffff  }
0x16d: {  	v15 =	vld.idx.msk [tilespmem:v15+s18+$0x0], $0xffff;
	[tilespmem:s6+$0x2000] =	vst v8  }
0x16e: {  	s7 =	sand.u32 $0x380, s4;
	s8 =	simm.s32 $0x200;
	v8 =	vadd.s32 s10, v2;
	v12 =	vld.idx.msk [tilespmem:v13+s18+$0x0], $0xffff  }
0x16f: {  	s9 =	simm.s32 $0x300;
	v17 =	vadd.s32 s29, v1;
	s21 =	sadd.s32 s7, s0;
	s0 =	sand.u32 $0x1C00, s8;
	v9 =	vld.idx.msk [tilespmem:v11+s18+$0x0], $0xffff  }
0x170: {  	s12 =	simm.s32 $0x4;
	s11 =	sand.u32 $0x300, s9;
	s5 =	sadd.s32 $0x6580, s0;
	[tilespmem:s21+$0x2000] =	vst v14;
	v11 =	vadd.s32 s3, v2  }
0x171: {  	s30 =	sadd.s32 s11, s5;
	v16 =	vld.idx.msk [tilespmem:v16+s18+$0x0], $0xffff;
	[tilespmem:s28+$0xFFFFFFA0] =	vst v10;
	v10 =	vadd.s32 s12, v0  }
0x172: {  	s17 =	simm.s32 $0x5;
	v18 =	vadd.s32 s20, v2;
	[tilespmem:s30+$0x2000] =	vst v15  }
0x173: {  	v8 =	vld.idx.msk [tilespmem:v8+s18+$0x0], $0xffff;
	[tilespmem:s6+$0x2010] =	vst v12;
	v12 =	vadd.s32 s17, v0  }
0x174: {  	s2 =	simm.s32 $0x7;
	v15 =	vld.idx.msk [tilespmem:v17+s18+$0x0], $0xffff;
	v13 =	vadd.s32 s19, v2;
	[tilespmem:s15+$0x2010] =	vst v9  }
0x175: {  	v9 =	vld.idx.msk [tilespmem:v11+s18+$0x0], $0xffff;
	v11 =	vadd.s32 s2, v0  }
0x176: {  	v14 =	vadd.s32 s10, v3;
	[tilespmem:s21+$0x2010] =	vst v16;
	v10 =	vld.idx.msk [tilespmem:v10+s18+$0x0], $0xffff  }
0x177: {  	v19 =	vadd.s32 s12, v1;
	v17 =	vld.idx.msk [tilespmem:v18+s18+$0x0], $0xffff  }
0x178: {  	[tilespmem:s28+$0xFFFFFFB0] =	vst v8;
	v8 =	vadd.s32 s3, v3;
	v12 =	vld.idx.msk [tilespmem:v12+s18+$0x0], $0xffff  }
0x179: {  	v20 =	vadd.s32 s17, v1;
	v13 =	vld.idx.msk [tilespmem:v13+s18+$0x0], $0xffff  }
0x17a: {  	s13 =	simm.s32 $0x280;
	s22 =	simm.s32 $0x87F0;
	v16 =	vadd.s32 s19, v3;
	[tilespmem:s30+$0x2010] =	vst v15;
	v11 =	vld.idx.msk [tilespmem:v11+s18+$0x0], $0xffff  }
0x17b: {  	s0 =	sand.u32 $0x280, s13;
	v14 =	vld.idx.msk [tilespmem:v14+s18+$0x0], $0xffff;
	[tilespmem:s22+$0xFFFFFF90] =	vst v10;
	v10 =	vadd.s32 s29, v2  }
0x17c: {  	s0 =	sadd.s32 s0, s5;
	v18 =	vadd.s32 s20, v3;
	[tilespmem:s15+$0x2020] =	vst v9;
	v9 =	vld.idx.msk [tilespmem:v19+s18+$0x0], $0xffff  }
0x17d: {  	v8 =	vld.idx.msk [tilespmem:v8+s18+$0x0], $0xffff;
	[tilespmem:s0+$0x2000] =	vst v12;
	v12 =	vadd.s32 s12, v2  }
0x17e: {  	[tilespmem:s6+$0x2020] =	vst v13;
	v19 =	vadd.s32 s3, v4;
	v13 =	vld.idx.msk [tilespmem:v20+s18+$0x0], $0xffff  }
0x17f: {  	[tilespmem:s21+$0x2020] =	vst v17;
	v15 =	vld.idx.msk [tilespmem:v16+s18+$0x0], $0xffff;
	v16 =	vadd.s32 s17, v2  }
0x180: {  	v17 =	vadd.s32 s19, v4;
	[tilespmem:s28+$0xFFFFFFC0] =	vst v14;
	v10 =	vld.idx.msk [tilespmem:v10+s18+$0x0], $0xffff  }
0x181: {  	s4 =	simm.s32 $0x8;
	[tilespmem:s22+$0xFFFFFFA0] =	vst v9;
	v9 =	vld.idx.msk [tilespmem:v18+s18+$0x0], $0xffff;
	v18 =	vadd.s32 s10, v4  }
0x182: {  	[tilespmem:s15+$0x2030] =	vst v8;
	v8 =	vadd.s32 s4, v0;
	v12 =	vld.idx.msk [tilespmem:v12+s18+$0x0], $0xffff  }
0x183: {  	s11 =	simm.s32 $0xA;
	v20 =	vadd.s32 s20, v4;
	[tilespmem:s0+$0x2010] =	vst v13;
	v13 =	vld.idx.msk [tilespmem:v19+s18+$0x0], $0xffff  }
0x184: {  	s14 =	simm.s32 $0x380;
	v14 =	vadd.s32 s11, v0;
	[tilespmem:s6+$0x2030] =	vst v15;
	v15 =	vld.idx.msk [tilespmem:v16+s18+$0x0], $0xffff  }
0x185: {  	s7 =	simm.s32 $0xB;
	s1 =	sand.u32 $0x380, s14;
	v19 =	vadd.s32 s2, v1;
	v16 =	vld.idx.msk [tilespmem:v17+s18+$0x0], $0xffff  }
0x186: {  	s8 =	sadd.s32 s1, s5;
	v17 =	vadd.s32 s7, v0;
	[tilespmem:s21+$0x2030] =	vst v9;
	v9 =	vld.idx.msk [tilespmem:v18+s18+$0x0], $0xffff  }
0x187: {  	[tilespmem:s8+$0x2000] =	vst v11;
	v11 =	vadd.s32 s12, v3;
	v8 =	vld.idx.msk [tilespmem:v8+s18+$0x0], $0xffff  }
0x188: {  	v18 =	vadd.s32 s19, v5;
	v20 =	vld.idx.msk [tilespmem:v20+s18+$0x0], $0xffff  }
0x189: {  	[tilespmem:s22+$0xFFFFFFB0] =	vst v12;
	v12 =	vld.idx.msk [tilespmem:v14+s18+$0x0], $0xffff;
	v14 =	vadd.s32 s29, v3  }
0x18a: {  	v21 =	vadd.s32 s20, v5;
	[tilespmem:s30+$0x2020] =	vst v10;
	v19 =	vld.idx.msk [tilespmem:v19+s18+$0x0], $0xffff  }
0x18b: {  	s1 =	simm.s32 $0x9;
	v10 =	vld.idx.msk [tilespmem:v17+s18+$0x0], $0xffff;
	v17 =	vadd.s32 s10, v5;
	[tilespmem:s6+$0x2040] =	vst v16  }
0x18c: {  	s16 =	simm.s32 $0x400;
	s24 =	simm.s32 $0x89F0;
	v16 =	vadd.s32 s1, v0;
	[tilespmem:s0+$0x2020] =	vst v15;
	v11 =	vld.idx.msk [tilespmem:v11+s18+$0x0], $0xffff  }
0x18d: {  	s9 =	simm.s32 $0x500;
	s5 =	sand.u32 $0x1C00, s16;
	v15 =	vld.idx.msk [tilespmem:v18+s18+$0x0], $0xffff;
	v18 =	vadd.s32 s11, v1;
	[tilespmem:s24+$0xFFFFFF90] =	vst v8  }
0x18e: {  	s9 =	sand.u32 $0x300, s9;
	s5 =	sadd.s32 $0x6580, s5;
	[tilespmem:s21+$0x2040] =	vst v20;
	v20 =	vadd.s32 s4, v1;
	v24 =	vld.idx.msk [tilespmem:v14+s18+$0x0], $0xffff  }
0x18f: {  	s14 =	sadd.s32 s9, s5;
	[tilespmem:s28+$0xFFFFFFD0] =	vst v9;
	v9 =	vadd.s32 s19, v6;
	v8 =	vld.idx.msk [tilespmem:v21+s18+$0x0], $0xffff  }
0x190: {  	[tilespmem:s14+$0x2000] =	vst v12;
	v14 =	vadd.s32 s3, v5;
	v12 =	vld.idx.msk [tilespmem:v17+s18+$0x0], $0xffff  }
0x191: {  	v16 =	vld.idx.msk [tilespmem:v16+s18+$0x0], $0xffff;
	[tilespmem:s22+$0xFFFFFFC0] =	vst v11;
	v11 =	vadd.s32 s2, v2  }
0x192: {  	[tilespmem:s15+$0x2040] =	vst v13;
	v13 =	vadd.s32 s20, v6;
	v17 =	vld.idx.msk [tilespmem:v18+s18+$0x0], $0xffff  }
0x193: {  	v18 =	vadd.s32 s10, v6;
	[tilespmem:s6+$0x2050] =	vst v15;
	v15 =	vld.idx.msk [tilespmem:v20+s18+$0x0], $0xffff  }
0x194: {  	s23 =	simm.s32 $0x480;
	[tilespmem:s8+$0x2010] =	vst v19;
	v19 =	vadd.s32 s17, v3;
	v9 =	vld.idx.msk [tilespmem:v9+s18+$0x0], $0xffff  }
0x195: {  	s9 =	sand.u32 $0x280, s23;
	v20 =	vadd.s32 s1, v1;
	v14 =	vld.idx.msk [tilespmem:v14+s18+$0x0], $0xffff;
	[tilespmem:s21+$0x2050] =	vst v8  }
0x196: {  	s9 =	sadd.s32 s9, s5;
	v8 =	vadd.s32 s11, v2;
	[tilespmem:s28+$0xFFFFFFE0] =	vst v12;
	v11 =	vld.idx.msk [tilespmem:v11+s18+$0x0], $0xffff  }
0x197: {  	[tilespmem:s9+$0x2000] =	vst v16;
	v16 =	vadd.s32 s3, v6;
	v12 =	vld.idx.msk [tilespmem:v13+s18+$0x0], $0xffff  }
0x198: {  	v21 =	vadd.s32 s19, v7;
	v13 =	vld.idx.msk [tilespmem:v18+s18+$0x0], $0xffff;
	[tilespmem:s14+$0x2010] =	vst v17  }
0x199: {  	v18 =	vadd.s32 s4, v2;
	v17 =	vld.idx.msk [tilespmem:v19+s18+$0x0], $0xffff;
	[tilespmem:s24+$0xFFFFFFA0] =	vst v15  }
0x19a: {  	v23 =	vadd.s32 s2, v3;
	v20 =	vld.idx.msk [tilespmem:v20+s18+$0x0], $0xffff;
	[tilespmem:s6+$0x2060] =	vst v9  }
0x19b: {  	v19 =	vadd.s32 s20, v7;
	[tilespmem:s15+$0x2050] =	vst v14;
	v22 =	vld.idx.msk [tilespmem:v8+s18+$0x0], $0xffff  }
0x19c: {  	v25 =	vadd.s32 s10, v7;
	v16 =	vld.idx.msk [tilespmem:v16+s18+$0x0], $0xffff;
	[tilespmem:s8+$0x2020] =	vst v11  }
0x19d: {  	v15 =	vld.idx.msk [tilespmem:v21+s18+$0x0], $0xffff;
	[tilespmem:s21+$0x2060] =	vst v12  }
0x19e: {  	v14 =	vadd.s32 s29, v4;
	v12 =	vld.idx.msk [tilespmem:v18+s18+$0x0], $0xffff;
	[tilespmem:s28+$0xFFFFFFF0] =	vst v13  }
0x19f: {  	s19 =	simm.s32 $0x580;
	v9 =	vadd.s32 s2, v4;
	v13 =	vld.idx.msk [tilespmem:v23+s18+$0x0], $0xffff;
	[tilespmem:s9+$0x2010] =	vst v20;
	v20 =	vadd.s32 s1, v2  }
0x1a0: {  	s31 =	sand.u32 $0x380, s19;
	[tilespmem:s30+$0x2030] =	vst v24;
	v8 =	vadd.s32 s7, v4;
	v11 =	vadd.s32 s7, v1;
	v18 =	vadd.s32 s3, v7;
	v19 =	vld.idx.msk [tilespmem:v19+s18+$0x0], $0xffff  }
0x1a1: {  	s10 =	sadd.s32 s31, s5;
	s3 =	simm.s32 $0xC;
	v23 =	vadd.s32 s12, v4;
	v21 =	vld.idx.msk [tilespmem:v25+s18+$0x0], $0xffff;
	[tilespmem:s14+$0x2020] =	vst v22;
	v22 =	vadd.s32 s17, v4  }
.LBB2_9:
0x1a2: {  	s23 =	sadd.s32 $0x1, s3  }
0x1a3: {  	v24 =	vadd.s32 s3, v0;
	p1 =	slt.u32 s3, $0x3C;
	[tilespmem:s0+$0x2030] =	vst v17;
	v14 =	vld.idx.msk [tilespmem:v14+s18+$0x0], $0xffff;
	s13 =	smov.u32 s3;
	s3 =	sadd.s32 $0x4, s3  }
0x1a4: {  	v17 =	vadd.s32 s23, v0;
	s20 =	sadd.s32 $0x2, s13;
	v20 =	vld.idx.msk [tilespmem:v20+s18+$0x0], $0xffff;
	[tilespmem:s15+$0x2060] =	vst v16  }
0x1a5: {  	s5 =	sadd.s32 $0x3, s13;
	v16 =	vadd.s32 s20, v0;
	[tilespmem:s10+$0x2000] =	vst v10;
	v10 =	vld.idx.msk [tilespmem:v18+s18+$0x0], $0xffff  }
0x1a6: {  	v18 =	vadd.s32 s5, v0;
	v25 =	vadd.s32 s5, v4;
	v22 =	vld.idx.msk [tilespmem:v22+s18+$0x0], $0xffff;
	[tilespmem:s8+$0x2030] =	vst v13  }
0x1a7: {  	v13 =	vld.idx.msk [tilespmem:v23+s18+$0x0], $0xffff;
	[tilespmem:s28+$0x0] =	vst v21;
	s28 =	smov.u32 s22;
	s22 =	smov.u32 s24  }
0x1a8: {  	v21 =	vadd.s32 s17, v5;
	v23 =	vld.idx.msk [tilespmem:v9+s18+$0x0], $0xffff;
	[tilespmem:s6+$0x2070] =	vst v15;
	v9 =	vmov v8;
	v8 =	vmov v25;
	s6 =	smov.u32 s0;
	s0 =	smov.u32 s9  }
0x1a9: {  	v15 =	vld.idx.msk [tilespmem:v24+s18+$0x0], $0xffff;
	v24 =	vadd.s32 s4, v3;
	[tilespmem:s21+$0x2070] =	vst v19;
	s21 =	smov.u32 s8;
	s8 =	smov.u32 s10  }
0x1aa: {  	s19 =	sadd.s32 $0x200, s19;
	v25 =	vadd.s32 s2, v5;
	v19 =	vadd.s32 s13, v1;
	[tilespmem:s24+$0xFFFFFFB0] =	vst v12;
	v12 =	vld.idx.msk [tilespmem:v11+s18+$0x0], $0xffff  }
0x1ab: {  	v27 =	vadd.s32 s11, v3;
	v26 =	vadd.s32 s23, v1;
	s9 =	sadd.s32 $0xFFFFFE80, s19;
	v16 =	vld.idx.msk [tilespmem:v16+s18+$0x0], $0xffff;
	[tilespmem:s15+$0x2070] =	vst v10;
	s15 =	smov.u32 s30;
	s30 =	smov.u32 s14  }
0x1ac: {  	v28 =	vadd.s32 s20, v1;
	s9 =	sand.u32 $0x1C00, s9;
	s10 =	sadd.s32 $0xFFFFFF00, s19;
	s24 =	sadd.s32 $0x200, s24;
	v10 =	vld.idx.msk [tilespmem:v18+s18+$0x0], $0xffff;
	v18 =	vadd.s32 s12, v5;
	[tilespmem:s6+$0x2040] =	vst v22  }
0x1ad: {  	s10 =	sand.u32 $0x280, s10;
	s16 =	sadd.s32 $0x6580, s9;
	v11 =	vadd.s32 s5, v1;
	s14 =	sadd.s32 $0xFFFFFF80, s19;
	[tilespmem:s0+$0x2020] =	vst v20;
	v20 =	vld.idx.msk [tilespmem:v21+s18+$0x0], $0xffff  }
0x1ae: {  	s9 =	sadd.s32 s10, s16;
	s10 =	sand.u32 $0x300, s14;
	v21 =	vld.idx.msk [tilespmem:v24+s18+$0x0], $0xffff;
	[tilespmem:s21+$0x2040] =	vst v23  }
0x1af: {  	s14 =	sadd.s32 s10, s16;
	s10 =	sand.u32 $0x380, s19;
	[tilespmem:s24+$0xFFFFFF90] =	vst v15;
	v15 =	vld.idx.msk [tilespmem:v25+s18+$0x0], $0xffff  }
0x1b0: {  	s10 =	sadd.s32 s10, s16;
	v24 =	vld.idx.msk [tilespmem:v27+s18+$0x0], $0xffff;
	[tilespmem:s28+$0xFFFFFFD0] =	vst v13;
	v13 =	vadd.s32 s17, v6  }
0x1b1: {  	[tilespmem:s14+$0x2000] =	vst v16;
	v16 =	vld.idx.msk [tilespmem:v18+s18+$0x0], $0xffff;
	v18 =	vadd.s32 s29, v5  }
0x1b2: {  	v17 =	vld.idx.msk [tilespmem:v17+s18+$0x0], $0xffff;
	[tilespmem:s15+$0x2040] =	vst v14;
	v14 =	vadd.s32 s2, v6  }
0x1b3: {  	v23 =	vadd.s32 s12, v6;
	v22 =	vld.idx.msk [tilespmem:v28+s18+$0x0], $0xffff;
	[tilespmem:s6+$0x2050] =	vst v20  }
0x1b4: {  	v20 =	vadd.s32 s7, v2;
	v19 =	vld.idx.msk [tilespmem:v19+s18+$0x0], $0xffff;
	[tilespmem:s22+$0xFFFFFFC0] =	vst v21  }
0x1b5: {  	v13 =	vld.idx.msk [tilespmem:v13+s18+$0x0], $0xffff;
	[tilespmem:s21+$0x2050] =	vst v15  }
0x1b6: {  	v15 =	vadd.s32 s20, v2;
	[tilespmem:s8+$0x2010] =	vst v12;
	v12 =	vld.idx.msk [tilespmem:v18+s18+$0x0], $0xffff  }
0x1b7: {  	v18 =	vadd.s32 s1, v3;
	[tilespmem:s28+$0xFFFFFFE0] =	vst v16;
	v14 =	vld.idx.msk [tilespmem:v14+s18+$0x0], $0xffff  }
0x1b8: {  	v16 =	vadd.s32 s29, v6;
	[tilespmem:s9+$0x2000] =	vst v17;
	v21 =	vld.idx.msk [tilespmem:v23+s18+$0x0], $0xffff  }
0x1b9: {  	v23 =	vadd.s32 s13, v2;
	[tilespmem:s14+$0x2010] =	vst v22;
	v22 =	vld.idx.msk [tilespmem:v20+s18+$0x0], $0xffff  }
0x1ba: {  	v25 =	vadd.s32 s17, v7;
	s17 =	smov.u32 s1;
	s1 =	smov.u32 s23;
	[tilespmem:s24+$0xFFFFFFA0] =	vst v19;
	v19 =	vld.idx.msk [tilespmem:v26+s18+$0x0], $0xffff  }
0x1bb: {  	v27 =	vadd.s32 s7, v3;
	v26 =	vld.idx.msk [tilespmem:v15+s18+$0x0], $0xffff;
	[tilespmem:s6+$0x2060] =	vst v13  }
0x1bc: {  	v28 =	vadd.s32 s12, v7;
	s12 =	smov.u32 s4;
	s4 =	smov.u32 s13;
	v17 =	vld.idx.msk [tilespmem:v18+s18+$0x0], $0xffff;
	[tilespmem:s15+$0x2050] =	vst v12  }
0x1bd: {  	v29 =	vadd.s32 s2, v7;
	s2 =	smov.u32 s7;
	s7 =	smov.u32 s5;
	v16 =	vld.idx.msk [tilespmem:v16+s18+$0x0], $0xffff;
	[tilespmem:s21+$0x2060] =	vst v14  }
.Ltmp3:
0x1be: {  	v14 =	vadd.s32 s11, v4;
	v12 =	vld.idx.msk [tilespmem:v23+s18+$0x0], $0xffff;
	[tilespmem:s28+$0xFFFFFFF0] =	vst v21;
	(pc) =	sbr.rel @p1 .LBB2_9-.Ltmp3, $4  }
0x1bf: {  	v20 =	vadd.s32 s1, v2;
	v18 =	vadd.s32 s29, v7;
	s29 =	smov.u32 s11;
	s11 =	smov.u32 s20;
	[tilespmem:s8+$0x2020] =	vst v22;
	v15 =	vld.idx.msk [tilespmem:v25+s18+$0x0], $0xffff  }
0x1c0: {  	[tilespmem:s9+$0x2010] =	vst v19;
	v13 =	vld.idx.msk [tilespmem:v27+s18+$0x0], $0xffff  }
0x1c1: {  	v22 =	vadd.s32 s17, v4;
	[tilespmem:s14+$0x2020] =	vst v26;
	v21 =	vld.idx.msk [tilespmem:v28+s18+$0x0], $0xffff  }
0x1c2: {  	v23 =	vadd.s32 s12, v4;
	[tilespmem:s30+$0x2030] =	vst v24;
	v19 =	vld.idx.msk [tilespmem:v29+s18+$0x0], $0xffff  }
0x1c3: {  	_ =	sdelay $0x1  }
0x1c4: {  	[tilespmem:s0+$0x2030] =	vst v17  }
0x1c5: {  	[tilespmem:s10+$0x2000] =	vst v10  }
0x1c6: {  	v23 =	vld.idx.msk [tilespmem:v23+s18+$0x0], $0xffff;
	[tilespmem:s15+$0x2060] =	vst v16  }
0x1c7: {  	[tilespmem:s24+$0xFFFFFFB0] =	vst v12;
	v22 =	vld.idx.msk [tilespmem:v22+s18+$0x0], $0xffff  }
0x1c8: {  	v24 =	vadd.s32 s17, v5;
	v20 =	vld.idx.msk [tilespmem:v20+s18+$0x0], $0xffff;
	[tilespmem:s6+$0x2070] =	vst v15  }
0x1c9: {  	v29 =	vadd.s32 s4, v3;
	v14 =	vld.idx.msk [tilespmem:v14+s18+$0x0], $0xffff;
	[tilespmem:s8+$0x2030] =	vst v13  }
0x1ca: {  	v32 =	vadd.s32 s11, v3;
	v10 =	vld.idx.msk [tilespmem:v11+s18+$0x0], $0xffff;
	[tilespmem:s28+$0x0] =	vst v21  }
0x1cb: {  	v60 =	vadd.s32 s12, v5;
	v18 =	vld.idx.msk [tilespmem:v18+s18+$0x0], $0xffff;
	[tilespmem:s21+$0x2070] =	vst v19  }
0x1cc: {  	v30 =	vadd.s32 s1, v3;
	v9 =	vld.idx.msk [tilespmem:v9+s18+$0x0], $0xffff;
	[tilespmem:s0+$0x2040] =	vst v22  }
0x1cd: {  	[tilespmem:s22+$0xFFFFFFD0] =	vst v23;
	v62 =	vld.idx.msk [tilespmem:v24+s18+$0x0], $0xffff;
	v24 =	vadd.s32 s7, v2  }
0x1ce: {  	v40 =	vadd.s32 s29, v5;
	[tilespmem:s9+$0x2020] =	vst v20;
	v34 =	vld.idx.msk [tilespmem:v29+s18+$0x0], $0xffff  }
0x1cf: {  	v37 =	vld.idx.msk [tilespmem:v32+s18+$0x0], $0xffff;
	[tilespmem:s30+$0x2040] =	vst v14  }
0x1d0: {  	v39 =	vadd.s32 s2, v5;
	v17 =	vld.idx.msk [tilespmem:v60+s18+$0x0], $0xffff;
	[tilespmem:s10+$0x2010] =	vst v10  }
0x1d1: {  	v35 =	vadd.s32 s4, v4;
	[tilespmem:s15+$0x2070] =	vst v18;
	v10 =	vld.idx.msk [tilespmem:v30+s18+$0x0], $0xffff  }
0x1d2: {  	v61 =	vadd.s32 s12, v6;
	[tilespmem:s8+$0x2040] =	vst v9;
	v11 =	vld.idx.msk [tilespmem:v24+s18+$0x0], $0xffff  }
0x1d3: {  	v31 =	vadd.s32 s7, v3;
	v15 =	vld.idx.msk [tilespmem:v40+s18+$0x0], $0xffff;
	[tilespmem:s24+$0xFFFFFFC0] =	vst v34  }
0x1d4: {  	v38 =	vadd.s32 s11, v4;
	[tilespmem:s14+$0x2030] =	vst v37  }
0x1d5: {  	v36 =	vadd.s32 s1, v4;
	v47 =	vld.idx.msk [tilespmem:v39+s18+$0x0], $0xffff;
	[tilespmem:s22+$0xFFFFFFE0] =	vst v17  }
0x1d6: {  	v50 =	vadd.s32 s29, v6;
	[tilespmem:s9+$0x2030] =	vst v10;
	v41 =	vld.idx.msk [tilespmem:v35+s18+$0x0], $0xffff  }
0x1d7: {  	v63 =	vadd.s32 s17, v6;
	v25 =	vld.idx.msk [tilespmem:v61+s18+$0x0], $0xffff;
	[tilespmem:s10+$0x2020] =	vst v11  }
0x1d8: {  	v26 =	vadd.s32 s12, v7;
	[tilespmem:s30+$0x2050] =	vst v15;
	v16 =	vld.idx.msk [tilespmem:v31+s18+$0x0], $0xffff  }
0x1d9: {  	v45 =	vld.idx.msk [tilespmem:v38+s18+$0x0], $0xffff;
	[tilespmem:s0+$0x2050] =	vst v62  }
0x1da: {  	v43 =	vadd.s32 s4, v5;
	v42 =	vld.idx.msk [tilespmem:v36+s18+$0x0], $0xffff;
	[tilespmem:s8+$0x2050] =	vst v47  }
0x1db: {  	v48 =	vadd.s32 s11, v5;
	v10 =	vld.idx.msk [tilespmem:v50+s18+$0x0], $0xffff;
	[tilespmem:s24+$0xFFFFFFD0] =	vst v41  }
0x1dc: {  	v44 =	vadd.s32 s1, v5;
	v27 =	vld.idx.msk [tilespmem:v63+s18+$0x0], $0xffff;
	[tilespmem:s22+$0xFFFFFFF0] =	vst v25  }
0x1dd: {  	v49 =	vadd.s32 s2, v6;
	v17 =	vld.idx.msk [tilespmem:v26+s18+$0x0], $0xffff;
	[tilespmem:s10+$0x2030] =	vst v16  }
0x1de: {  	v56 =	vadd.s32 s29, v7;
	[tilespmem:s14+$0x2040] =	vst v45;
	v8 =	vld.idx.msk [tilespmem:v8+s18+$0x0], $0xffff  }
0x1df: {  	v46 =	vadd.s32 s7, v5;
	[tilespmem:s9+$0x2040] =	vst v42;
	v51 =	vld.idx.msk [tilespmem:v43+s18+$0x0], $0xffff  }
0x1e0: {  	v28 =	vadd.s32 s17, v7;
	v14 =	vld.idx.msk [tilespmem:v48+s18+$0x0], $0xffff;
	[tilespmem:s30+$0x2060] =	vst v10  }
0x1e1: {  	v54 =	vadd.s32 s11, v6;
	[tilespmem:s0+$0x2060] =	vst v27;
	v13 =	vld.idx.msk [tilespmem:v44+s18+$0x0], $0xffff  }
0x1e2: {  	v52 =	vadd.s32 s1, v6;
	[tilespmem:s22+$0x0] =	vst v17;
	v17 =	vld.idx.msk [tilespmem:v49+s18+$0x0], $0xffff  }
0x1e3: {  	v55 =	vadd.s32 s2, v7;
	v10 =	vld.idx.msk [tilespmem:v56+s18+$0x0], $0xffff;
	[tilespmem:s10+$0x2040] =	vst v8  }
0x1e4: {  	[tilespmem:s24+$0xFFFFFFE0] =	vst v51;
	v8 =	vadd.s32 s4, v6;
	v12 =	vld.idx.msk [tilespmem:v46+s18+$0x0], $0xffff  }
0x1e5: {  	v53 =	vadd.s32 s7, v6;
	v33 =	vld.idx.msk [tilespmem:v28+s18+$0x0], $0xffff;
	[tilespmem:s14+$0x2050] =	vst v14  }
0x1e6: {  	[tilespmem:s9+$0x2050] =	vst v13;
	v15 =	vld.idx.msk [tilespmem:v54+s18+$0x0], $0xffff  }
0x1e7: {  	v16 =	vld.idx.msk [tilespmem:v52+s18+$0x0], $0xffff;
	[tilespmem:s8+$0x2060] =	vst v17  }
0x1e8: {  	[tilespmem:s30+$0x2070] =	vst v10;
	v18 =	vld.idx.msk [tilespmem:v55+s18+$0x0], $0xffff  }
0x1e9: {  	v58 =	vadd.s32 s1, v7;
	v8 =	vld.idx.msk [tilespmem:v8+s18+$0x0], $0xffff;
	[tilespmem:s10+$0x2050] =	vst v12  }
0x1ea: {  	v60 =	vadd.s32 s11, v7;
	[tilespmem:s0+$0x2070] =	vst v33;
	v9 =	vld.idx.msk [tilespmem:v53+s18+$0x0], $0xffff  }
0x1eb: {  	v57 =	vadd.s32 s4, v7;
	[tilespmem:s14+$0x2060] =	vst v15  }
0x1ec: {  	v59 =	vadd.s32 s7, v7;
	[tilespmem:s9+$0x2060] =	vst v16  }
0x1ed: {  	[tilespmem:s8+$0x2070] =	vst v18  }
0x1ee: {  	v61 =	vld.idx.msk [tilespmem:v58+s18+$0x0], $0xffff;
	[tilespmem:s24+$0xFFFFFFF0] =	vst v8  }
0x1ef: {  	s29 =	rddreg [dreg:$0x2];
	v63 =	vld.idx.msk [tilespmem:v60+s18+$0x0], $0xffff;
	[tilespmem:s10+$0x2060] =	vst v9  }
0x1f0: {  	v8 =	vld.idx.msk [tilespmem:v57+s18+$0x0], $0xffff;
	s0 =	rddreg [dreg:$0x5]  }
0x1f1: {  	s25 =	sadd.s32 $0x1, s25;
	v62 =	vld.idx.msk [tilespmem:v59+s18+$0x0], $0xffff;
	s23 =	rddreg [dreg:$0xe]  }
0x1f2: {  	p1 =	sne.s32 s25, $0x190;
	s0 =	sadd.s32 s0, s23;
	s2 =	sshll.u32 s23, $0x11  }
.Ltmp4:
0x1f3: {  	[tilespmem:s9+$0x2070] =	vst v61;
	s28 =	sshll.u32 s0, $0xA;
	s0 =	sshll.u32 s0, $0x4;
	(pc) =	sbr.rel @p1 .LBB2_2-.Ltmp4, $4  }
0x1f4: {  	[tilespmem:s14+$0x2070] =	vst v63;
	s2 =	sand.u32 $0xE0000, s2;
	s1 =	sand.u32 $0xFF00000, s28;
	s0 =	sand.u32 $0x3F80, s0  }
0x1f5: {  	s31 =	simm.s32 $0x20000;
	[tilespmem:s24+$0x0] =	vst v8;
	s1 =	sor.u32 s1, s2;
	s0 =	sadd.s32 s29, s0  }
0x1f6: {  	s3 =	simm.s32 $0x8580;
	s30 =	simm.s32 $0x400;
	[tilespmem:s10+$0x2070] =	vst v62;
	s0 =	sadd.s32 s1, s0  }
0x1f7: {  	[hbm4b:s0+s30] =	stream.strided.scatter [tilespmem:s3], [sflag:$0x3], $0x2000, s31, s30, $0x38;
	[tilespmem:$0xB580] =	vst v63  }
0x1f8: {  	s1 =	simm.s32 $0x3  }
0x1f9: {  	_ =	swait.ge [sflag:s1], $0x2000  }
0x1fa: {  	[sflag:s1] =	ssyncset.done $0x0  }
0x1fb: {  	[sflag:s1] =	ssyncadd.s32 $0xFFFFE000  }
0x1fc: {  	_ =	swait.ge [sflag:s1], $0x2000  }
0x1fd: {  	s2 =	rddreg [dreg:$0xd]  }
0x1fe: {  	s0 =	rddreg [dreg:$0xb];
	s2 =	sadd.s32 $0x1, s2  }
0x1ff: {  	p1 =	sne.s32 s2, s0  }
.Ltmp5:
0x200: {  	_ = 	snop;
	(pc) =	sbr.rel @p1 .LBB2_1-.Ltmp5, $3  }
0x201: {  	_ =	sdelay $0x1  }
0x202: {  	[sflag:s1] =	ssyncset.done $0x0  }
0x203: {  	[sflag:s1] =	ssyncadd.s32 $0xFFFFE000  }
0x204: {  	_ =	sfence.sel $0x180000  }
0x205: {  	[bflag:$0x0] =	sbarrier.arrive $0xFFFF  }
0x206: {  	_ =	strace $0x9000004A  }
0x207: {  	[bflag:$0x2] =	sbarrier.arrive $0xFFFF  }
0x208: {  	s0 =	rddreg [dreg:$0x4]  }
0x209: {  	s0 =	sadd.s32 @!p0 $0x100000, s0  }
0x20a: {  	[sflag:s0] =	ssyncadd.tile.s32 @!p0 $0x1;
	_ =	shalt  }
.Lfunc_end2:
_tile_overlayer_lowered:
.L_overlay_start_2:
0x20b: {  	(tag) =	ssettag $0x2  }
0x20c: {  	s0 =	rddreg [dreg:$0x0];
	s2 =	stileid.u32  }
0x20d: {  	s1 =	rddreg [dreg:$0x1];
	p0 =	sne.s32 s2, $0x0  }
0x20e: {  	s3 =	rddreg [dreg:$0x2];
	[bflag:$0x3] =	sbarrier.arrive $0xFFFF;
	s2 =	simm.s32 @!p0 $0x1C04  }
0x20f: {  	[timem:s3], [sflag:s2] =	dma.local @!p0 [hbm:s0], s1  }
0x210: {  	s0 =	simm.s32 @!p0 $0x4  }
0x211: {  	_ =	swait.ge @!p0 [sflag:s0], s1  }
0x212: {  	s1 =	ssub.s32 @!p0 $0x0, s1;
	[sflag:s0] =	ssyncset.done @!p0 $0x0  }
0x213: {  	[sflag:s0] =	ssyncadd.s32 @!p0 s1  }
0x214: {  	[bflag:$0x3] =	sbarrier.arrive $0xFFFF  }
0x215: {  	_ =	shalt  }

</sc_bundles>
